<compile_context>
chip_gen: v7x
topology: tpu7x:2x2x1
jax: 0.10.2.dev20260603
libtpu: 0.0.44.dev20260713+nightly
codegen_flags: <defaults>
</compile_context>

<pallas_src>
import functools

import jax
import jax.numpy as jnp
from jax import lax
from jax.experimental import pallas as pl
from jax.experimental.pallas import tpu as pltpu
from jax.experimental.pallas import tpu_sc as plsc

N_SRC_ROWS = 5000
NNODE = 10000
NEDGE = 320000
HD = 128
NC = 2
NS = 16
NW = NC * NS
EPW = NEDGE // NW
CH = 96
PADW = 80
EPWP = EPW + PADW
NCHK = EPWP // CH
NSB = 5
SB = NCHK // NSB
NDUM = 256
NND = NNODE + NDUM
RPTA = 624
TAIL = NNODE - NS * RPTA
CW = 16
ROWB = 5000
GRID = NNODE // ROWB
PROJB = 1000
PGRID = NNODE // PROJB



def _make_sc_agg(with_count: bool):
    mesh = plsc.VectorSubcoreMesh(
        core_axis_name="c", subcore_axis_name="s",
        num_cores=NC, num_subcores=NS)
    out_type = [jax.ShapeDtypeStruct((NC, NNODE, HD), jnp.float32)]
    scratch = [
        pltpu.VMEM((SB, CH), jnp.int32),
        pltpu.VMEM((SB, CH), jnp.int32),
        pltpu.VMEM((CH, HD), jnp.float32),
        pltpu.VMEM((CH, HD), jnp.float32),
        pltpu.VMEM((CH, HD), jnp.float32),
        pltpu.VMEM_SHARED((NND, HD), jnp.float32),
        pltpu.SemaphoreType.DMA,
        pltpu.SemaphoreType.DMA,
        pltpu.SemaphoreType.DMA,
    ]
    if with_count:
        out_type.append(jax.ShapeDtypeStruct((NNODE,), jnp.float32))
        out_type.append(jax.ShapeDtypeStruct((NNODE,), jnp.float32))
        scratch += [
            pltpu.VMEM((CH,), jnp.float32),
            pltpu.VMEM_SHARED((NND,), jnp.float32),
            pltpu.VMEM((RPTA,), jnp.float32),
        ]

    def body(*refs):
        if with_count:
            (x_hbm, srcw, dstw, zf_hbm, zc_hbm, ones_hbm, out_hbm,
             cnt0_hbm, cnt1_hbm,
             sidx, didx, bufa, bufb, bufc, acc, sema, semb, semc,
             onesb, accc, cbuf) = refs
        else:
            (x_hbm, srcw, dstw, zf_hbm, out_hbm,
             sidx, didx, bufa, bufb, bufc, acc, sema, semb, semc) = refs
        cid = lax.axis_index("c")
        sid = lax.axis_index("s")
        wid = sid * NC + cid

        base = sid * RPTA
        tail = NS * RPTA
        pltpu.sync_copy(zf_hbm.at[pl.ds(base, RPTA)],
                        acc.at[pl.ds(base, RPTA)])
        if with_count:
            pltpu.sync_copy(zc_hbm.at[pl.ds(base, RPTA)], cbuf)
            pltpu.sync_copy(cbuf, accc.at[pl.ds(base, RPTA)])
            pltpu.sync_copy(ones_hbm, onesb)

        @pl.when(sid == NS - 1)
        def _zero_tail():
            pltpu.sync_copy(zf_hbm.at[pl.ds(tail, TAIL)],
                            acc.at[pl.ds(tail, TAIL)])
            if with_count:
                pltpu.sync_copy(cbuf.at[pl.ds(0, TAIL)],
                                accc.at[pl.ds(tail, TAIL)])

        plsc.subcore_barrier()

        def fire(buf, sem, j):
            pltpu.async_copy(x_hbm.at[sidx.at[j]], buf, sem)

        def wait(buf, sem):
            pltpu.make_async_copy(x_hbm.at[sidx.at[0]], buf, sem).wait()

        def scat(buf, j):
            pltpu.sync_copy(buf, acc.at[didx.at[j]], add=True)
            if with_count:
                pltpu.sync_copy(onesb, accc.at[didx.at[j]], add=True)

        assert SB % 3 == 0
        def super_body(sb, carry):
            pltpu.sync_copy(srcw.at[wid, sb], sidx)
            pltpu.sync_copy(dstw.at[wid, sb], didx)
            fire(bufa, sema, 0)
            fire(bufb, semb, 1)

            def trip(jj, c):
                t = jj * 3
                fire(bufc, semc, t + 2)
                wait(bufa, sema)
                scat(bufa, t)
                fire(bufa, sema, t + 3)
                wait(bufb, semb)
                scat(bufb, t + 1)
                fire(bufb, semb, t + 4)
                wait(bufc, semc)
                scat(bufc, t + 2)
                return c

            lax.fori_loop(0, (SB - 3) // 3, trip, 0)
            fire(bufc, semc, SB - 1)
            wait(bufa, sema)
            scat(bufa, SB - 3)
            wait(bufb, semb)
            scat(bufb, SB - 2)
            wait(bufc, semc)
            scat(bufc, SB - 1)
            return carry

        lax.fori_loop(0, NSB, super_body, 0)

        plsc.subcore_barrier()
        pltpu.sync_copy(acc.at[pl.ds(base, RPTA)],
                        out_hbm.at[cid, pl.ds(base, RPTA)])
        if with_count:
            pltpu.sync_copy(accc.at[pl.ds(base, RPTA)], cbuf)

            @pl.when(cid == 0)
            def _write_cnt0():
                pltpu.sync_copy(cbuf, cnt0_hbm.at[pl.ds(base, RPTA)])

            @pl.when(cid == 1)
            def _write_cnt1():
                pltpu.sync_copy(cbuf, cnt1_hbm.at[pl.ds(base, RPTA)])

        @pl.when(sid == NS - 1)
        def _write_tail():
            pltpu.sync_copy(acc.at[pl.ds(tail, TAIL)],
                            out_hbm.at[cid, pl.ds(tail, TAIL)])
            if with_count:
                pltpu.sync_copy(accc.at[pl.ds(tail, TAIL)],
                                cbuf.at[pl.ds(0, TAIL)])

                @pl.when(cid == 0)
                def _write_cnt0_tail():
                    pltpu.sync_copy(cbuf.at[pl.ds(0, TAIL)],
                                    cnt0_hbm.at[pl.ds(tail, TAIL)])

                @pl.when(cid == 1)
                def _write_cnt1_tail():
                    pltpu.sync_copy(cbuf.at[pl.ds(0, TAIL)],
                                    cnt1_hbm.at[pl.ds(tail, TAIL)])

    return pl.kernel(body, out_type=out_type, mesh=mesh,
                     scratch_types=scratch)


_sc_agg_count = _make_sc_agg(True)
_sc_agg_plain = _make_sc_agg(False)



_HALF_BLKS = N_SRC_ROWS // PROJB


def _proj_body(xs_ref, xt_ref, ws_ref, bs_ref, wt_ref, bt_ref, o_ref):
    use_src = pl.program_id(0) < _HALF_BLKS
    x = jnp.where(use_src, xs_ref[...], xt_ref[...])
    w = jnp.where(use_src, ws_ref[...], wt_ref[...])
    b = jnp.where(use_src, bs_ref[...], bt_ref[...])
    o_ref[...] = jnp.dot(x, w, preferred_element_type=jnp.float32) + b


_proj = pl.pallas_call(
    _proj_body,
    grid=(PGRID,),
    in_specs=[
        pl.BlockSpec((PROJB, HD),
                     lambda i: (jnp.minimum(i, _HALF_BLKS - 1), 0)),
        pl.BlockSpec((PROJB, HD),
                     lambda i: (jnp.maximum(i - _HALF_BLKS, 0), 0)),
        pl.BlockSpec((HD, HD), lambda i: (0, 0)),
        pl.BlockSpec((1, HD), lambda i: (0, 0)),
        pl.BlockSpec((HD, HD), lambda i: (0, 0)),
        pl.BlockSpec((1, HD), lambda i: (0, 0)),
    ],
    out_specs=pl.BlockSpec((PROJB, HD), lambda i: (i, 0)),
    out_shape=jax.ShapeDtypeStruct((NNODE, HD), jnp.float32),
)


def _layer_body(relu, p_ref, c0, c1, h_ref, wl, bl, wr, o_ref):
    cnt = jnp.maximum(c0[...] + c1[...], 1.0)
    agg = (p_ref[0] + p_ref[1]) / cnt
    out = (jnp.dot(agg, wl[...], preferred_element_type=jnp.float32)
           + bl[...]
           + jnp.dot(h_ref[...], wr[...], preferred_element_type=jnp.float32))
    o_ref[...] = jnp.maximum(out, 0.0) if relu else out


def _make_layer(relu):
    return pl.pallas_call(
        functools.partial(_layer_body, relu),
        grid=(GRID,),
        in_specs=[
            pl.BlockSpec((2, ROWB, HD), lambda i: (0, i, 0)),
            pl.BlockSpec((ROWB, 1), lambda i: (i, 0)),
            pl.BlockSpec((ROWB, 1), lambda i: (i, 0)),
            pl.BlockSpec((ROWB, HD), lambda i: (i, 0)),
            pl.BlockSpec((HD, HD), lambda i: (0, 0)),
            pl.BlockSpec((1, HD), lambda i: (0, 0)),
            pl.BlockSpec((HD, HD), lambda i: (0, 0)),
        ],
        out_specs=pl.BlockSpec((ROWB, HD), lambda i: (i, 0)),
        out_shape=jax.ShapeDtypeStruct((NNODE, HD), jnp.float32),
    )


_layer0 = _make_layer(True)
_layer1 = _make_layer(False)



def kernel(src_x, tgt_x, edge_index, W_src, b_src, W_tgt, b_tgt,
           Wl0, bl0, Wr0, Wl1, bl1, Wr1):
    apad = jnp.arange(NW * PADW, dtype=jnp.int32)
    pad_src = ((apad * 13) % NNODE).reshape(NW, PADW)
    pad_dst = (NNODE + (apad % NDUM)).reshape(NW, PADW)
    srcw = jnp.concatenate(
        [edge_index[0].reshape(NW, EPW), pad_src], axis=1
    ).reshape(NW, NSB, SB, CH)
    dstw = jnp.concatenate(
        [edge_index[1].reshape(NW, EPW), pad_dst], axis=1
    ).reshape(NW, NSB, SB, CH)
    zf = jnp.zeros((NNODE, HD), jnp.float32)
    zc = jnp.zeros((NNODE,), jnp.float32)
    ones = jnp.ones((CH,), jnp.float32)

    x = _proj(src_x, tgt_x, W_src.T, b_src[None], W_tgt.T, b_tgt[None])
    p, c0, c1 = _sc_agg_count(x, srcw, dstw, zf, zc, ones)
    c0r = c0.reshape(NNODE, 1)
    c1r = c1.reshape(NNODE, 1)
    h1 = _layer0(p, c0r, c1r, x, Wl0.T, bl0[None], Wr0.T)
    (p2,) = _sc_agg_plain(h1, srcw, dstw, zf)
    h2 = _layer1(p2, c0r, c1r, h1, Wl1.T, bl1[None], Wr1.T)
    return h2

# --- scband reference (transcript-rebuilt; emitter-appended) ---
"""Pipeline reference for scband-relation-link-model-73856257622347 (READ-ONLY COPY).

The authoritative reference and input builder live on the scoring server;
editing this copy changes nothing except your own understanding.
"""

import jax, jax.numpy as jnp
import numpy as np

N_SRC = 5000
N_TGT = 5000
N = N_SRC + N_TGT
E = 320000
D = 128
H = 128
NUM_LAYERS = 2


def setup_inputs(seed: int = 0) -> dict:
    key = jax.random.key(seed)
    ks = jax.random.split(key, 16)
    s = 1.0 / np.sqrt(D)
    sh = 1.0 / np.sqrt(H)
    inp = {}
    inp['src_x'] = jax.random.normal(ks[0], (N_SRC, D), dtype=jnp.float32)
    inp['tgt_x'] = jax.random.normal(ks[1], (N_TGT, D), dtype=jnp.float32)
    inp['edge_index'] = jax.random.randint(ks[2], (2, E), 0, N, dtype=jnp.int32)
    inp['W_src'] = jax.random.normal(ks[3], (H, D), dtype=jnp.float32) * s
    inp['b_src'] = jnp.zeros((H,), dtype=jnp.float32)
    inp['W_tgt'] = jax.random.normal(ks[4], (H, D), dtype=jnp.float32) * s
    inp['b_tgt'] = jnp.zeros((H,), dtype=jnp.float32)
    inp['Wl0'] = jax.random.normal(ks[5], (H, H), dtype=jnp.float32) * sh
    inp['bl0'] = jnp.zeros((H,), dtype=jnp.float32)
    inp['Wr0'] = jax.random.normal(ks[6], (H, H), dtype=jnp.float32) * sh
    inp['Wl1'] = jax.random.normal(ks[7], (H, H), dtype=jnp.float32) * sh
    inp['bl1'] = jnp.zeros((H,), dtype=jnp.float32)
    inp['Wr1'] = jax.random.normal(ks[8], (H, H), dtype=jnp.float32) * sh
    return inp


def _sage_conv(h, src, dst, Wl, bl, Wr):
    # PyG SAGEConv semantics: out = lin_l(mean_{j in N(i)} h_j) + lin_r(h_i)
    msgs = h[src]  # gather
    agg = jax.ops.segment_sum(msgs, dst, num_segments=N)
    cnt = jax.ops.segment_sum(jnp.ones((msgs.shape[0], 1), dtype=h.dtype), dst, num_segments=N)
    agg = agg / jnp.clip(cnt, 1.0)
    return agg @ Wl.T + bl + h @ Wr.T


def reference(src_x, tgt_x, edge_index, W_src, b_src, W_tgt, b_tgt, Wl0, bl0, Wr0, Wl1, bl1, Wr1):
    x = jnp.concatenate([src_x @ W_src.T + b_src, tgt_x @ W_tgt.T + b_tgt], axis=0)
    src = edge_index[0]
    dst = edge_index[1]
    h = x
    layers = [(Wl0, bl0, Wr0), (Wl1, bl1, Wr1)]
    for i, (Wl, bl, Wr) in enumerate(layers):
        h = _sage_conv(h, src, dst, Wl, bl, Wr)
        if i + 1 < NUM_LAYERS:
            h = jax.nn.relu(h)
            # dropout is identity in eval mode
    return h

if __name__ == "__main__":
    import jax
    _d = setup_inputs()
    print(jax.jit(kernel)(*tuple(_d.values())))

</pallas_src>

<mosaic_0001>
#map = affine_map<(d0, d1) -> (0, 0)>
#map1 = affine_map<(d0, d1) -> (0, 0, 0, 0)>
#map2 = affine_map<(d0, d1) -> (0)>
#map3 = affine_map<(d0, d1) -> (0, 0, 0)>
module attributes {stable_mosaic.version = 14 : i64} {
  func.func @body(%arg0: i32, %arg1: i32, %arg2: memref<10000x128xf32, #tpu.memory_space<hbm>>, %arg3: memref<32x5x21x96xi32, #tpu.memory_space<hbm>>, %arg4: memref<32x5x21x96xi32, #tpu.memory_space<hbm>>, %arg5: memref<10000x128xf32, #tpu.memory_space<hbm>>, %arg6: memref<10000xf32, #tpu.memory_space<hbm>>, %arg7: memref<96xf32, #tpu.memory_space<hbm>>, %arg8: memref<2x10000x128xf32, #tpu.memory_space<hbm>>, %arg9: memref<10000xf32, #tpu.memory_space<hbm>>, %arg10: memref<10000xf32, #tpu.memory_space<hbm>>, %arg11: memref<21x96xi32, #tpu.memory_space<vmem>>, %arg12: memref<21x96xi32, #tpu.memory_space<vmem>>, %arg13: memref<96x128xf32, #tpu.memory_space<vmem>>, %arg14: memref<96x128xf32, #tpu.memory_space<vmem>>, %arg15: memref<96x128xf32, #tpu.memory_space<vmem>>, %arg16: memref<10256x128xf32, #tpu.memory_space<vmem_shared>>, %arg17: memref<!tpu.dma_semaphore, #tpu.memory_space<semaphore_mem>>, %arg18: memref<!tpu.dma_semaphore, #tpu.memory_space<semaphore_mem>>, %arg19: memref<!tpu.dma_semaphore, #tpu.memory_space<semaphore_mem>>, %arg20: memref<96xf32, #tpu.memory_space<vmem>>, %arg21: memref<10256xf32, #tpu.memory_space<vmem_shared>>, %arg22: memref<624xf32, #tpu.memory_space<vmem>>) attributes {dimension_semantics = [#tpu.dimension_semantics<core_parallel>, #tpu.dimension_semantics<subcore_parallel>], iteration_bounds = array<i64: 2, 16>, scalar_prefetch = 0 : i64, scratch_operands = 12 : i64, tpu.core_type = #tpu.core_type<sc_vector_subcore>, window_params = [{transform_indices = #map}, {transform_indices = #map1}, {transform_indices = #map1}, {transform_indices = #map}, {transform_indices = #map2}, {transform_indices = #map2}, {transform_indices = #map3}, {transform_indices = #map2}, {transform_indices = #map2}]} {
    %mul3A = arith.constant 2 : i32
    %mul3A_0 = arith.muli %arg1, %mul3A : i32
    %add3A = arith.addi %mul3A_0, %arg0 : i32
    %mul3A_1 = arith.constant 624 : i32
    %mul3A_2 = arith.muli %arg1, %mul3A_1 : i32
    "tpu.region"() ({
      %run_scoped3A = tpu.sem_alloc : memref<!tpu.dma_semaphore, #tpu.memory_space<semaphore_mem>>
      %dma_start3A = arith.constant 0 : i32
      %dma_start3A_26 = tpu.memref_slice %arg16[%mul3A_2, %dma_start3A] : memref<10256x128xf32, #tpu.memory_space<vmem_shared>> -> memref<624x128xf32, #tpu.memory_space<vmem_shared>>
      %dma_start3A_27 = arith.constant 0 : i32
      %dma_start3A_28 = tpu.memref_slice %arg5[%mul3A_2, %dma_start3A_27] : memref<10000x128xf32, #tpu.memory_space<hbm>> -> memref<624x128xf32, #tpu.memory_space<hbm>>
      tpu.enqueue_dma source(%dma_start3A_28 : memref<624x128xf32, #tpu.memory_space<hbm>>) target(%dma_start3A_26 : memref<624x128xf32, #tpu.memory_space<vmem_shared>>) target_semaphore(%run_scoped3A : memref<!tpu.dma_semaphore, #tpu.memory_space<semaphore_mem>>)
      %dma_wait3A = arith.constant 0 : i32
      %dma_wait3A_29 = tpu.memref_slice %arg16[%mul3A_2, %dma_wait3A] : memref<10256x128xf32, #tpu.memory_space<vmem_shared>> -> memref<624x128xf32, #tpu.memory_space<vmem_shared>>
      %dma_wait3A_30 = arith.constant 0 : i32
      %dma_wait3A_31 = tpu.memref_slice %arg5[%mul3A_2, %dma_wait3A_30] : memref<10000x128xf32, #tpu.memory_space<hbm>> -> memref<624x128xf32, #tpu.memory_space<hbm>>
      tpu.wait_dma2 semaphore(%run_scoped3A : memref<!tpu.dma_semaphore, #tpu.memory_space<semaphore_mem>>) src(%dma_wait3A_31 : memref<624x128xf32, #tpu.memory_space<hbm>>) dst(%dma_wait3A_29 : memref<624x128xf32, #tpu.memory_space<vmem_shared>>)
      tpu.yield
    }) : () -> ()
    "tpu.region"() ({
      %run_scoped3A = tpu.sem_alloc : memref<!tpu.dma_semaphore, #tpu.memory_space<semaphore_mem>>
      %dma_start3A = tpu.memref_slice %arg6[%mul3A_2] : memref<10000xf32, #tpu.memory_space<hbm>> -> memref<624xf32, #tpu.memory_space<hbm>>
      %dma_start3A_26 = tpu.memref_slice %arg6[%mul3A_2] : memref<10000xf32, #tpu.memory_space<hbm>> -> memref<624xf32, #tpu.memory_space<hbm>>
      tpu.enqueue_dma source(%dma_start3A_26 : memref<624xf32, #tpu.memory_space<hbm>>) target(%arg22 : memref<624xf32, #tpu.memory_space<vmem>>) target_semaphore(%run_scoped3A : memref<!tpu.dma_semaphore, #tpu.memory_space<semaphore_mem>>)
      %dma_wait3A = tpu.memref_slice %arg6[%mul3A_2] : memref<10000xf32, #tpu.memory_space<hbm>> -> memref<624xf32, #tpu.memory_space<hbm>>
      %dma_wait3A_27 = tpu.memref_slice %arg6[%mul3A_2] : memref<10000xf32, #tpu.memory_space<hbm>> -> memref<624xf32, #tpu.memory_space<hbm>>
      tpu.wait_dma2 semaphore(%run_scoped3A : memref<!tpu.dma_semaphore, #tpu.memory_space<semaphore_mem>>) src(%dma_wait3A_27 : memref<624xf32, #tpu.memory_space<hbm>>) dst(%arg22 : memref<624xf32, #tpu.memory_space<vmem>>)
      tpu.yield
    }) : () -> ()
    "tpu.region"() ({
      %run_scoped3A = tpu.sem_alloc : memref<!tpu.dma_semaphore, #tpu.memory_space<semaphore_mem>>
      %dma_start3A = tpu.memref_slice %arg21[%mul3A_2] : memref<10256xf32, #tpu.memory_space<vmem_shared>> -> memref<624xf32, #tpu.memory_space<vmem_shared>>
      %dma_start3A_26 = tpu.memref_slice %arg21[%mul3A_2] : memref<10256xf32, #tpu.memory_space<vmem_shared>> -> memref<624xf32, #tpu.memory_space<vmem_shared>>
      tpu.enqueue_dma source(%arg22 : memref<624xf32, #tpu.memory_space<vmem>>) target(%dma_start3A_26 : memref<624xf32, #tpu.memory_space<vmem_shared>>) target_semaphore(%run_scoped3A : memref<!tpu.dma_semaphore, #tpu.memory_space<semaphore_mem>>)
      %dma_wait3A = tpu.memref_slice %arg21[%mul3A_2] : memref<10256xf32, #tpu.memory_space<vmem_shared>> -> memref<624xf32, #tpu.memory_space<vmem_shared>>
      %dma_wait3A_27 = tpu.memref_slice %arg21[%mul3A_2] : memref<10256xf32, #tpu.memory_space<vmem_shared>> -> memref<624xf32, #tpu.memory_space<vmem_shared>>
      tpu.wait_dma2 semaphore(%run_scoped3A : memref<!tpu.dma_semaphore, #tpu.memory_space<semaphore_mem>>) src(%arg22 : memref<624xf32, #tpu.memory_space<vmem>>) dst(%dma_wait3A_27 : memref<624xf32, #tpu.memory_space<vmem_shared>>)
      tpu.yield
    }) : () -> ()
    "tpu.region"() ({
      %run_scoped3A = tpu.sem_alloc : memref<!tpu.dma_semaphore, #tpu.memory_space<semaphore_mem>>
      tpu.enqueue_dma source(%arg7 : memref<96xf32, #tpu.memory_space<hbm>>) target(%arg20 : memref<96xf32, #tpu.memory_space<vmem>>) target_semaphore(%run_scoped3A : memref<!tpu.dma_semaphore, #tpu.memory_space<semaphore_mem>>)
      tpu.wait_dma2 semaphore(%run_scoped3A : memref<!tpu.dma_semaphore, #tpu.memory_space<semaphore_mem>>) src(%arg7 : memref<96xf32, #tpu.memory_space<hbm>>) dst(%arg20 : memref<96xf32, #tpu.memory_space<vmem>>)
      tpu.yield
    }) : () -> ()
    %eq3A = arith.constant 15 : i32
    %eq3A_3 = arith.cmpi eq, %arg1, %eq3A : i32
    %convert_element_type3A = arith.extui %eq3A_3 : i1 to i32
    %cond3A = arith.constant 0 : i32
    %cond3A_4 = arith.cmpi ne, %convert_element_type3A, %cond3A : i32
    scf.if %cond3A_4 {
      "tpu.region"() ({
        %run_scoped3A = tpu.sem_alloc : memref<!tpu.dma_semaphore, #tpu.memory_space<semaphore_mem>>
        %dma_start3A = arith.constant 9984 : i32
        %dma_start3A_26 = arith.constant 0 : i32
        %dma_start3A_27 = tpu.memref_slice %arg16[%dma_start3A, %dma_start3A_26] : memref<10256x128xf32, #tpu.memory_space<vmem_shared>> -> memref<16x128xf32, #tpu.memory_space<vmem_shared>>
        %dma_start3A_28 = arith.constant 9984 : i32
        %dma_start3A_29 = arith.constant 0 : i32
        %dma_start3A_30 = tpu.memref_slice %arg5[%dma_start3A_28, %dma_start3A_29] : memref<10000x128xf32, #tpu.memory_space<hbm>> -> memref<16x128xf32, #tpu.memory_space<hbm>>
        tpu.enqueue_dma source(%dma_start3A_30 : memref<16x128xf32, #tpu.memory_space<hbm>>) target(%dma_start3A_27 : memref<16x128xf32, #tpu.memory_space<vmem_shared>>) target_semaphore(%run_scoped3A : memref<!tpu.dma_semaphore, #tpu.memory_space<semaphore_mem>>)
        %dma_wait3A = arith.constant 9984 : i32
        %dma_wait3A_31 = arith.constant 0 : i32
        %dma_wait3A_32 = tpu.memref_slice %arg16[%dma_wait3A, %dma_wait3A_31] : memref<10256x128xf32, #tpu.memory_space<vmem_shared>> -> memref<16x128xf32, #tpu.memory_space<vmem_shared>>
        %dma_wait3A_33 = arith.constant 9984 : i32
        %dma_wait3A_34 = arith.constant 0 : i32
        %dma_wait3A_35 = tpu.memref_slice %arg5[%dma_wait3A_33, %dma_wait3A_34] : memref<10000x128xf32, #tpu.memory_space<hbm>> -> memref<16x128xf32, #tpu.memory_space<hbm>>
        tpu.wait_dma2 semaphore(%run_scoped3A : memref<!tpu.dma_semaphore, #tpu.memory_space<semaphore_mem>>) src(%dma_wait3A_35 : memref<16x128xf32, #tpu.memory_space<hbm>>) dst(%dma_wait3A_32 : memref<16x128xf32, #tpu.memory_space<vmem_shared>>)
        tpu.yield
      }) : () -> ()
      "tpu.region"() ({
        %run_scoped3A = tpu.sem_alloc : memref<!tpu.dma_semaphore, #tpu.memory_space<semaphore_mem>>
        %dma_start3A = arith.constant 0 : i32
        %dma_start3A_26 = tpu.memref_slice %arg22[%dma_start3A] : memref<624xf32, #tpu.memory_space<vmem>> -> memref<16xf32, #tpu.memory_space<vmem>>
        %dma_start3A_27 = arith.constant 9984 : i32
        %dma_start3A_28 = tpu.memref_slice %arg21[%dma_start3A_27] : memref<10256xf32, #tpu.memory_space<vmem_shared>> -> memref<16xf32, #tpu.memory_space<vmem_shared>>
        %dma_start3A_29 = arith.constant 9984 : i32
        %dma_start3A_30 = tpu.memref_slice %arg21[%dma_start3A_29] : memref<10256xf32, #tpu.memory_space<vmem_shared>> -> memref<16xf32, #tpu.memory_space<vmem_shared>>
        %dma_start3A_31 = arith.constant 0 : i32
        %dma_start3A_32 = tpu.memref_slice %arg22[%dma_start3A_31] : memref<624xf32, #tpu.memory_space<vmem>> -> memref<16xf32, #tpu.memory_space<vmem>>
        tpu.enqueue_dma source(%dma_start3A_32 : memref<16xf32, #tpu.memory_space<vmem>>) target(%dma_start3A_30 : memref<16xf32, #tpu.memory_space<vmem_shared>>) target_semaphore(%run_scoped3A : memref<!tpu.dma_semaphore, #tpu.memory_space<semaphore_mem>>)
        %dma_wait3A = arith.constant 0 : i32
        %dma_wait3A_33 = tpu.memref_slice %arg22[%dma_wait3A] : memref<624xf32, #tpu.memory_space<vmem>> -> memref<16xf32, #tpu.memory_space<vmem>>
        %dma_wait3A_34 = arith.constant 9984 : i32
        %dma_wait3A_35 = tpu.memref_slice %arg21[%dma_wait3A_34] : memref<10256xf32, #tpu.memory_space<vmem_shared>> -> memref<16xf32, #tpu.memory_space<vmem_shared>>
        %dma_wait3A_36 = arith.constant 9984 : i32
        %dma_wait3A_37 = tpu.memref_slice %arg21[%dma_wait3A_36] : memref<10256xf32, #tpu.memory_space<vmem_shared>> -> memref<16xf32, #tpu.memory_space<vmem_shared>>
        %dma_wait3A_38 = arith.constant 0 : i32
        %dma_wait3A_39 = tpu.memref_slice %arg22[%dma_wait3A_38] : memref<624xf32, #tpu.memory_space<vmem>> -> memref<16xf32, #tpu.memory_space<vmem>>
        tpu.wait_dma2 semaphore(%run_scoped3A : memref<!tpu.dma_semaphore, #tpu.memory_space<semaphore_mem>>) src(%dma_wait3A_39 : memref<16xf32, #tpu.memory_space<vmem>>) dst(%dma_wait3A_37 : memref<16xf32, #tpu.memory_space<vmem_shared>>)
        tpu.yield
      }) : () -> ()
    } else {
    }
    %barrier3A = arith.constant 0 : index
    tpu.barrier barrier_id(%barrier3A)
    %scan3A = arith.constant 0 : i32
    %scan3A_5 = arith.constant 0 : i32
    %scan3A_6 = arith.constant 5 : i32
    %scan3A_7 = arith.addi %scan3A_5, %scan3A_6 : i32
    %scan3A_8 = arith.constant 1 : i32
    scf.for %scan3A_26 = %scan3A_5 to %scan3A_7 step %scan3A_8  : i32 {
      "tpu.region"() ({
        %run_scoped3A_78 = tpu.sem_alloc : memref<!tpu.dma_semaphore, #tpu.memory_space<semaphore_mem>>
        %dma_start3A_79 = arith.constant 0 : i32
        %dma_start3A_80 = arith.constant 0 : i32
        %dma_start3A_81 = tpu.memref_slice %arg3[%add3A, %scan3A_26, %dma_start3A_79, %dma_start3A_80] : memref<32x5x21x96xi32, #tpu.memory_space<hbm>> -> memref<1x1x21x96xi32, #tpu.memory_space<hbm>>
        %dma_start3A_82 = tpu.memref_squeeze %dma_start3A_81 : memref<1x1x21x96xi32, #tpu.memory_space<hbm>> -> memref<21x96xi32, #tpu.memory_space<hbm>>
        %dma_start3A_83 = arith.constant 0 : i32
        %dma_start3A_84 = arith.constant 0 : i32
        %dma_start3A_85 = tpu.memref_slice %arg3[%add3A, %scan3A_26, %dma_start3A_83, %dma_start3A_84] : memref<32x5x21x96xi32, #tpu.memory_space<hbm>> -> memref<1x1x21x96xi32, #tpu.memory_space<hbm>>
        %dma_start3A_86 = tpu.memref_squeeze %dma_start3A_85 : memref<1x1x21x96xi32, #tpu.memory_space<hbm>> -> memref<21x96xi32, #tpu.memory_space<hbm>>
        tpu.enqueue_dma source(%dma_start3A_86 : memref<21x96xi32, #tpu.memory_space<hbm>>) target(%arg11 : memref<21x96xi32, #tpu.memory_space<vmem>>) target_semaphore(%run_scoped3A_78 : memref<!tpu.dma_semaphore, #tpu.memory_space<semaphore_mem>>)
        %dma_wait3A_87 = arith.constant 0 : i32
        %dma_wait3A_88 = arith.constant 0 : i32
        %dma_wait3A_89 = tpu.memref_slice %arg3[%add3A, %scan3A_26, %dma_wait3A_87, %dma_wait3A_88] : memref<32x5x21x96xi32, #tpu.memory_space<hbm>> -> memref<1x1x21x96xi32, #tpu.memory_space<hbm>>
        %dma_wait3A_90 = tpu.memref_squeeze %dma_wait3A_89 : memref<1x1x21x96xi32, #tpu.memory_space<hbm>> -> memref<21x96xi32, #tpu.memory_space<hbm>>
        %dma_wait3A_91 = arith.constant 0 : i32
        %dma_wait3A_92 = arith.constant 0 : i32
        %dma_wait3A_93 = tpu.memref_slice %arg3[%add3A, %scan3A_26, %dma_wait3A_91, %dma_wait3A_92] : memref<32x5x21x96xi32, #tpu.memory_space<hbm>> -> memref<1x1x21x96xi32, #tpu.memory_space<hbm>>
        %dma_wait3A_94 = tpu.memref_squeeze %dma_wait3A_93 : memref<1x1x21x96xi32, #tpu.memory_space<hbm>> -> memref<21x96xi32, #tpu.memory_space<hbm>>
        tpu.wait_dma2 semaphore(%run_scoped3A_78 : memref<!tpu.dma_semaphore, #tpu.memory_space<semaphore_mem>>) src(%dma_wait3A_94 : memref<21x96xi32, #tpu.memory_space<hbm>>) dst(%arg11 : memref<21x96xi32, #tpu.memory_space<vmem>>)
        tpu.yield
      }) : () -> ()
      "tpu.region"() ({
        %run_scoped3A_78 = tpu.sem_alloc : memref<!tpu.dma_semaphore, #tpu.memory_space<semaphore_mem>>
        %dma_start3A_79 = arith.constant 0 : i32
        %dma_start3A_80 = arith.constant 0 : i32
        %dma_start3A_81 = tpu.memref_slice %arg4[%add3A, %scan3A_26, %dma_start3A_79, %dma_start3A_80] : memref<32x5x21x96xi32, #tpu.memory_space<hbm>> -> memref<1x1x21x96xi32, #tpu.memory_space<hbm>>
        %dma_start3A_82 = tpu.memref_squeeze %dma_start3A_81 : memref<1x1x21x96xi32, #tpu.memory_space<hbm>> -> memref<21x96xi32, #tpu.memory_space<hbm>>
        %dma_start3A_83 = arith.constant 0 : i32
        %dma_start3A_84 = arith.constant 0 : i32
        %dma_start3A_85 = tpu.memref_slice %arg4[%add3A, %scan3A_26, %dma_start3A_83, %dma_start3A_84] : memref<32x5x21x96xi32, #tpu.memory_space<hbm>> -> memref<1x1x21x96xi32, #tpu.memory_space<hbm>>
        %dma_start3A_86 = tpu.memref_squeeze %dma_start3A_85 : memref<1x1x21x96xi32, #tpu.memory_space<hbm>> -> memref<21x96xi32, #tpu.memory_space<hbm>>
        tpu.enqueue_dma source(%dma_start3A_86 : memref<21x96xi32, #tpu.memory_space<hbm>>) target(%arg12 : memref<21x96xi32, #tpu.memory_space<vmem>>) target_semaphore(%run_scoped3A_78 : memref<!tpu.dma_semaphore, #tpu.memory_space<semaphore_mem>>)
        %dma_wait3A_87 = arith.constant 0 : i32
        %dma_wait3A_88 = arith.constant 0 : i32
        %dma_wait3A_89 = tpu.memref_slice %arg4[%add3A, %scan3A_26, %dma_wait3A_87, %dma_wait3A_88] : memref<32x5x21x96xi32, #tpu.memory_space<hbm>> -> memref<1x1x21x96xi32, #tpu.memory_space<hbm>>
        %dma_wait3A_90 = tpu.memref_squeeze %dma_wait3A_89 : memref<1x1x21x96xi32, #tpu.memory_space<hbm>> -> memref<21x96xi32, #tpu.memory_space<hbm>>
        %dma_wait3A_91 = arith.constant 0 : i32
        %dma_wait3A_92 = arith.constant 0 : i32
        %dma_wait3A_93 = tpu.memref_slice %arg4[%add3A, %scan3A_26, %dma_wait3A_91, %dma_wait3A_92] : memref<32x5x21x96xi32, #tpu.memory_space<hbm>> -> memref<1x1x21x96xi32, #tpu.memory_space<hbm>>
        %dma_wait3A_94 = tpu.memref_squeeze %dma_wait3A_93 : memref<1x1x21x96xi32, #tpu.memory_space<hbm>> -> memref<21x96xi32, #tpu.memory_space<hbm>>
        tpu.wait_dma2 semaphore(%run_scoped3A_78 : memref<!tpu.dma_semaphore, #tpu.memory_space<semaphore_mem>>) src(%dma_wait3A_94 : memref<21x96xi32, #tpu.memory_space<hbm>>) dst(%arg12 : memref<21x96xi32, #tpu.memory_space<vmem>>)
        tpu.yield
      }) : () -> ()
      %dma_start3A = arith.constant 0 : i32
      %dma_start3A_27 = arith.constant 0 : i32
      %dma_start3A_28 = tpu.memref_slice %arg11[%dma_start3A, %dma_start3A_27] : memref<21x96xi32, #tpu.memory_space<vmem>> -> memref<1x96xi32, #tpu.memory_space<vmem>>
      %dma_start3A_29 = tpu.memref_squeeze %dma_start3A_28 : memref<1x96xi32, #tpu.memory_space<vmem>> -> memref<96xi32, #tpu.memory_space<vmem>>
      %dma_start3A_30 = arith.constant 0 : i32
      %dma_start3A_31 = arith.constant 0 : i32
      %dma_start3A_32 = tpu.memref_slice %arg2[%dma_start3A_30, %dma_start3A_31] : memref<10000x128xf32, #tpu.memory_space<hbm>> -> memref<10000x128xf32, #tpu.memory_space<hbm>>
      tpu.enqueue_indirect_dma source(%dma_start3A_32 : memref<10000x128xf32, #tpu.memory_space<hbm>>) target(%arg13 : memref<96x128xf32, #tpu.memory_space<vmem>>) offsets(%dma_start3A_29 : memref<96xi32, #tpu.memory_space<vmem>>) semaphore(%arg17 : memref<!tpu.dma_semaphore, #tpu.memory_space<semaphore_mem>>)
      %dma_start3A_33 = arith.constant 1 : i32
      %dma_start3A_34 = arith.constant 0 : i32
      %dma_start3A_35 = tpu.memref_slice %arg11[%dma_start3A_33, %dma_start3A_34] : memref<21x96xi32, #tpu.memory_space<vmem>> -> memref<1x96xi32, #tpu.memory_space<vmem>>
      %dma_start3A_36 = tpu.memref_squeeze %dma_start3A_35 : memref<1x96xi32, #tpu.memory_space<vmem>> -> memref<96xi32, #tpu.memory_space<vmem>>
      %dma_start3A_37 = arith.constant 0 : i32
      %dma_start3A_38 = arith.constant 0 : i32
      %dma_start3A_39 = tpu.memref_slice %arg2[%dma_start3A_37, %dma_start3A_38] : memref<10000x128xf32, #tpu.memory_space<hbm>> -> memref<10000x128xf32, #tpu.memory_space<hbm>>
      tpu.enqueue_indirect_dma source(%dma_start3A_39 : memref<10000x128xf32, #tpu.memory_space<hbm>>) target(%arg14 : memref<96x128xf32, #tpu.memory_space<vmem>>) offsets(%dma_start3A_36 : memref<96xi32, #tpu.memory_space<vmem>>) semaphore(%arg18 : memref<!tpu.dma_semaphore, #tpu.memory_space<semaphore_mem>>)
      %scan3A_40 = arith.constant 0 : i32
      %scan3A_41 = arith.constant 0 : i32
      %scan3A_42 = arith.constant 6 : i32
      %scan3A_43 = arith.addi %scan3A_41, %scan3A_42 : i32
      %scan3A_44 = arith.constant 1 : i32
      scf.for %scan3A_78 = %scan3A_41 to %scan3A_43 step %scan3A_44  : i32 {
        %mul3A_79 = arith.constant 3 : i32
        %mul3A_80 = arith.muli %scan3A_78, %mul3A_79 : i32
        %add3A_81 = arith.constant 2 : i32
        %add3A_82 = arith.addi %mul3A_80, %add3A_81 : i32
        %dma_start3A_83 = arith.constant 0 : i32
        %dma_start3A_84 = tpu.memref_slice %arg11[%add3A_82, %dma_start3A_83] : memref<21x96xi32, #tpu.memory_space<vmem>> -> memref<1x96xi32, #tpu.memory_space<vmem>>
        %dma_start3A_85 = tpu.memref_squeeze %dma_start3A_84 : memref<1x96xi32, #tpu.memory_space<vmem>> -> memref<96xi32, #tpu.memory_space<vmem>>
        %dma_start3A_86 = arith.constant 0 : i32
        %dma_start3A_87 = arith.constant 0 : i32
        %dma_start3A_88 = tpu.memref_slice %arg2[%dma_start3A_86, %dma_start3A_87] : memref<10000x128xf32, #tpu.memory_space<hbm>> -> memref<10000x128xf32, #tpu.memory_space<hbm>>
        tpu.enqueue_indirect_dma source(%dma_start3A_88 : memref<10000x128xf32, #tpu.memory_space<hbm>>) target(%arg15 : memref<96x128xf32, #tpu.memory_space<vmem>>) offsets(%dma_start3A_85 : memref<96xi32, #tpu.memory_space<vmem>>) semaphore(%arg19 : memref<!tpu.dma_semaphore, #tpu.memory_space<semaphore_mem>>)
        %dma_wait3A_89 = arith.constant 0 : i32
        %dma_wait3A_90 = arith.constant 0 : i32
        %dma_wait3A_91 = tpu.memref_slice %arg11[%dma_wait3A_89, %dma_wait3A_90] : memref<21x96xi32, #tpu.memory_space<vmem>> -> memref<1x96xi32, #tpu.memory_space<vmem>>
        %dma_wait3A_92 = tpu.memref_squeeze %dma_wait3A_91 : memref<1x96xi32, #tpu.memory_space<vmem>> -> memref<96xi32, #tpu.memory_space<vmem>>
        %dma_wait3A_93 = arith.constant 0 : i32
        %dma_wait3A_94 = arith.constant 0 : i32
        %dma_wait3A_95 = tpu.memref_slice %arg2[%dma_wait3A_93, %dma_wait3A_94] : memref<10000x128xf32, #tpu.memory_space<hbm>> -> memref<10000x128xf32, #tpu.memory_space<hbm>>
        tpu.wait_indirect_dma semaphore(%arg17 : memref<!tpu.dma_semaphore, #tpu.memory_space<semaphore_mem>>) src(%dma_wait3A_95 : memref<10000x128xf32, #tpu.memory_space<hbm>>) dst(%arg13 : memref<96x128xf32, #tpu.memory_space<vmem>>)
        "tpu.region"() ({
          %run_scoped3A_130 = tpu.sem_alloc : memref<!tpu.dma_semaphore, #tpu.memory_space<semaphore_mem>>
          %dma_start3A_131 = arith.constant 0 : i32
          %dma_start3A_132 = tpu.memref_slice %arg12[%mul3A_80, %dma_start3A_131] : memref<21x96xi32, #tpu.memory_space<vmem>> -> memref<1x96xi32, #tpu.memory_space<vmem>>
          %dma_start3A_133 = tpu.memref_squeeze %dma_start3A_132 : memref<1x96xi32, #tpu.memory_space<vmem>> -> memref<96xi32, #tpu.memory_space<vmem>>
          %dma_start3A_134 = arith.constant 0 : i32
          %dma_start3A_135 = arith.constant 0 : i32
          %dma_start3A_136 = tpu.memref_slice %arg16[%dma_start3A_134, %dma_start3A_135] : memref<10256x128xf32, #tpu.memory_space<vmem_shared>> -> memref<10256x128xf32, #tpu.memory_space<vmem_shared>>
          tpu.enqueue_indirect_dma source(%arg13 : memref<96x128xf32, #tpu.memory_space<vmem>>) target(%dma_start3A_136 : memref<10256x128xf32, #tpu.memory_space<vmem_shared>>) offsets(%dma_start3A_133 : memref<96xi32, #tpu.memory_space<vmem>>) semaphore(%run_scoped3A_130 : memref<!tpu.dma_semaphore, #tpu.memory_space<semaphore_mem>>) {add = true}
          %dma_wait3A_137 = arith.constant 0 : i32
          %dma_wait3A_138 = tpu.memref_slice %arg12[%mul3A_80, %dma_wait3A_137] : memref<21x96xi32, #tpu.memory_space<vmem>> -> memref<1x96xi32, #tpu.memory_space<vmem>>
          %dma_wait3A_139 = tpu.memref_squeeze %dma_wait3A_138 : memref<1x96xi32, #tpu.memory_space<vmem>> -> memref<96xi32, #tpu.memory_space<vmem>>
          %dma_wait3A_140 = arith.constant 0 : i32
          %dma_wait3A_141 = arith.constant 0 : i32
          %dma_wait3A_142 = tpu.memref_slice %arg16[%dma_wait3A_140, %dma_wait3A_141] : memref<10256x128xf32, #tpu.memory_space<vmem_shared>> -> memref<10256x128xf32, #tpu.memory_space<vmem_shared>>
          tpu.wait_indirect_dma semaphore(%run_scoped3A_130 : memref<!tpu.dma_semaphore, #tpu.memory_space<semaphore_mem>>) src(%arg13 : memref<96x128xf32, #tpu.memory_space<vmem>>) dst(%dma_wait3A_142 : memref<10256x128xf32, #tpu.memory_space<vmem_shared>>)
          tpu.yield
        }) : () -> ()
        "tpu.region"() ({
          %run_scoped3A_130 = tpu.sem_alloc : memref<!tpu.dma_semaphore, #tpu.memory_space<semaphore_mem>>
          %dma_start3A_131 = arith.constant 0 : i32
          %dma_start3A_132 = tpu.memref_slice %arg12[%mul3A_80, %dma_start3A_131] : memref<21x96xi32, #tpu.memory_space<vmem>> -> memref<1x96xi32, #tpu.memory_space<vmem>>
          %dma_start3A_133 = tpu.memref_squeeze %dma_start3A_132 : memref<1x96xi32, #tpu.memory_space<vmem>> -> memref<96xi32, #tpu.memory_space<vmem>>
          %dma_start3A_134 = arith.constant 0 : i32
          %dma_start3A_135 = tpu.memref_slice %arg21[%dma_start3A_134] : memref<10256xf32, #tpu.memory_space<vmem_shared>> -> memref<10256xf32, #tpu.memory_space<vmem_shared>>
          tpu.enqueue_indirect_dma source(%arg20 : memref<96xf32, #tpu.memory_space<vmem>>) target(%dma_start3A_135 : memref<10256xf32, #tpu.memory_space<vmem_shared>>) offsets(%dma_start3A_133 : memref<96xi32, #tpu.memory_space<vmem>>) semaphore(%run_scoped3A_130 : memref<!tpu.dma_semaphore, #tpu.memory_space<semaphore_mem>>) {add = true}
          %dma_wait3A_136 = arith.constant 0 : i32
          %dma_wait3A_137 = tpu.memref_slice %arg12[%mul3A_80, %dma_wait3A_136] : memref<21x96xi32, #tpu.memory_space<vmem>> -> memref<1x96xi32, #tpu.memory_space<vmem>>
          %dma_wait3A_138 = tpu.memref_squeeze %dma_wait3A_137 : memref<1x96xi32, #tpu.memory_space<vmem>> -> memref<96xi32, #tpu.memory_space<vmem>>
          %dma_wait3A_139 = arith.constant 0 : i32
          %dma_wait3A_140 = tpu.memref_slice %arg21[%dma_wait3A_139] : memref<10256xf32, #tpu.memory_space<vmem_shared>> -> memref<10256xf32, #tpu.memory_space<vmem_shared>>
          tpu.wait_indirect_dma semaphore(%run_scoped3A_130 : memref<!tpu.dma_semaphore, #tpu.memory_space<semaphore_mem>>) src(%arg20 : memref<96xf32, #tpu.memory_space<vmem>>) dst(%dma_wait3A_140 : memref<10256xf32, #tpu.memory_space<vmem_shared>>)
          tpu.yield
        }) : () -> ()
        %add3A_96 = arith.constant 3 : i32
        %add3A_97 = arith.addi %mul3A_80, %add3A_96 : i32
        %dma_start3A_98 = arith.constant 0 : i32
        %dma_start3A_99 = tpu.memref_slice %arg11[%add3A_97, %dma_start3A_98] : memref<21x96xi32, #tpu.memory_space<vmem>> -> memref<1x96xi32, #tpu.memory_space<vmem>>
        %dma_start3A_100 = tpu.memref_squeeze %dma_start3A_99 : memref<1x96xi32, #tpu.memory_space<vmem>> -> memref<96xi32, #tpu.memory_space<vmem>>
        %dma_start3A_101 = arith.constant 0 : i32
        %dma_start3A_102 = arith.constant 0 : i32
        %dma_start3A_103 = tpu.memref_slice %arg2[%dma_start3A_101, %dma_start3A_102] : memref<10000x128xf32, #tpu.memory_space<hbm>> -> memref<10000x128xf32, #tpu.memory_space<hbm>>
        tpu.enqueue_indirect_dma source(%dma_start3A_103 : memref<10000x128xf32, #tpu.memory_space<hbm>>) target(%arg13 : memref<96x128xf32, #tpu.memory_space<vmem>>) offsets(%dma_start3A_100 : memref<96xi32, #tpu.memory_space<vmem>>) semaphore(%arg17 : memref<!tpu.dma_semaphore, #tpu.memory_space<semaphore_mem>>)
        %dma_wait3A_104 = arith.constant 0 : i32
        %dma_wait3A_105 = arith.constant 0 : i32
        %dma_wait3A_106 = tpu.memref_slice %arg11[%dma_wait3A_104, %dma_wait3A_105] : memref<21x96xi32, #tpu.memory_space<vmem>> -> memref<1x96xi32, #tpu.memory_space<vmem>>
        %dma_wait3A_107 = tpu.memref_squeeze %dma_wait3A_106 : memref<1x96xi32, #tpu.memory_space<vmem>> -> memref<96xi32, #tpu.memory_space<vmem>>
        %dma_wait3A_108 = arith.constant 0 : i32
        %dma_wait3A_109 = arith.constant 0 : i32
        %dma_wait3A_110 = tpu.memref_slice %arg2[%dma_wait3A_108, %dma_wait3A_109] : memref<10000x128xf32, #tpu.memory_space<hbm>> -> memref<10000x128xf32, #tpu.memory_space<hbm>>
        tpu.wait_indirect_dma semaphore(%arg18 : memref<!tpu.dma_semaphore, #tpu.memory_space<semaphore_mem>>) src(%dma_wait3A_110 : memref<10000x128xf32, #tpu.memory_space<hbm>>) dst(%arg14 : memref<96x128xf32, #tpu.memory_space<vmem>>)
        %add3A_111 = arith.constant 1 : i32
        %add3A_112 = arith.addi %mul3A_80, %add3A_111 : i32
        "tpu.region"() ({
          %run_scoped3A_130 = tpu.sem_alloc : memref<!tpu.dma_semaphore, #tpu.memory_space<semaphore_mem>>
          %dma_start3A_131 = arith.constant 0 : i32
          %dma_start3A_132 = tpu.memref_slice %arg12[%add3A_112, %dma_start3A_131] : memref<21x96xi32, #tpu.memory_space<vmem>> -> memref<1x96xi32, #tpu.memory_space<vmem>>
          %dma_start3A_133 = tpu.memref_squeeze %dma_start3A_132 : memref<1x96xi32, #tpu.memory_space<vmem>> -> memref<96xi32, #tpu.memory_space<vmem>>
          %dma_start3A_134 = arith.constant 0 : i32
          %dma_start3A_135 = arith.constant 0 : i32
          %dma_start3A_136 = tpu.memref_slice %arg16[%dma_start3A_134, %dma_start3A_135] : memref<10256x128xf32, #tpu.memory_space<vmem_shared>> -> memref<10256x128xf32, #tpu.memory_space<vmem_shared>>
          tpu.enqueue_indirect_dma source(%arg14 : memref<96x128xf32, #tpu.memory_space<vmem>>) target(%dma_start3A_136 : memref<10256x128xf32, #tpu.memory_space<vmem_shared>>) offsets(%dma_start3A_133 : memref<96xi32, #tpu.memory_space<vmem>>) semaphore(%run_scoped3A_130 : memref<!tpu.dma_semaphore, #tpu.memory_space<semaphore_mem>>) {add = true}
          %dma_wait3A_137 = arith.constant 0 : i32
          %dma_wait3A_138 = tpu.memref_slice %arg12[%add3A_112, %dma_wait3A_137] : memref<21x96xi32, #tpu.memory_space<vmem>> -> memref<1x96xi32, #tpu.memory_space<vmem>>
          %dma_wait3A_139 = tpu.memref_squeeze %dma_wait3A_138 : memref<1x96xi32, #tpu.memory_space<vmem>> -> memref<96xi32, #tpu.memory_space<vmem>>
          %dma_wait3A_140 = arith.constant 0 : i32
          %dma_wait3A_141 = arith.constant 0 : i32
          %dma_wait3A_142 = tpu.memref_slice %arg16[%dma_wait3A_140, %dma_wait3A_141] : memref<10256x128xf32, #tpu.memory_space<vmem_shared>> -> memref<10256x128xf32, #tpu.memory_space<vmem_shared>>
          tpu.wait_indirect_dma semaphore(%run_scoped3A_130 : memref<!tpu.dma_semaphore, #tpu.memory_space<semaphore_mem>>) src(%arg14 : memref<96x128xf32, #tpu.memory_space<vmem>>) dst(%dma_wait3A_142 : memref<10256x128xf32, #tpu.memory_space<vmem_shared>>)
          tpu.yield
        }) : () -> ()
        "tpu.region"() ({
          %run_scoped3A_130 = tpu.sem_alloc : memref<!tpu.dma_semaphore, #tpu.memory_space<semaphore_mem>>
          %dma_start3A_131 = arith.constant 0 : i32
          %dma_start3A_132 = tpu.memref_slice %arg12[%add3A_112, %dma_start3A_131] : memref<21x96xi32, #tpu.memory_space<vmem>> -> memref<1x96xi32, #tpu.memory_space<vmem>>
          %dma_start3A_133 = tpu.memref_squeeze %dma_start3A_132 : memref<1x96xi32, #tpu.memory_space<vmem>> -> memref<96xi32, #tpu.memory_space<vmem>>
          %dma_start3A_134 = arith.constant 0 : i32
          %dma_start3A_135 = tpu.memref_slice %arg21[%dma_start3A_134] : memref<10256xf32, #tpu.memory_space<vmem_shared>> -> memref<10256xf32, #tpu.memory_space<vmem_shared>>
          tpu.enqueue_indirect_dma source(%arg20 : memref<96xf32, #tpu.memory_space<vmem>>) target(%dma_start3A_135 : memref<10256xf32, #tpu.memory_space<vmem_shared>>) offsets(%dma_start3A_133 : memref<96xi32, #tpu.memory_space<vmem>>) semaphore(%run_scoped3A_130 : memref<!tpu.dma_semaphore, #tpu.memory_space<semaphore_mem>>) {add = true}
          %dma_wait3A_136 = arith.constant 0 : i32
          %dma_wait3A_137 = tpu.memref_slice %arg12[%add3A_112, %dma_wait3A_136] : memref<21x96xi32, #tpu.memory_space<vmem>> -> memref<1x96xi32, #tpu.memory_space<vmem>>
          %dma_wait3A_138 = tpu.memref_squeeze %dma_wait3A_137 : memref<1x96xi32, #tpu.memory_space<vmem>> -> memref<96xi32, #tpu.memory_space<vmem>>
          %dma_wait3A_139 = arith.constant 0 : i32
          %dma_wait3A_140 = tpu.memref_slice %arg21[%dma_wait3A_139] : memref<10256xf32, #tpu.memory_space<vmem_shared>> -> memref<10256xf32, #tpu.memory_space<vmem_shared>>
          tpu.wait_indirect_dma semaphore(%run_scoped3A_130 : memref<!tpu.dma_semaphore, #tpu.memory_space<semaphore_mem>>) src(%arg20 : memref<96xf32, #tpu.memory_space<vmem>>) dst(%dma_wait3A_140 : memref<10256xf32, #tpu.memory_space<vmem_shared>>)
          tpu.yield
        }) : () -> ()
        %add3A_113 = arith.constant 4 : i32
        %add3A_114 = arith.addi %mul3A_80, %add3A_113 : i32
        %dma_start3A_115 = arith.constant 0 : i32
        %dma_start3A_116 = tpu.memref_slice %arg11[%add3A_114, %dma_start3A_115] : memref<21x96xi32, #tpu.memory_space<vmem>> -> memref<1x96xi32, #tpu.memory_space<vmem>>
        %dma_start3A_117 = tpu.memref_squeeze %dma_start3A_116 : memref<1x96xi32, #tpu.memory_space<vmem>> -> memref<96xi32, #tpu.memory_space<vmem>>
        %dma_start3A_118 = arith.constant 0 : i32
        %dma_start3A_119 = arith.constant 0 : i32
        %dma_start3A_120 = tpu.memref_slice %arg2[%dma_start3A_118, %dma_start3A_119] : memref<10000x128xf32, #tpu.memory_space<hbm>> -> memref<10000x128xf32, #tpu.memory_space<hbm>>
        tpu.enqueue_indirect_dma source(%dma_start3A_120 : memref<10000x128xf32, #tpu.memory_space<hbm>>) target(%arg14 : memref<96x128xf32, #tpu.memory_space<vmem>>) offsets(%dma_start3A_117 : memref<96xi32, #tpu.memory_space<vmem>>) semaphore(%arg18 : memref<!tpu.dma_semaphore, #tpu.memory_space<semaphore_mem>>)
        %dma_wait3A_121 = arith.constant 0 : i32
        %dma_wait3A_122 = arith.constant 0 : i32
        %dma_wait3A_123 = tpu.memref_slice %arg11[%dma_wait3A_121, %dma_wait3A_122] : memref<21x96xi32, #tpu.memory_space<vmem>> -> memref<1x96xi32, #tpu.memory_space<vmem>>
        %dma_wait3A_124 = tpu.memref_squeeze %dma_wait3A_123 : memref<1x96xi32, #tpu.memory_space<vmem>> -> memref<96xi32, #tpu.memory_space<vmem>>
        %dma_wait3A_125 = arith.constant 0 : i32
        %dma_wait3A_126 = arith.constant 0 : i32
        %dma_wait3A_127 = tpu.memref_slice %arg2[%dma_wait3A_125, %dma_wait3A_126] : memref<10000x128xf32, #tpu.memory_space<hbm>> -> memref<10000x128xf32, #tpu.memory_space<hbm>>
        tpu.wait_indirect_dma semaphore(%arg19 : memref<!tpu.dma_semaphore, #tpu.memory_space<semaphore_mem>>) src(%dma_wait3A_127 : memref<10000x128xf32, #tpu.memory_space<hbm>>) dst(%arg15 : memref<96x128xf32, #tpu.memory_space<vmem>>)
        %add3A_128 = arith.constant 2 : i32
        %add3A_129 = arith.addi %mul3A_80, %add3A_128 : i32
        "tpu.region"() ({
          %run_scoped3A_130 = tpu.sem_alloc : memref<!tpu.dma_semaphore, #tpu.memory_space<semaphore_mem>>
          %dma_start3A_131 = arith.constant 0 : i32
          %dma_start3A_132 = tpu.memref_slice %arg12[%add3A_129, %dma_start3A_131] : memref<21x96xi32, #tpu.memory_space<vmem>> -> memref<1x96xi32, #tpu.memory_space<vmem>>
          %dma_start3A_133 = tpu.memref_squeeze %dma_start3A_132 : memref<1x96xi32, #tpu.memory_space<vmem>> -> memref<96xi32, #tpu.memory_space<vmem>>
          %dma_start3A_134 = arith.constant 0 : i32
          %dma_start3A_135 = arith.constant 0 : i32
          %dma_start3A_136 = tpu.memref_slice %arg16[%dma_start3A_134, %dma_start3A_135] : memref<10256x128xf32, #tpu.memory_space<vmem_shared>> -> memref<10256x128xf32, #tpu.memory_space<vmem_shared>>
          tpu.enqueue_indirect_dma source(%arg15 : memref<96x128xf32, #tpu.memory_space<vmem>>) target(%dma_start3A_136 : memref<10256x128xf32, #tpu.memory_space<vmem_shared>>) offsets(%dma_start3A_133 : memref<96xi32, #tpu.memory_space<vmem>>) semaphore(%run_scoped3A_130 : memref<!tpu.dma_semaphore, #tpu.memory_space<semaphore_mem>>) {add = true}
          %dma_wait3A_137 = arith.constant 0 : i32
          %dma_wait3A_138 = tpu.memref_slice %arg12[%add3A_129, %dma_wait3A_137] : memref<21x96xi32, #tpu.memory_space<vmem>> -> memref<1x96xi32, #tpu.memory_space<vmem>>
          %dma_wait3A_139 = tpu.memref_squeeze %dma_wait3A_138 : memref<1x96xi32, #tpu.memory_space<vmem>> -> memref<96xi32, #tpu.memory_space<vmem>>
          %dma_wait3A_140 = arith.constant 0 : i32
          %dma_wait3A_141 = arith.constant 0 : i32
          %dma_wait3A_142 = tpu.memref_slice %arg16[%dma_wait3A_140, %dma_wait3A_141] : memref<10256x128xf32, #tpu.memory_space<vmem_shared>> -> memref<10256x128xf32, #tpu.memory_space<vmem_shared>>
          tpu.wait_indirect_dma semaphore(%run_scoped3A_130 : memref<!tpu.dma_semaphore, #tpu.memory_space<semaphore_mem>>) src(%arg15 : memref<96x128xf32, #tpu.memory_space<vmem>>) dst(%dma_wait3A_142 : memref<10256x128xf32, #tpu.memory_space<vmem_shared>>)
          tpu.yield
        }) : () -> ()
        "tpu.region"() ({
          %run_scoped3A_130 = tpu.sem_alloc : memref<!tpu.dma_semaphore, #tpu.memory_space<semaphore_mem>>
          %dma_start3A_131 = arith.constant 0 : i32
          %dma_start3A_132 = tpu.memref_slice %arg12[%add3A_129, %dma_start3A_131] : memref<21x96xi32, #tpu.memory_space<vmem>> -> memref<1x96xi32, #tpu.memory_space<vmem>>
          %dma_start3A_133 = tpu.memref_squeeze %dma_start3A_132 : memref<1x96xi32, #tpu.memory_space<vmem>> -> memref<96xi32, #tpu.memory_space<vmem>>
          %dma_start3A_134 = arith.constant 0 : i32
          %dma_start3A_135 = tpu.memref_slice %arg21[%dma_start3A_134] : memref<10256xf32, #tpu.memory_space<vmem_shared>> -> memref<10256xf32, #tpu.memory_space<vmem_shared>>
          tpu.enqueue_indirect_dma source(%arg20 : memref<96xf32, #tpu.memory_space<vmem>>) target(%dma_start3A_135 : memref<10256xf32, #tpu.memory_space<vmem_shared>>) offsets(%dma_start3A_133 : memref<96xi32, #tpu.memory_space<vmem>>) semaphore(%run_scoped3A_130 : memref<!tpu.dma_semaphore, #tpu.memory_space<semaphore_mem>>) {add = true}
          %dma_wait3A_136 = arith.constant 0 : i32
          %dma_wait3A_137 = tpu.memref_slice %arg12[%add3A_129, %dma_wait3A_136] : memref<21x96xi32, #tpu.memory_space<vmem>> -> memref<1x96xi32, #tpu.memory_space<vmem>>
          %dma_wait3A_138 = tpu.memref_squeeze %dma_wait3A_137 : memref<1x96xi32, #tpu.memory_space<vmem>> -> memref<96xi32, #tpu.memory_space<vmem>>
          %dma_wait3A_139 = arith.constant 0 : i32
          %dma_wait3A_140 = tpu.memref_slice %arg21[%dma_wait3A_139] : memref<10256xf32, #tpu.memory_space<vmem_shared>> -> memref<10256xf32, #tpu.memory_space<vmem_shared>>
          tpu.wait_indirect_dma semaphore(%run_scoped3A_130 : memref<!tpu.dma_semaphore, #tpu.memory_space<semaphore_mem>>) src(%arg20 : memref<96xf32, #tpu.memory_space<vmem>>) dst(%dma_wait3A_140 : memref<10256xf32, #tpu.memory_space<vmem_shared>>)
          tpu.yield
        }) : () -> ()
      }
      %scan3A_45 = arith.constant 6 : i32
      %dma_start3A_46 = arith.constant 20 : i32
      %dma_start3A_47 = arith.constant 0 : i32
      %dma_start3A_48 = tpu.memref_slice %arg11[%dma_start3A_46, %dma_start3A_47] : memref<21x96xi32, #tpu.memory_space<vmem>> -> memref<1x96xi32, #tpu.memory_space<vmem>>
      %dma_start3A_49 = tpu.memref_squeeze %dma_start3A_48 : memref<1x96xi32, #tpu.memory_space<vmem>> -> memref<96xi32, #tpu.memory_space<vmem>>
      %dma_start3A_50 = arith.constant 0 : i32
      %dma_start3A_51 = arith.constant 0 : i32
      %dma_start3A_52 = tpu.memref_slice %arg2[%dma_start3A_50, %dma_start3A_51] : memref<10000x128xf32, #tpu.memory_space<hbm>> -> memref<10000x128xf32, #tpu.memory_space<hbm>>
      tpu.enqueue_indirect_dma source(%dma_start3A_52 : memref<10000x128xf32, #tpu.memory_space<hbm>>) target(%arg15 : memref<96x128xf32, #tpu.memory_space<vmem>>) offsets(%dma_start3A_49 : memref<96xi32, #tpu.memory_space<vmem>>) semaphore(%arg19 : memref<!tpu.dma_semaphore, #tpu.memory_space<semaphore_mem>>)
      %dma_wait3A = arith.constant 0 : i32
      %dma_wait3A_53 = arith.constant 0 : i32
      %dma_wait3A_54 = tpu.memref_slice %arg11[%dma_wait3A, %dma_wait3A_53] : memref<21x96xi32, #tpu.memory_space<vmem>> -> memref<1x96xi32, #tpu.memory_space<vmem>>
      %dma_wait3A_55 = tpu.memref_squeeze %dma_wait3A_54 : memref<1x96xi32, #tpu.memory_space<vmem>> -> memref<96xi32, #tpu.memory_space<vmem>>
      %dma_wait3A_56 = arith.constant 0 : i32
      %dma_wait3A_57 = arith.constant 0 : i32
      %dma_wait3A_58 = tpu.memref_slice %arg2[%dma_wait3A_56, %dma_wait3A_57] : memref<10000x128xf32, #tpu.memory_space<hbm>> -> memref<10000x128xf32, #tpu.memory_space<hbm>>
      tpu.wait_indirect_dma semaphore(%arg17 : memref<!tpu.dma_semaphore, #tpu.memory_space<semaphore_mem>>) src(%dma_wait3A_58 : memref<10000x128xf32, #tpu.memory_space<hbm>>) dst(%arg13 : memref<96x128xf32, #tpu.memory_space<vmem>>)
      %run_scoped3A = arith.constant 18 : i32
      "tpu.region"() ({
        %run_scoped3A_78 = tpu.sem_alloc : memref<!tpu.dma_semaphore, #tpu.memory_space<semaphore_mem>>
        %dma_start3A_79 = arith.constant 0 : i32
        %dma_start3A_80 = tpu.memref_slice %arg12[%run_scoped3A, %dma_start3A_79] : memref<21x96xi32, #tpu.memory_space<vmem>> -> memref<1x96xi32, #tpu.memory_space<vmem>>
        %dma_start3A_81 = tpu.memref_squeeze %dma_start3A_80 : memref<1x96xi32, #tpu.memory_space<vmem>> -> memref<96xi32, #tpu.memory_space<vmem>>
        %dma_start3A_82 = arith.constant 0 : i32
        %dma_start3A_83 = arith.constant 0 : i32
        %dma_start3A_84 = tpu.memref_slice %arg16[%dma_start3A_82, %dma_start3A_83] : memref<10256x128xf32, #tpu.memory_space<vmem_shared>> -> memref<10256x128xf32, #tpu.memory_space<vmem_shared>>
        tpu.enqueue_indirect_dma source(%arg13 : memref<96x128xf32, #tpu.memory_space<vmem>>) target(%dma_start3A_84 : memref<10256x128xf32, #tpu.memory_space<vmem_shared>>) offsets(%dma_start3A_81 : memref<96xi32, #tpu.memory_space<vmem>>) semaphore(%run_scoped3A_78 : memref<!tpu.dma_semaphore, #tpu.memory_space<semaphore_mem>>) {add = true}
        %dma_wait3A_85 = arith.constant 0 : i32
        %dma_wait3A_86 = tpu.memref_slice %arg12[%run_scoped3A, %dma_wait3A_85] : memref<21x96xi32, #tpu.memory_space<vmem>> -> memref<1x96xi32, #tpu.memory_space<vmem>>
        %dma_wait3A_87 = tpu.memref_squeeze %dma_wait3A_86 : memref<1x96xi32, #tpu.memory_space<vmem>> -> memref<96xi32, #tpu.memory_space<vmem>>
        %dma_wait3A_88 = arith.constant 0 : i32
        %dma_wait3A_89 = arith.constant 0 : i32
        %dma_wait3A_90 = tpu.memref_slice %arg16[%dma_wait3A_88, %dma_wait3A_89] : memref<10256x128xf32, #tpu.memory_space<vmem_shared>> -> memref<10256x128xf32, #tpu.memory_space<vmem_shared>>
        tpu.wait_indirect_dma semaphore(%run_scoped3A_78 : memref<!tpu.dma_semaphore, #tpu.memory_space<semaphore_mem>>) src(%arg13 : memref<96x128xf32, #tpu.memory_space<vmem>>) dst(%dma_wait3A_90 : memref<10256x128xf32, #tpu.memory_space<vmem_shared>>)
        tpu.yield
      }) : () -> ()
      %run_scoped3A_59 = arith.constant 18 : i32
      "tpu.region"() ({
        %run_scoped3A_78 = tpu.sem_alloc : memref<!tpu.dma_semaphore, #tpu.memory_space<semaphore_mem>>
        %dma_start3A_79 = arith.constant 0 : i32
        %dma_start3A_80 = tpu.memref_slice %arg12[%run_scoped3A_59, %dma_start3A_79] : memref<21x96xi32, #tpu.memory_space<vmem>> -> memref<1x96xi32, #tpu.memory_space<vmem>>
        %dma_start3A_81 = tpu.memref_squeeze %dma_start3A_80 : memref<1x96xi32, #tpu.memory_space<vmem>> -> memref<96xi32, #tpu.memory_space<vmem>>
        %dma_start3A_82 = arith.constant 0 : i32
        %dma_start3A_83 = tpu.memref_slice %arg21[%dma_start3A_82] : memref<10256xf32, #tpu.memory_space<vmem_shared>> -> memref<10256xf32, #tpu.memory_space<vmem_shared>>
        tpu.enqueue_indirect_dma source(%arg20 : memref<96xf32, #tpu.memory_space<vmem>>) target(%dma_start3A_83 : memref<10256xf32, #tpu.memory_space<vmem_shared>>) offsets(%dma_start3A_81 : memref<96xi32, #tpu.memory_space<vmem>>) semaphore(%run_scoped3A_78 : memref<!tpu.dma_semaphore, #tpu.memory_space<semaphore_mem>>) {add = true}
        %dma_wait3A_84 = arith.constant 0 : i32
        %dma_wait3A_85 = tpu.memref_slice %arg12[%run_scoped3A_59, %dma_wait3A_84] : memref<21x96xi32, #tpu.memory_space<vmem>> -> memref<1x96xi32, #tpu.memory_space<vmem>>
        %dma_wait3A_86 = tpu.memref_squeeze %dma_wait3A_85 : memref<1x96xi32, #tpu.memory_space<vmem>> -> memref<96xi32, #tpu.memory_space<vmem>>
        %dma_wait3A_87 = arith.constant 0 : i32
        %dma_wait3A_88 = tpu.memref_slice %arg21[%dma_wait3A_87] : memref<10256xf32, #tpu.memory_space<vmem_shared>> -> memref<10256xf32, #tpu.memory_space<vmem_shared>>
        tpu.wait_indirect_dma semaphore(%run_scoped3A_78 : memref<!tpu.dma_semaphore, #tpu.memory_space<semaphore_mem>>) src(%arg20 : memref<96xf32, #tpu.memory_space<vmem>>) dst(%dma_wait3A_88 : memref<10256xf32, #tpu.memory_space<vmem_shared>>)
        tpu.yield
      }) : () -> ()
      %dma_wait3A_60 = arith.constant 0 : i32
      %dma_wait3A_61 = arith.constant 0 : i32
      %dma_wait3A_62 = tpu.memref_slice %arg11[%dma_wait3A_60, %dma_wait3A_61] : memref<21x96xi32, #tpu.memory_space<vmem>> -> memref<1x96xi32, #tpu.memory_space<vmem>>
      %dma_wait3A_63 = tpu.memref_squeeze %dma_wait3A_62 : memref<1x96xi32, #tpu.memory_space<vmem>> -> memref<96xi32, #tpu.memory_space<vmem>>
      %dma_wait3A_64 = arith.constant 0 : i32
      %dma_wait3A_65 = arith.constant 0 : i32
      %dma_wait3A_66 = tpu.memref_slice %arg2[%dma_wait3A_64, %dma_wait3A_65] : memref<10000x128xf32, #tpu.memory_space<hbm>> -> memref<10000x128xf32, #tpu.memory_space<hbm>>
      tpu.wait_indirect_dma semaphore(%arg18 : memref<!tpu.dma_semaphore, #tpu.memory_space<semaphore_mem>>) src(%dma_wait3A_66 : memref<10000x128xf32, #tpu.memory_space<hbm>>) dst(%arg14 : memref<96x128xf32, #tpu.memory_space<vmem>>)
      %run_scoped3A_67 = arith.constant 19 : i32
      "tpu.region"() ({
        %run_scoped3A_78 = tpu.sem_alloc : memref<!tpu.dma_semaphore, #tpu.memory_space<semaphore_mem>>
        %dma_start3A_79 = arith.constant 0 : i32
        %dma_start3A_80 = tpu.memref_slice %arg12[%run_scoped3A_67, %dma_start3A_79] : memref<21x96xi32, #tpu.memory_space<vmem>> -> memref<1x96xi32, #tpu.memory_space<vmem>>
        %dma_start3A_81 = tpu.memref_squeeze %dma_start3A_80 : memref<1x96xi32, #tpu.memory_space<vmem>> -> memref<96xi32, #tpu.memory_space<vmem>>
        %dma_start3A_82 = arith.constant 0 : i32
        %dma_start3A_83 = arith.constant 0 : i32
        %dma_start3A_84 = tpu.memref_slice %arg16[%dma_start3A_82, %dma_start3A_83] : memref<10256x128xf32, #tpu.memory_space<vmem_shared>> -> memref<10256x128xf32, #tpu.memory_space<vmem_shared>>
        tpu.enqueue_indirect_dma source(%arg14 : memref<96x128xf32, #tpu.memory_space<vmem>>) target(%dma_start3A_84 : memref<10256x128xf32, #tpu.memory_space<vmem_shared>>) offsets(%dma_start3A_81 : memref<96xi32, #tpu.memory_space<vmem>>) semaphore(%run_scoped3A_78 : memref<!tpu.dma_semaphore, #tpu.memory_space<semaphore_mem>>) {add = true}
        %dma_wait3A_85 = arith.constant 0 : i32
        %dma_wait3A_86 = tpu.memref_slice %arg12[%run_scoped3A_67, %dma_wait3A_85] : memref<21x96xi32, #tpu.memory_space<vmem>> -> memref<1x96xi32, #tpu.memory_space<vmem>>
        %dma_wait3A_87 = tpu.memref_squeeze %dma_wait3A_86 : memref<1x96xi32, #tpu.memory_space<vmem>> -> memref<96xi32, #tpu.memory_space<vmem>>
        %dma_wait3A_88 = arith.constant 0 : i32
        %dma_wait3A_89 = arith.constant 0 : i32
        %dma_wait3A_90 = tpu.memref_slice %arg16[%dma_wait3A_88, %dma_wait3A_89] : memref<10256x128xf32, #tpu.memory_space<vmem_shared>> -> memref<10256x128xf32, #tpu.memory_space<vmem_shared>>
        tpu.wait_indirect_dma semaphore(%run_scoped3A_78 : memref<!tpu.dma_semaphore, #tpu.memory_space<semaphore_mem>>) src(%arg14 : memref<96x128xf32, #tpu.memory_space<vmem>>) dst(%dma_wait3A_90 : memref<10256x128xf32, #tpu.memory_space<vmem_shared>>)
        tpu.yield
      }) : () -> ()
      %run_scoped3A_68 = arith.constant 19 : i32
      "tpu.region"() ({
        %run_scoped3A_78 = tpu.sem_alloc : memref<!tpu.dma_semaphore, #tpu.memory_space<semaphore_mem>>
        %dma_start3A_79 = arith.constant 0 : i32
        %dma_start3A_80 = tpu.memref_slice %arg12[%run_scoped3A_68, %dma_start3A_79] : memref<21x96xi32, #tpu.memory_space<vmem>> -> memref<1x96xi32, #tpu.memory_space<vmem>>
        %dma_start3A_81 = tpu.memref_squeeze %dma_start3A_80 : memref<1x96xi32, #tpu.memory_space<vmem>> -> memref<96xi32, #tpu.memory_space<vmem>>
        %dma_start3A_82 = arith.constant 0 : i32
        %dma_start3A_83 = tpu.memref_slice %arg21[%dma_start3A_82] : memref<10256xf32, #tpu.memory_space<vmem_shared>> -> memref<10256xf32, #tpu.memory_space<vmem_shared>>
        tpu.enqueue_indirect_dma source(%arg20 : memref<96xf32, #tpu.memory_space<vmem>>) target(%dma_start3A_83 : memref<10256xf32, #tpu.memory_space<vmem_shared>>) offsets(%dma_start3A_81 : memref<96xi32, #tpu.memory_space<vmem>>) semaphore(%run_scoped3A_78 : memref<!tpu.dma_semaphore, #tpu.memory_space<semaphore_mem>>) {add = true}
        %dma_wait3A_84 = arith.constant 0 : i32
        %dma_wait3A_85 = tpu.memref_slice %arg12[%run_scoped3A_68, %dma_wait3A_84] : memref<21x96xi32, #tpu.memory_space<vmem>> -> memref<1x96xi32, #tpu.memory_space<vmem>>
        %dma_wait3A_86 = tpu.memref_squeeze %dma_wait3A_85 : memref<1x96xi32, #tpu.memory_space<vmem>> -> memref<96xi32, #tpu.memory_space<vmem>>
        %dma_wait3A_87 = arith.constant 0 : i32
        %dma_wait3A_88 = tpu.memref_slice %arg21[%dma_wait3A_87] : memref<10256xf32, #tpu.memory_space<vmem_shared>> -> memref<10256xf32, #tpu.memory_space<vmem_shared>>
        tpu.wait_indirect_dma semaphore(%run_scoped3A_78 : memref<!tpu.dma_semaphore, #tpu.memory_space<semaphore_mem>>) src(%arg20 : memref<96xf32, #tpu.memory_space<vmem>>) dst(%dma_wait3A_88 : memref<10256xf32, #tpu.memory_space<vmem_shared>>)
        tpu.yield
      }) : () -> ()
      %dma_wait3A_69 = arith.constant 0 : i32
      %dma_wait3A_70 = arith.constant 0 : i32
      %dma_wait3A_71 = tpu.memref_slice %arg11[%dma_wait3A_69, %dma_wait3A_70] : memref<21x96xi32, #tpu.memory_space<vmem>> -> memref<1x96xi32, #tpu.memory_space<vmem>>
      %dma_wait3A_72 = tpu.memref_squeeze %dma_wait3A_71 : memref<1x96xi32, #tpu.memory_space<vmem>> -> memref<96xi32, #tpu.memory_space<vmem>>
      %dma_wait3A_73 = arith.constant 0 : i32
      %dma_wait3A_74 = arith.constant 0 : i32
      %dma_wait3A_75 = tpu.memref_slice %arg2[%dma_wait3A_73, %dma_wait3A_74] : memref<10000x128xf32, #tpu.memory_space<hbm>> -> memref<10000x128xf32, #tpu.memory_space<hbm>>
      tpu.wait_indirect_dma semaphore(%arg19 : memref<!tpu.dma_semaphore, #tpu.memory_space<semaphore_mem>>) src(%dma_wait3A_75 : memref<10000x128xf32, #tpu.memory_space<hbm>>) dst(%arg15 : memref<96x128xf32, #tpu.memory_space<vmem>>)
      %run_scoped3A_76 = arith.constant 20 : i32
      "tpu.region"() ({
        %run_scoped3A_78 = tpu.sem_alloc : memref<!tpu.dma_semaphore, #tpu.memory_space<semaphore_mem>>
        %dma_start3A_79 = arith.constant 0 : i32
        %dma_start3A_80 = tpu.memref_slice %arg12[%run_scoped3A_76, %dma_start3A_79] : memref<21x96xi32, #tpu.memory_space<vmem>> -> memref<1x96xi32, #tpu.memory_space<vmem>>
        %dma_start3A_81 = tpu.memref_squeeze %dma_start3A_80 : memref<1x96xi32, #tpu.memory_space<vmem>> -> memref<96xi32, #tpu.memory_space<vmem>>
        %dma_start3A_82 = arith.constant 0 : i32
        %dma_start3A_83 = arith.constant 0 : i32
        %dma_start3A_84 = tpu.memref_slice %arg16[%dma_start3A_82, %dma_start3A_83] : memref<10256x128xf32, #tpu.memory_space<vmem_shared>> -> memref<10256x128xf32, #tpu.memory_space<vmem_shared>>
        tpu.enqueue_indirect_dma source(%arg15 : memref<96x128xf32, #tpu.memory_space<vmem>>) target(%dma_start3A_84 : memref<10256x128xf32, #tpu.memory_space<vmem_shared>>) offsets(%dma_start3A_81 : memref<96xi32, #tpu.memory_space<vmem>>) semaphore(%run_scoped3A_78 : memref<!tpu.dma_semaphore, #tpu.memory_space<semaphore_mem>>) {add = true}
        %dma_wait3A_85 = arith.constant 0 : i32
        %dma_wait3A_86 = tpu.memref_slice %arg12[%run_scoped3A_76, %dma_wait3A_85] : memref<21x96xi32, #tpu.memory_space<vmem>> -> memref<1x96xi32, #tpu.memory_space<vmem>>
        %dma_wait3A_87 = tpu.memref_squeeze %dma_wait3A_86 : memref<1x96xi32, #tpu.memory_space<vmem>> -> memref<96xi32, #tpu.memory_space<vmem>>
        %dma_wait3A_88 = arith.constant 0 : i32
        %dma_wait3A_89 = arith.constant 0 : i32
        %dma_wait3A_90 = tpu.memref_slice %arg16[%dma_wait3A_88, %dma_wait3A_89] : memref<10256x128xf32, #tpu.memory_space<vmem_shared>> -> memref<10256x128xf32, #tpu.memory_space<vmem_shared>>
        tpu.wait_indirect_dma semaphore(%run_scoped3A_78 : memref<!tpu.dma_semaphore, #tpu.memory_space<semaphore_mem>>) src(%arg15 : memref<96x128xf32, #tpu.memory_space<vmem>>) dst(%dma_wait3A_90 : memref<10256x128xf32, #tpu.memory_space<vmem_shared>>)
        tpu.yield
      }) : () -> ()
      %run_scoped3A_77 = arith.constant 20 : i32
      "tpu.region"() ({
        %run_scoped3A_78 = tpu.sem_alloc : memref<!tpu.dma_semaphore, #tpu.memory_space<semaphore_mem>>
        %dma_start3A_79 = arith.constant 0 : i32
        %dma_start3A_80 = tpu.memref_slice %arg12[%run_scoped3A_77, %dma_start3A_79] : memref<21x96xi32, #tpu.memory_space<vmem>> -> memref<1x96xi32, #tpu.memory_space<vmem>>
        %dma_start3A_81 = tpu.memref_squeeze %dma_start3A_80 : memref<1x96xi32, #tpu.memory_space<vmem>> -> memref<96xi32, #tpu.memory_space<vmem>>
        %dma_start3A_82 = arith.constant 0 : i32
        %dma_start3A_83 = tpu.memref_slice %arg21[%dma_start3A_82] : memref<10256xf32, #tpu.memory_space<vmem_shared>> -> memref<10256xf32, #tpu.memory_space<vmem_shared>>
        tpu.enqueue_indirect_dma source(%arg20 : memref<96xf32, #tpu.memory_space<vmem>>) target(%dma_start3A_83 : memref<10256xf32, #tpu.memory_space<vmem_shared>>) offsets(%dma_start3A_81 : memref<96xi32, #tpu.memory_space<vmem>>) semaphore(%run_scoped3A_78 : memref<!tpu.dma_semaphore, #tpu.memory_space<semaphore_mem>>) {add = true}
        %dma_wait3A_84 = arith.constant 0 : i32
        %dma_wait3A_85 = tpu.memref_slice %arg12[%run_scoped3A_77, %dma_wait3A_84] : memref<21x96xi32, #tpu.memory_space<vmem>> -> memref<1x96xi32, #tpu.memory_space<vmem>>
        %dma_wait3A_86 = tpu.memref_squeeze %dma_wait3A_85 : memref<1x96xi32, #tpu.memory_space<vmem>> -> memref<96xi32, #tpu.memory_space<vmem>>
        %dma_wait3A_87 = arith.constant 0 : i32
        %dma_wait3A_88 = tpu.memref_slice %arg21[%dma_wait3A_87] : memref<10256xf32, #tpu.memory_space<vmem_shared>> -> memref<10256xf32, #tpu.memory_space<vmem_shared>>
        tpu.wait_indirect_dma semaphore(%run_scoped3A_78 : memref<!tpu.dma_semaphore, #tpu.memory_space<semaphore_mem>>) src(%arg20 : memref<96xf32, #tpu.memory_space<vmem>>) dst(%dma_wait3A_88 : memref<10256xf32, #tpu.memory_space<vmem_shared>>)
        tpu.yield
      }) : () -> ()
    }
    %scan3A_9 = arith.constant 5 : i32
    %barrier3A_10 = arith.constant 0 : index
    tpu.barrier barrier_id(%barrier3A_10)
    "tpu.region"() ({
      %run_scoped3A = tpu.sem_alloc : memref<!tpu.dma_semaphore, #tpu.memory_space<semaphore_mem>>
      %dma_start3A = arith.constant 0 : i32
      %dma_start3A_26 = tpu.memref_slice %arg8[%arg0, %mul3A_2, %dma_start3A] : memref<2x10000x128xf32, #tpu.memory_space<hbm>> -> memref<1x624x128xf32, #tpu.memory_space<hbm>>
      %dma_start3A_27 = tpu.memref_squeeze %dma_start3A_26 : memref<1x624x128xf32, #tpu.memory_space<hbm>> -> memref<624x128xf32, #tpu.memory_space<hbm>>
      %dma_start3A_28 = arith.constant 0 : i32
      %dma_start3A_29 = tpu.memref_slice %arg16[%mul3A_2, %dma_start3A_28] : memref<10256x128xf32, #tpu.memory_space<vmem_shared>> -> memref<624x128xf32, #tpu.memory_space<vmem_shared>>
      tpu.enqueue_dma source(%dma_start3A_29 : memref<624x128xf32, #tpu.memory_space<vmem_shared>>) target(%dma_start3A_27 : memref<624x128xf32, #tpu.memory_space<hbm>>) target_semaphore(%run_scoped3A : memref<!tpu.dma_semaphore, #tpu.memory_space<semaphore_mem>>)
      %dma_wait3A = arith.constant 0 : i32
      %dma_wait3A_30 = tpu.memref_slice %arg8[%arg0, %mul3A_2, %dma_wait3A] : memref<2x10000x128xf32, #tpu.memory_space<hbm>> -> memref<1x624x128xf32, #tpu.memory_space<hbm>>
      %dma_wait3A_31 = tpu.memref_squeeze %dma_wait3A_30 : memref<1x624x128xf32, #tpu.memory_space<hbm>> -> memref<624x128xf32, #tpu.memory_space<hbm>>
      %dma_wait3A_32 = arith.constant 0 : i32
      %dma_wait3A_33 = tpu.memref_slice %arg16[%mul3A_2, %dma_wait3A_32] : memref<10256x128xf32, #tpu.memory_space<vmem_shared>> -> memref<624x128xf32, #tpu.memory_space<vmem_shared>>
      tpu.wait_dma2 semaphore(%run_scoped3A : memref<!tpu.dma_semaphore, #tpu.memory_space<semaphore_mem>>) src(%dma_wait3A_33 : memref<624x128xf32, #tpu.memory_space<vmem_shared>>) dst(%dma_wait3A_31 : memref<624x128xf32, #tpu.memory_space<hbm>>)
      tpu.yield
    }) : () -> ()
    "tpu.region"() ({
      %run_scoped3A = tpu.sem_alloc : memref<!tpu.dma_semaphore, #tpu.memory_space<semaphore_mem>>
      %dma_start3A = tpu.memref_slice %arg21[%mul3A_2] : memref<10256xf32, #tpu.memory_space<vmem_shared>> -> memref<624xf32, #tpu.memory_space<vmem_shared>>
      %dma_start3A_26 = tpu.memref_slice %arg21[%mul3A_2] : memref<10256xf32, #tpu.memory_space<vmem_shared>> -> memref<624xf32, #tpu.memory_space<vmem_shared>>
      tpu.enqueue_dma source(%dma_start3A_26 : memref<624xf32, #tpu.memory_space<vmem_shared>>) target(%arg22 : memref<624xf32, #tpu.memory_space<vmem>>) target_semaphore(%run_scoped3A : memref<!tpu.dma_semaphore, #tpu.memory_space<semaphore_mem>>)
      %dma_wait3A = tpu.memref_slice %arg21[%mul3A_2] : memref<10256xf32, #tpu.memory_space<vmem_shared>> -> memref<624xf32, #tpu.memory_space<vmem_shared>>
      %dma_wait3A_27 = tpu.memref_slice %arg21[%mul3A_2] : memref<10256xf32, #tpu.memory_space<vmem_shared>> -> memref<624xf32, #tpu.memory_space<vmem_shared>>
      tpu.wait_dma2 semaphore(%run_scoped3A : memref<!tpu.dma_semaphore, #tpu.memory_space<semaphore_mem>>) src(%dma_wait3A_27 : memref<624xf32, #tpu.memory_space<vmem_shared>>) dst(%arg22 : memref<624xf32, #tpu.memory_space<vmem>>)
      tpu.yield
    }) : () -> ()
    %eq3A_11 = arith.constant 0 : i32
    %eq3A_12 = arith.cmpi eq, %arg0, %eq3A_11 : i32
    %convert_element_type3A_13 = arith.extui %eq3A_12 : i1 to i32
    %cond3A_14 = arith.constant 0 : i32
    %cond3A_15 = arith.cmpi ne, %convert_element_type3A_13, %cond3A_14 : i32
    scf.if %cond3A_15 {
      "tpu.region"() ({
        %run_scoped3A = tpu.sem_alloc : memref<!tpu.dma_semaphore, #tpu.memory_space<semaphore_mem>>
        %dma_start3A = tpu.memref_slice %arg9[%mul3A_2] : memref<10000xf32, #tpu.memory_space<hbm>> -> memref<624xf32, #tpu.memory_space<hbm>>
        %dma_start3A_26 = tpu.memref_slice %arg9[%mul3A_2] : memref<10000xf32, #tpu.memory_space<hbm>> -> memref<624xf32, #tpu.memory_space<hbm>>
        tpu.enqueue_dma source(%arg22 : memref<624xf32, #tpu.memory_space<vmem>>) target(%dma_start3A_26 : memref<624xf32, #tpu.memory_space<hbm>>) target_semaphore(%run_scoped3A : memref<!tpu.dma_semaphore, #tpu.memory_space<semaphore_mem>>)
        %dma_wait3A = tpu.memref_slice %arg9[%mul3A_2] : memref<10000xf32, #tpu.memory_space<hbm>> -> memref<624xf32, #tpu.memory_space<hbm>>
        %dma_wait3A_27 = tpu.memref_slice %arg9[%mul3A_2] : memref<10000xf32, #tpu.memory_space<hbm>> -> memref<624xf32, #tpu.memory_space<hbm>>
        tpu.wait_dma2 semaphore(%run_scoped3A : memref<!tpu.dma_semaphore, #tpu.memory_space<semaphore_mem>>) src(%arg22 : memref<624xf32, #tpu.memory_space<vmem>>) dst(%dma_wait3A_27 : memref<624xf32, #tpu.memory_space<hbm>>)
        tpu.yield
      }) : () -> ()
    } else {
    }
    %eq3A_16 = arith.constant 1 : i32
    %eq3A_17 = arith.cmpi eq, %arg0, %eq3A_16 : i32
    %convert_element_type3A_18 = arith.extui %eq3A_17 : i1 to i32
    %cond3A_19 = arith.constant 0 : i32
    %cond3A_20 = arith.cmpi ne, %convert_element_type3A_18, %cond3A_19 : i32
    scf.if %cond3A_20 {
      "tpu.region"() ({
        %run_scoped3A = tpu.sem_alloc : memref<!tpu.dma_semaphore, #tpu.memory_space<semaphore_mem>>
        %dma_start3A = tpu.memref_slice %arg10[%mul3A_2] : memref<10000xf32, #tpu.memory_space<hbm>> -> memref<624xf32, #tpu.memory_space<hbm>>
        %dma_start3A_26 = tpu.memref_slice %arg10[%mul3A_2] : memref<10000xf32, #tpu.memory_space<hbm>> -> memref<624xf32, #tpu.memory_space<hbm>>
        tpu.enqueue_dma source(%arg22 : memref<624xf32, #tpu.memory_space<vmem>>) target(%dma_start3A_26 : memref<624xf32, #tpu.memory_space<hbm>>) target_semaphore(%run_scoped3A : memref<!tpu.dma_semaphore, #tpu.memory_space<semaphore_mem>>)
        %dma_wait3A = tpu.memref_slice %arg10[%mul3A_2] : memref<10000xf32, #tpu.memory_space<hbm>> -> memref<624xf32, #tpu.memory_space<hbm>>
        %dma_wait3A_27 = tpu.memref_slice %arg10[%mul3A_2] : memref<10000xf32, #tpu.memory_space<hbm>> -> memref<624xf32, #tpu.memory_space<hbm>>
        tpu.wait_dma2 semaphore(%run_scoped3A : memref<!tpu.dma_semaphore, #tpu.memory_space<semaphore_mem>>) src(%arg22 : memref<624xf32, #tpu.memory_space<vmem>>) dst(%dma_wait3A_27 : memref<624xf32, #tpu.memory_space<hbm>>)
        tpu.yield
      }) : () -> ()
    } else {
    }
    %eq3A_21 = arith.constant 15 : i32
    %eq3A_22 = arith.cmpi eq, %arg1, %eq3A_21 : i32
    %convert_element_type3A_23 = arith.extui %eq3A_22 : i1 to i32
    %cond3A_24 = arith.constant 0 : i32
    %cond3A_25 = arith.cmpi ne, %convert_element_type3A_23, %cond3A_24 : i32
    scf.if %cond3A_25 {
      "tpu.region"() ({
        %run_scoped3A = tpu.sem_alloc : memref<!tpu.dma_semaphore, #tpu.memory_space<semaphore_mem>>
        %dma_start3A = arith.constant 9984 : i32
        %dma_start3A_36 = arith.constant 0 : i32
        %dma_start3A_37 = tpu.memref_slice %arg8[%arg0, %dma_start3A, %dma_start3A_36] : memref<2x10000x128xf32, #tpu.memory_space<hbm>> -> memref<1x16x128xf32, #tpu.memory_space<hbm>>
        %dma_start3A_38 = tpu.memref_squeeze %dma_start3A_37 : memref<1x16x128xf32, #tpu.memory_space<hbm>> -> memref<16x128xf32, #tpu.memory_space<hbm>>
        %dma_start3A_39 = arith.constant 9984 : i32
        %dma_start3A_40 = arith.constant 0 : i32
        %dma_start3A_41 = tpu.memref_slice %arg16[%dma_start3A_39, %dma_start3A_40] : memref<10256x128xf32, #tpu.memory_space<vmem_shared>> -> memref<16x128xf32, #tpu.memory_space<vmem_shared>>
        tpu.enqueue_dma source(%dma_start3A_41 : memref<16x128xf32, #tpu.memory_space<vmem_shared>>) target(%dma_start3A_38 : memref<16x128xf32, #tpu.memory_space<hbm>>) target_semaphore(%run_scoped3A : memref<!tpu.dma_semaphore, #tpu.memory_space<semaphore_mem>>)
        %dma_wait3A = arith.constant 9984 : i32
        %dma_wait3A_42 = arith.constant 0 : i32
        %dma_wait3A_43 = tpu.memref_slice %arg8[%arg0, %dma_wait3A, %dma_wait3A_42] : memref<2x10000x128xf32, #tpu.memory_space<hbm>> -> memref<1x16x128xf32, #tpu.memory_space<hbm>>
        %dma_wait3A_44 = tpu.memref_squeeze %dma_wait3A_43 : memref<1x16x128xf32, #tpu.memory_space<hbm>> -> memref<16x128xf32, #tpu.memory_space<hbm>>
        %dma_wait3A_45 = arith.constant 9984 : i32
        %dma_wait3A_46 = arith.constant 0 : i32
        %dma_wait3A_47 = tpu.memref_slice %arg16[%dma_wait3A_45, %dma_wait3A_46] : memref<10256x128xf32, #tpu.memory_space<vmem_shared>> -> memref<16x128xf32, #tpu.memory_space<vmem_shared>>
        tpu.wait_dma2 semaphore(%run_scoped3A : memref<!tpu.dma_semaphore, #tpu.memory_space<semaphore_mem>>) src(%dma_wait3A_47 : memref<16x128xf32, #tpu.memory_space<vmem_shared>>) dst(%dma_wait3A_44 : memref<16x128xf32, #tpu.memory_space<hbm>>)
        tpu.yield
      }) : () -> ()
      "tpu.region"() ({
        %run_scoped3A = tpu.sem_alloc : memref<!tpu.dma_semaphore, #tpu.memory_space<semaphore_mem>>
        %dma_start3A = arith.constant 0 : i32
        %dma_start3A_36 = tpu.memref_slice %arg22[%dma_start3A] : memref<624xf32, #tpu.memory_space<vmem>> -> memref<16xf32, #tpu.memory_space<vmem>>
        %dma_start3A_37 = arith.constant 9984 : i32
        %dma_start3A_38 = tpu.memref_slice %arg21[%dma_start3A_37] : memref<10256xf32, #tpu.memory_space<vmem_shared>> -> memref<16xf32, #tpu.memory_space<vmem_shared>>
        %dma_start3A_39 = arith.constant 0 : i32
        %dma_start3A_40 = tpu.memref_slice %arg22[%dma_start3A_39] : memref<624xf32, #tpu.memory_space<vmem>> -> memref<16xf32, #tpu.memory_space<vmem>>
        %dma_start3A_41 = arith.constant 9984 : i32
        %dma_start3A_42 = tpu.memref_slice %arg21[%dma_start3A_41] : memref<10256xf32, #tpu.memory_space<vmem_shared>> -> memref<16xf32, #tpu.memory_space<vmem_shared>>
        tpu.enqueue_dma source(%dma_start3A_42 : memref<16xf32, #tpu.memory_space<vmem_shared>>) target(%dma_start3A_40 : memref<16xf32, #tpu.memory_space<vmem>>) target_semaphore(%run_scoped3A : memref<!tpu.dma_semaphore, #tpu.memory_space<semaphore_mem>>)
        %dma_wait3A = arith.constant 0 : i32
        %dma_wait3A_43 = tpu.memref_slice %arg22[%dma_wait3A] : memref<624xf32, #tpu.memory_space<vmem>> -> memref<16xf32, #tpu.memory_space<vmem>>
        %dma_wait3A_44 = arith.constant 9984 : i32
        %dma_wait3A_45 = tpu.memref_slice %arg21[%dma_wait3A_44] : memref<10256xf32, #tpu.memory_space<vmem_shared>> -> memref<16xf32, #tpu.memory_space<vmem_shared>>
        %dma_wait3A_46 = arith.constant 0 : i32
        %dma_wait3A_47 = tpu.memref_slice %arg22[%dma_wait3A_46] : memref<624xf32, #tpu.memory_space<vmem>> -> memref<16xf32, #tpu.memory_space<vmem>>
        %dma_wait3A_48 = arith.constant 9984 : i32
        %dma_wait3A_49 = tpu.memref_slice %arg21[%dma_wait3A_48] : memref<10256xf32, #tpu.memory_space<vmem_shared>> -> memref<16xf32, #tpu.memory_space<vmem_shared>>
        tpu.wait_dma2 semaphore(%run_scoped3A : memref<!tpu.dma_semaphore, #tpu.memory_space<semaphore_mem>>) src(%dma_wait3A_49 : memref<16xf32, #tpu.memory_space<vmem_shared>>) dst(%dma_wait3A_47 : memref<16xf32, #tpu.memory_space<vmem>>)
        tpu.yield
      }) : () -> ()
      %eq3A_26 = arith.constant 0 : i32
      %eq3A_27 = arith.cmpi eq, %arg0, %eq3A_26 : i32
      %convert_element_type3A_28 = arith.extui %eq3A_27 : i1 to i32
      %cond3A_29 = arith.constant 0 : i32
      %cond3A_30 = arith.cmpi ne, %convert_element_type3A_28, %cond3A_29 : i32
      scf.if %cond3A_30 {
        "tpu.region"() ({
          %run_scoped3A = tpu.sem_alloc : memref<!tpu.dma_semaphore, #tpu.memory_space<semaphore_mem>>
          %dma_start3A = arith.constant 0 : i32
          %dma_start3A_36 = tpu.memref_slice %arg22[%dma_start3A] : memref<624xf32, #tpu.memory_space<vmem>> -> memref<16xf32, #tpu.memory_space<vmem>>
          %dma_start3A_37 = arith.constant 9984 : i32
          %dma_start3A_38 = tpu.memref_slice %arg9[%dma_start3A_37] : memref<10000xf32, #tpu.memory_space<hbm>> -> memref<16xf32, #tpu.memory_space<hbm>>
          %dma_start3A_39 = arith.constant 9984 : i32
          %dma_start3A_40 = tpu.memref_slice %arg9[%dma_start3A_39] : memref<10000xf32, #tpu.memory_space<hbm>> -> memref<16xf32, #tpu.memory_space<hbm>>
          %dma_start3A_41 = arith.constant 0 : i32
          %dma_start3A_42 = tpu.memref_slice %arg22[%dma_start3A_41] : memref<624xf32, #tpu.memory_space<vmem>> -> memref<16xf32, #tpu.memory_space<vmem>>
          tpu.enqueue_dma source(%dma_start3A_42 : memref<16xf32, #tpu.memory_space<vmem>>) target(%dma_start3A_40 : memref<16xf32, #tpu.memory_space<hbm>>) target_semaphore(%run_scoped3A : memref<!tpu.dma_semaphore, #tpu.memory_space<semaphore_mem>>)
          %dma_wait3A = arith.constant 0 : i32
          %dma_wait3A_43 = tpu.memref_slice %arg22[%dma_wait3A] : memref<624xf32, #tpu.memory_space<vmem>> -> memref<16xf32, #tpu.memory_space<vmem>>
          %dma_wait3A_44 = arith.constant 9984 : i32
          %dma_wait3A_45 = tpu.memref_slice %arg9[%dma_wait3A_44] : memref<10000xf32, #tpu.memory_space<hbm>> -> memref<16xf32, #tpu.memory_space<hbm>>
          %dma_wait3A_46 = arith.constant 9984 : i32
          %dma_wait3A_47 = tpu.memref_slice %arg9[%dma_wait3A_46] : memref<10000xf32, #tpu.memory_space<hbm>> -> memref<16xf32, #tpu.memory_space<hbm>>
          %dma_wait3A_48 = arith.constant 0 : i32
          %dma_wait3A_49 = tpu.memref_slice %arg22[%dma_wait3A_48] : memref<624xf32, #tpu.memory_space<vmem>> -> memref<16xf32, #tpu.memory_space<vmem>>
          tpu.wait_dma2 semaphore(%run_scoped3A : memref<!tpu.dma_semaphore, #tpu.memory_space<semaphore_mem>>) src(%dma_wait3A_49 : memref<16xf32, #tpu.memory_space<vmem>>) dst(%dma_wait3A_47 : memref<16xf32, #tpu.memory_space<hbm>>)
          tpu.yield
        }) : () -> ()
      } else {
      }
      %eq3A_31 = arith.constant 1 : i32
      %eq3A_32 = arith.cmpi eq, %arg0, %eq3A_31 : i32
      %convert_element_type3A_33 = arith.extui %eq3A_32 : i1 to i32
      %cond3A_34 = arith.constant 0 : i32
      %cond3A_35 = arith.cmpi ne, %convert_element_type3A_33, %cond3A_34 : i32
      scf.if %cond3A_35 {
        "tpu.region"() ({
          %run_scoped3A = tpu.sem_alloc : memref<!tpu.dma_semaphore, #tpu.memory_space<semaphore_mem>>
          %dma_start3A = arith.constant 0 : i32
          %dma_start3A_36 = tpu.memref_slice %arg22[%dma_start3A] : memref<624xf32, #tpu.memory_space<vmem>> -> memref<16xf32, #tpu.memory_space<vmem>>
          %dma_start3A_37 = arith.constant 9984 : i32
          %dma_start3A_38 = tpu.memref_slice %arg10[%dma_start3A_37] : memref<10000xf32, #tpu.memory_space<hbm>> -> memref<16xf32, #tpu.memory_space<hbm>>
          %dma_start3A_39 = arith.constant 9984 : i32
          %dma_start3A_40 = tpu.memref_slice %arg10[%dma_start3A_39] : memref<10000xf32, #tpu.memory_space<hbm>> -> memref<16xf32, #tpu.memory_space<hbm>>
          %dma_start3A_41 = arith.constant 0 : i32
          %dma_start3A_42 = tpu.memref_slice %arg22[%dma_start3A_41] : memref<624xf32, #tpu.memory_space<vmem>> -> memref<16xf32, #tpu.memory_space<vmem>>
          tpu.enqueue_dma source(%dma_start3A_42 : memref<16xf32, #tpu.memory_space<vmem>>) target(%dma_start3A_40 : memref<16xf32, #tpu.memory_space<hbm>>) target_semaphore(%run_scoped3A : memref<!tpu.dma_semaphore, #tpu.memory_space<semaphore_mem>>)
          %dma_wait3A = arith.constant 0 : i32
          %dma_wait3A_43 = tpu.memref_slice %arg22[%dma_wait3A] : memref<624xf32, #tpu.memory_space<vmem>> -> memref<16xf32, #tpu.memory_space<vmem>>
          %dma_wait3A_44 = arith.constant 9984 : i32
          %dma_wait3A_45 = tpu.memref_slice %arg10[%dma_wait3A_44] : memref<10000xf32, #tpu.memory_space<hbm>> -> memref<16xf32, #tpu.memory_space<hbm>>
          %dma_wait3A_46 = arith.constant 9984 : i32
          %dma_wait3A_47 = tpu.memref_slice %arg10[%dma_wait3A_46] : memref<10000xf32, #tpu.memory_space<hbm>> -> memref<16xf32, #tpu.memory_space<hbm>>
          %dma_wait3A_48 = arith.constant 0 : i32
          %dma_wait3A_49 = tpu.memref_slice %arg22[%dma_wait3A_48] : memref<624xf32, #tpu.memory_space<vmem>> -> memref<16xf32, #tpu.memory_space<vmem>>
          tpu.wait_dma2 semaphore(%run_scoped3A : memref<!tpu.dma_semaphore, #tpu.memory_space<semaphore_mem>>) src(%dma_wait3A_49 : memref<16xf32, #tpu.memory_space<vmem>>) dst(%dma_wait3A_47 : memref<16xf32, #tpu.memory_space<hbm>>)
          tpu.yield
        }) : () -> ()
      } else {
      }
    } else {
    }
    return
  }
}

#map = affine_map<(d0, d1) -> (0, 0)>
#map1 = affine_map<(d0, d1) -> (0, 0, 0, 0)>
#map2 = affine_map<(d0, d1) -> (0, 0, 0)>
module attributes {stable_mosaic.version = 14 : i64} {
  func.func @body(%arg0: i32, %arg1: i32, %arg2: memref<10000x128xf32, #tpu.memory_space<hbm>>, %arg3: memref<32x5x21x96xi32, #tpu.memory_space<hbm>>, %arg4: memref<32x5x21x96xi32, #tpu.memory_space<hbm>>, %arg5: memref<10000x128xf32, #tpu.memory_space<hbm>>, %arg6: memref<2x10000x128xf32, #tpu.memory_space<hbm>>, %arg7: memref<21x96xi32, #tpu.memory_space<vmem>>, %arg8: memref<21x96xi32, #tpu.memory_space<vmem>>, %arg9: memref<96x128xf32, #tpu.memory_space<vmem>>, %arg10: memref<96x128xf32, #tpu.memory_space<vmem>>, %arg11: memref<96x128xf32, #tpu.memory_space<vmem>>, %arg12: memref<10256x128xf32, #tpu.memory_space<vmem_shared>>, %arg13: memref<!tpu.dma_semaphore, #tpu.memory_space<semaphore_mem>>, %arg14: memref<!tpu.dma_semaphore, #tpu.memory_space<semaphore_mem>>, %arg15: memref<!tpu.dma_semaphore, #tpu.memory_space<semaphore_mem>>) attributes {dimension_semantics = [#tpu.dimension_semantics<core_parallel>, #tpu.dimension_semantics<subcore_parallel>], iteration_bounds = array<i64: 2, 16>, scalar_prefetch = 0 : i64, scratch_operands = 9 : i64, tpu.core_type = #tpu.core_type<sc_vector_subcore>, window_params = [{transform_indices = #map}, {transform_indices = #map1}, {transform_indices = #map1}, {transform_indices = #map}, {transform_indices = #map2}]} {
    %mul3A = arith.constant 2 : i32
    %mul3A_0 = arith.muli %arg1, %mul3A : i32
    %add3A = arith.addi %mul3A_0, %arg0 : i32
    %mul3A_1 = arith.constant 624 : i32
    %mul3A_2 = arith.muli %arg1, %mul3A_1 : i32
    "tpu.region"() ({
      %run_scoped3A = tpu.sem_alloc : memref<!tpu.dma_semaphore, #tpu.memory_space<semaphore_mem>>
      %dma_start3A = arith.constant 0 : i32
      %dma_start3A_16 = tpu.memref_slice %arg12[%mul3A_2, %dma_start3A] : memref<10256x128xf32, #tpu.memory_space<vmem_shared>> -> memref<624x128xf32, #tpu.memory_space<vmem_shared>>
      %dma_start3A_17 = arith.constant 0 : i32
      %dma_start3A_18 = tpu.memref_slice %arg5[%mul3A_2, %dma_start3A_17] : memref<10000x128xf32, #tpu.memory_space<hbm>> -> memref<624x128xf32, #tpu.memory_space<hbm>>
      tpu.enqueue_dma source(%dma_start3A_18 : memref<624x128xf32, #tpu.memory_space<hbm>>) target(%dma_start3A_16 : memref<624x128xf32, #tpu.memory_space<vmem_shared>>) target_semaphore(%run_scoped3A : memref<!tpu.dma_semaphore, #tpu.memory_space<semaphore_mem>>)
      %dma_wait3A = arith.constant 0 : i32
      %dma_wait3A_19 = tpu.memref_slice %arg12[%mul3A_2, %dma_wait3A] : memref<10256x128xf32, #tpu.memory_space<vmem_shared>> -> memref<624x128xf32, #tpu.memory_space<vmem_shared>>
      %dma_wait3A_20 = arith.constant 0 : i32
      %dma_wait3A_21 = tpu.memref_slice %arg5[%mul3A_2, %dma_wait3A_20] : memref<10000x128xf32, #tpu.memory_space<hbm>> -> memref<624x128xf32, #tpu.memory_space<hbm>>
      tpu.wait_dma2 semaphore(%run_scoped3A : memref<!tpu.dma_semaphore, #tpu.memory_space<semaphore_mem>>) src(%dma_wait3A_21 : memref<624x128xf32, #tpu.memory_space<hbm>>) dst(%dma_wait3A_19 : memref<624x128xf32, #tpu.memory_space<vmem_shared>>)
      tpu.yield
    }) : () -> ()
    %eq3A = arith.constant 15 : i32
    %eq3A_3 = arith.cmpi eq, %arg1, %eq3A : i32
    %convert_element_type3A = arith.extui %eq3A_3 : i1 to i32
    %cond3A = arith.constant 0 : i32
    %cond3A_4 = arith.cmpi ne, %convert_element_type3A, %cond3A : i32
    scf.if %cond3A_4 {
      "tpu.region"() ({
        %run_scoped3A = tpu.sem_alloc : memref<!tpu.dma_semaphore, #tpu.memory_space<semaphore_mem>>
        %dma_start3A = arith.constant 9984 : i32
        %dma_start3A_16 = arith.constant 0 : i32
        %dma_start3A_17 = tpu.memref_slice %arg12[%dma_start3A, %dma_start3A_16] : memref<10256x128xf32, #tpu.memory_space<vmem_shared>> -> memref<16x128xf32, #tpu.memory_space<vmem_shared>>
        %dma_start3A_18 = arith.constant 9984 : i32
        %dma_start3A_19 = arith.constant 0 : i32
        %dma_start3A_20 = tpu.memref_slice %arg5[%dma_start3A_18, %dma_start3A_19] : memref<10000x128xf32, #tpu.memory_space<hbm>> -> memref<16x128xf32, #tpu.memory_space<hbm>>
        tpu.enqueue_dma source(%dma_start3A_20 : memref<16x128xf32, #tpu.memory_space<hbm>>) target(%dma_start3A_17 : memref<16x128xf32, #tpu.memory_space<vmem_shared>>) target_semaphore(%run_scoped3A : memref<!tpu.dma_semaphore, #tpu.memory_space<semaphore_mem>>)
        %dma_wait3A = arith.constant 9984 : i32
        %dma_wait3A_21 = arith.constant 0 : i32
        %dma_wait3A_22 = tpu.memref_slice %arg12[%dma_wait3A, %dma_wait3A_21] : memref<10256x128xf32, #tpu.memory_space<vmem_shared>> -> memref<16x128xf32, #tpu.memory_space<vmem_shared>>
        %dma_wait3A_23 = arith.constant 9984 : i32
        %dma_wait3A_24 = arith.constant 0 : i32
        %dma_wait3A_25 = tpu.memref_slice %arg5[%dma_wait3A_23, %dma_wait3A_24] : memref<10000x128xf32, #tpu.memory_space<hbm>> -> memref<16x128xf32, #tpu.memory_space<hbm>>
        tpu.wait_dma2 semaphore(%run_scoped3A : memref<!tpu.dma_semaphore, #tpu.memory_space<semaphore_mem>>) src(%dma_wait3A_25 : memref<16x128xf32, #tpu.memory_space<hbm>>) dst(%dma_wait3A_22 : memref<16x128xf32, #tpu.memory_space<vmem_shared>>)
        tpu.yield
      }) : () -> ()
    } else {
    }
    %barrier3A = arith.constant 0 : index
    tpu.barrier barrier_id(%barrier3A)
    %scan3A = arith.constant 0 : i32
    %scan3A_5 = arith.constant 0 : i32
    %scan3A_6 = arith.constant 5 : i32
    %scan3A_7 = arith.addi %scan3A_5, %scan3A_6 : i32
    %scan3A_8 = arith.constant 1 : i32
    scf.for %scan3A_16 = %scan3A_5 to %scan3A_7 step %scan3A_8  : i32 {
      "tpu.region"() ({
        %run_scoped3A_65 = tpu.sem_alloc : memref<!tpu.dma_semaphore, #tpu.memory_space<semaphore_mem>>
        %dma_start3A_66 = arith.constant 0 : i32
        %dma_start3A_67 = arith.constant 0 : i32
        %dma_start3A_68 = tpu.memref_slice %arg3[%add3A, %scan3A_16, %dma_start3A_66, %dma_start3A_67] : memref<32x5x21x96xi32, #tpu.memory_space<hbm>> -> memref<1x1x21x96xi32, #tpu.memory_space<hbm>>
        %dma_start3A_69 = tpu.memref_squeeze %dma_start3A_68 : memref<1x1x21x96xi32, #tpu.memory_space<hbm>> -> memref<21x96xi32, #tpu.memory_space<hbm>>
        %dma_start3A_70 = arith.constant 0 : i32
        %dma_start3A_71 = arith.constant 0 : i32
        %dma_start3A_72 = tpu.memref_slice %arg3[%add3A, %scan3A_16, %dma_start3A_70, %dma_start3A_71] : memref<32x5x21x96xi32, #tpu.memory_space<hbm>> -> memref<1x1x21x96xi32, #tpu.memory_space<hbm>>
        %dma_start3A_73 = tpu.memref_squeeze %dma_start3A_72 : memref<1x1x21x96xi32, #tpu.memory_space<hbm>> -> memref<21x96xi32, #tpu.memory_space<hbm>>
        tpu.enqueue_dma source(%dma_start3A_73 : memref<21x96xi32, #tpu.memory_space<hbm>>) target(%arg7 : memref<21x96xi32, #tpu.memory_space<vmem>>) target_semaphore(%run_scoped3A_65 : memref<!tpu.dma_semaphore, #tpu.memory_space<semaphore_mem>>)
        %dma_wait3A_74 = arith.constant 0 : i32
        %dma_wait3A_75 = arith.constant 0 : i32
        %dma_wait3A_76 = tpu.memref_slice %arg3[%add3A, %scan3A_16, %dma_wait3A_74, %dma_wait3A_75] : memref<32x5x21x96xi32, #tpu.memory_space<hbm>> -> memref<1x1x21x96xi32, #tpu.memory_space<hbm>>
        %dma_wait3A_77 = tpu.memref_squeeze %dma_wait3A_76 : memref<1x1x21x96xi32, #tpu.memory_space<hbm>> -> memref<21x96xi32, #tpu.memory_space<hbm>>
        %dma_wait3A_78 = arith.constant 0 : i32
        %dma_wait3A_79 = arith.constant 0 : i32
        %dma_wait3A_80 = tpu.memref_slice %arg3[%add3A, %scan3A_16, %dma_wait3A_78, %dma_wait3A_79] : memref<32x5x21x96xi32, #tpu.memory_space<hbm>> -> memref<1x1x21x96xi32, #tpu.memory_space<hbm>>
        %dma_wait3A_81 = tpu.memref_squeeze %dma_wait3A_80 : memref<1x1x21x96xi32, #tpu.memory_space<hbm>> -> memref<21x96xi32, #tpu.memory_space<hbm>>
        tpu.wait_dma2 semaphore(%run_scoped3A_65 : memref<!tpu.dma_semaphore, #tpu.memory_space<semaphore_mem>>) src(%dma_wait3A_81 : memref<21x96xi32, #tpu.memory_space<hbm>>) dst(%arg7 : memref<21x96xi32, #tpu.memory_space<vmem>>)
        tpu.yield
      }) : () -> ()
      "tpu.region"() ({
        %run_scoped3A_65 = tpu.sem_alloc : memref<!tpu.dma_semaphore, #tpu.memory_space<semaphore_mem>>
        %dma_start3A_66 = arith.constant 0 : i32
        %dma_start3A_67 = arith.constant 0 : i32
        %dma_start3A_68 = tpu.memref_slice %arg4[%add3A, %scan3A_16, %dma_start3A_66, %dma_start3A_67] : memref<32x5x21x96xi32, #tpu.memory_space<hbm>> -> memref<1x1x21x96xi32, #tpu.memory_space<hbm>>
        %dma_start3A_69 = tpu.memref_squeeze %dma_start3A_68 : memref<1x1x21x96xi32, #tpu.memory_space<hbm>> -> memref<21x96xi32, #tpu.memory_space<hbm>>
        %dma_start3A_70 = arith.constant 0 : i32
        %dma_start3A_71 = arith.constant 0 : i32
        %dma_start3A_72 = tpu.memref_slice %arg4[%add3A, %scan3A_16, %dma_start3A_70, %dma_start3A_71] : memref<32x5x21x96xi32, #tpu.memory_space<hbm>> -> memref<1x1x21x96xi32, #tpu.memory_space<hbm>>
        %dma_start3A_73 = tpu.memref_squeeze %dma_start3A_72 : memref<1x1x21x96xi32, #tpu.memory_space<hbm>> -> memref<21x96xi32, #tpu.memory_space<hbm>>
        tpu.enqueue_dma source(%dma_start3A_73 : memref<21x96xi32, #tpu.memory_space<hbm>>) target(%arg8 : memref<21x96xi32, #tpu.memory_space<vmem>>) target_semaphore(%run_scoped3A_65 : memref<!tpu.dma_semaphore, #tpu.memory_space<semaphore_mem>>)
        %dma_wait3A_74 = arith.constant 0 : i32
        %dma_wait3A_75 = arith.constant 0 : i32
        %dma_wait3A_76 = tpu.memref_slice %arg4[%add3A, %scan3A_16, %dma_wait3A_74, %dma_wait3A_75] : memref<32x5x21x96xi32, #tpu.memory_space<hbm>> -> memref<1x1x21x96xi32, #tpu.memory_space<hbm>>
        %dma_wait3A_77 = tpu.memref_squeeze %dma_wait3A_76 : memref<1x1x21x96xi32, #tpu.memory_space<hbm>> -> memref<21x96xi32, #tpu.memory_space<hbm>>
        %dma_wait3A_78 = arith.constant 0 : i32
        %dma_wait3A_79 = arith.constant 0 : i32
        %dma_wait3A_80 = tpu.memref_slice %arg4[%add3A, %scan3A_16, %dma_wait3A_78, %dma_wait3A_79] : memref<32x5x21x96xi32, #tpu.memory_space<hbm>> -> memref<1x1x21x96xi32, #tpu.memory_space<hbm>>
        %dma_wait3A_81 = tpu.memref_squeeze %dma_wait3A_80 : memref<1x1x21x96xi32, #tpu.memory_space<hbm>> -> memref<21x96xi32, #tpu.memory_space<hbm>>
        tpu.wait_dma2 semaphore(%run_scoped3A_65 : memref<!tpu.dma_semaphore, #tpu.memory_space<semaphore_mem>>) src(%dma_wait3A_81 : memref<21x96xi32, #tpu.memory_space<hbm>>) dst(%arg8 : memref<21x96xi32, #tpu.memory_space<vmem>>)
        tpu.yield
      }) : () -> ()
      %dma_start3A = arith.constant 0 : i32
      %dma_start3A_17 = arith.constant 0 : i32
      %dma_start3A_18 = tpu.memref_slice %arg7[%dma_start3A, %dma_start3A_17] : memref<21x96xi32, #tpu.memory_space<vmem>> -> memref<1x96xi32, #tpu.memory_space<vmem>>
      %dma_start3A_19 = tpu.memref_squeeze %dma_start3A_18 : memref<1x96xi32, #tpu.memory_space<vmem>> -> memref<96xi32, #tpu.memory_space<vmem>>
      %dma_start3A_20 = arith.constant 0 : i32
      %dma_start3A_21 = arith.constant 0 : i32
      %dma_start3A_22 = tpu.memref_slice %arg2[%dma_start3A_20, %dma_start3A_21] : memref<10000x128xf32, #tpu.memory_space<hbm>> -> memref<10000x128xf32, #tpu.memory_space<hbm>>
      tpu.enqueue_indirect_dma source(%dma_start3A_22 : memref<10000x128xf32, #tpu.memory_space<hbm>>) target(%arg9 : memref<96x128xf32, #tpu.memory_space<vmem>>) offsets(%dma_start3A_19 : memref<96xi32, #tpu.memory_space<vmem>>) semaphore(%arg13 : memref<!tpu.dma_semaphore, #tpu.memory_space<semaphore_mem>>)
      %dma_start3A_23 = arith.constant 1 : i32
      %dma_start3A_24 = arith.constant 0 : i32
      %dma_start3A_25 = tpu.memref_slice %arg7[%dma_start3A_23, %dma_start3A_24] : memref<21x96xi32, #tpu.memory_space<vmem>> -> memref<1x96xi32, #tpu.memory_space<vmem>>
      %dma_start3A_26 = tpu.memref_squeeze %dma_start3A_25 : memref<1x96xi32, #tpu.memory_space<vmem>> -> memref<96xi32, #tpu.memory_space<vmem>>
      %dma_start3A_27 = arith.constant 0 : i32
      %dma_start3A_28 = arith.constant 0 : i32
      %dma_start3A_29 = tpu.memref_slice %arg2[%dma_start3A_27, %dma_start3A_28] : memref<10000x128xf32, #tpu.memory_space<hbm>> -> memref<10000x128xf32, #tpu.memory_space<hbm>>
      tpu.enqueue_indirect_dma source(%dma_start3A_29 : memref<10000x128xf32, #tpu.memory_space<hbm>>) target(%arg10 : memref<96x128xf32, #tpu.memory_space<vmem>>) offsets(%dma_start3A_26 : memref<96xi32, #tpu.memory_space<vmem>>) semaphore(%arg14 : memref<!tpu.dma_semaphore, #tpu.memory_space<semaphore_mem>>)
      %scan3A_30 = arith.constant 0 : i32
      %scan3A_31 = arith.constant 0 : i32
      %scan3A_32 = arith.constant 6 : i32
      %scan3A_33 = arith.addi %scan3A_31, %scan3A_32 : i32
      %scan3A_34 = arith.constant 1 : i32
      scf.for %scan3A_65 = %scan3A_31 to %scan3A_33 step %scan3A_34  : i32 {
        %mul3A_66 = arith.constant 3 : i32
        %mul3A_67 = arith.muli %scan3A_65, %mul3A_66 : i32
        %add3A_68 = arith.constant 2 : i32
        %add3A_69 = arith.addi %mul3A_67, %add3A_68 : i32
        %dma_start3A_70 = arith.constant 0 : i32
        %dma_start3A_71 = tpu.memref_slice %arg7[%add3A_69, %dma_start3A_70] : memref<21x96xi32, #tpu.memory_space<vmem>> -> memref<1x96xi32, #tpu.memory_space<vmem>>
        %dma_start3A_72 = tpu.memref_squeeze %dma_start3A_71 : memref<1x96xi32, #tpu.memory_space<vmem>> -> memref<96xi32, #tpu.memory_space<vmem>>
        %dma_start3A_73 = arith.constant 0 : i32
        %dma_start3A_74 = arith.constant 0 : i32
        %dma_start3A_75 = tpu.memref_slice %arg2[%dma_start3A_73, %dma_start3A_74] : memref<10000x128xf32, #tpu.memory_space<hbm>> -> memref<10000x128xf32, #tpu.memory_space<hbm>>
        tpu.enqueue_indirect_dma source(%dma_start3A_75 : memref<10000x128xf32, #tpu.memory_space<hbm>>) target(%arg11 : memref<96x128xf32, #tpu.memory_space<vmem>>) offsets(%dma_start3A_72 : memref<96xi32, #tpu.memory_space<vmem>>) semaphore(%arg15 : memref<!tpu.dma_semaphore, #tpu.memory_space<semaphore_mem>>)
        %dma_wait3A_76 = arith.constant 0 : i32
        %dma_wait3A_77 = arith.constant 0 : i32
        %dma_wait3A_78 = tpu.memref_slice %arg7[%dma_wait3A_76, %dma_wait3A_77] : memref<21x96xi32, #tpu.memory_space<vmem>> -> memref<1x96xi32, #tpu.memory_space<vmem>>
        %dma_wait3A_79 = tpu.memref_squeeze %dma_wait3A_78 : memref<1x96xi32, #tpu.memory_space<vmem>> -> memref<96xi32, #tpu.memory_space<vmem>>
        %dma_wait3A_80 = arith.constant 0 : i32
        %dma_wait3A_81 = arith.constant 0 : i32
        %dma_wait3A_82 = tpu.memref_slice %arg2[%dma_wait3A_80, %dma_wait3A_81] : memref<10000x128xf32, #tpu.memory_space<hbm>> -> memref<10000x128xf32, #tpu.memory_space<hbm>>
        tpu.wait_indirect_dma semaphore(%arg13 : memref<!tpu.dma_semaphore, #tpu.memory_space<semaphore_mem>>) src(%dma_wait3A_82 : memref<10000x128xf32, #tpu.memory_space<hbm>>) dst(%arg9 : memref<96x128xf32, #tpu.memory_space<vmem>>)
        "tpu.region"() ({
          %run_scoped3A_117 = tpu.sem_alloc : memref<!tpu.dma_semaphore, #tpu.memory_space<semaphore_mem>>
          %dma_start3A_118 = arith.constant 0 : i32
          %dma_start3A_119 = tpu.memref_slice %arg8[%mul3A_67, %dma_start3A_118] : memref<21x96xi32, #tpu.memory_space<vmem>> -> memref<1x96xi32, #tpu.memory_space<vmem>>
          %dma_start3A_120 = tpu.memref_squeeze %dma_start3A_119 : memref<1x96xi32, #tpu.memory_space<vmem>> -> memref<96xi32, #tpu.memory_space<vmem>>
          %dma_start3A_121 = arith.constant 0 : i32
          %dma_start3A_122 = arith.constant 0 : i32
          %dma_start3A_123 = tpu.memref_slice %arg12[%dma_start3A_121, %dma_start3A_122] : memref<10256x128xf32, #tpu.memory_space<vmem_shared>> -> memref<10256x128xf32, #tpu.memory_space<vmem_shared>>
          tpu.enqueue_indirect_dma source(%arg9 : memref<96x128xf32, #tpu.memory_space<vmem>>) target(%dma_start3A_123 : memref<10256x128xf32, #tpu.memory_space<vmem_shared>>) offsets(%dma_start3A_120 : memref<96xi32, #tpu.memory_space<vmem>>) semaphore(%run_scoped3A_117 : memref<!tpu.dma_semaphore, #tpu.memory_space<semaphore_mem>>) {add = true}
          %dma_wait3A_124 = arith.constant 0 : i32
          %dma_wait3A_125 = tpu.memref_slice %arg8[%mul3A_67, %dma_wait3A_124] : memref<21x96xi32, #tpu.memory_space<vmem>> -> memref<1x96xi32, #tpu.memory_space<vmem>>
          %dma_wait3A_126 = tpu.memref_squeeze %dma_wait3A_125 : memref<1x96xi32, #tpu.memory_space<vmem>> -> memref<96xi32, #tpu.memory_space<vmem>>
          %dma_wait3A_127 = arith.constant 0 : i32
          %dma_wait3A_128 = arith.constant 0 : i32
          %dma_wait3A_129 = tpu.memref_slice %arg12[%dma_wait3A_127, %dma_wait3A_128] : memref<10256x128xf32, #tpu.memory_space<vmem_shared>> -> memref<10256x128xf32, #tpu.memory_space<vmem_shared>>
          tpu.wait_indirect_dma semaphore(%run_scoped3A_117 : memref<!tpu.dma_semaphore, #tpu.memory_space<semaphore_mem>>) src(%arg9 : memref<96x128xf32, #tpu.memory_space<vmem>>) dst(%dma_wait3A_129 : memref<10256x128xf32, #tpu.memory_space<vmem_shared>>)
          tpu.yield
        }) : () -> ()
        %add3A_83 = arith.constant 3 : i32
        %add3A_84 = arith.addi %mul3A_67, %add3A_83 : i32
        %dma_start3A_85 = arith.constant 0 : i32
        %dma_start3A_86 = tpu.memref_slice %arg7[%add3A_84, %dma_start3A_85] : memref<21x96xi32, #tpu.memory_space<vmem>> -> memref<1x96xi32, #tpu.memory_space<vmem>>
        %dma_start3A_87 = tpu.memref_squeeze %dma_start3A_86 : memref<1x96xi32, #tpu.memory_space<vmem>> -> memref<96xi32, #tpu.memory_space<vmem>>
        %dma_start3A_88 = arith.constant 0 : i32
        %dma_start3A_89 = arith.constant 0 : i32
        %dma_start3A_90 = tpu.memref_slice %arg2[%dma_start3A_88, %dma_start3A_89] : memref<10000x128xf32, #tpu.memory_space<hbm>> -> memref<10000x128xf32, #tpu.memory_space<hbm>>
        tpu.enqueue_indirect_dma source(%dma_start3A_90 : memref<10000x128xf32, #tpu.memory_space<hbm>>) target(%arg9 : memref<96x128xf32, #tpu.memory_space<vmem>>) offsets(%dma_start3A_87 : memref<96xi32, #tpu.memory_space<vmem>>) semaphore(%arg13 : memref<!tpu.dma_semaphore, #tpu.memory_space<semaphore_mem>>)
        %dma_wait3A_91 = arith.constant 0 : i32
        %dma_wait3A_92 = arith.constant 0 : i32
        %dma_wait3A_93 = tpu.memref_slice %arg7[%dma_wait3A_91, %dma_wait3A_92] : memref<21x96xi32, #tpu.memory_space<vmem>> -> memref<1x96xi32, #tpu.memory_space<vmem>>
        %dma_wait3A_94 = tpu.memref_squeeze %dma_wait3A_93 : memref<1x96xi32, #tpu.memory_space<vmem>> -> memref<96xi32, #tpu.memory_space<vmem>>
        %dma_wait3A_95 = arith.constant 0 : i32
        %dma_wait3A_96 = arith.constant 0 : i32
        %dma_wait3A_97 = tpu.memref_slice %arg2[%dma_wait3A_95, %dma_wait3A_96] : memref<10000x128xf32, #tpu.memory_space<hbm>> -> memref<10000x128xf32, #tpu.memory_space<hbm>>
        tpu.wait_indirect_dma semaphore(%arg14 : memref<!tpu.dma_semaphore, #tpu.memory_space<semaphore_mem>>) src(%dma_wait3A_97 : memref<10000x128xf32, #tpu.memory_space<hbm>>) dst(%arg10 : memref<96x128xf32, #tpu.memory_space<vmem>>)
        %add3A_98 = arith.constant 1 : i32
        %add3A_99 = arith.addi %mul3A_67, %add3A_98 : i32
        "tpu.region"() ({
          %run_scoped3A_117 = tpu.sem_alloc : memref<!tpu.dma_semaphore, #tpu.memory_space<semaphore_mem>>
          %dma_start3A_118 = arith.constant 0 : i32
          %dma_start3A_119 = tpu.memref_slice %arg8[%add3A_99, %dma_start3A_118] : memref<21x96xi32, #tpu.memory_space<vmem>> -> memref<1x96xi32, #tpu.memory_space<vmem>>
          %dma_start3A_120 = tpu.memref_squeeze %dma_start3A_119 : memref<1x96xi32, #tpu.memory_space<vmem>> -> memref<96xi32, #tpu.memory_space<vmem>>
          %dma_start3A_121 = arith.constant 0 : i32
          %dma_start3A_122 = arith.constant 0 : i32
          %dma_start3A_123 = tpu.memref_slice %arg12[%dma_start3A_121, %dma_start3A_122] : memref<10256x128xf32, #tpu.memory_space<vmem_shared>> -> memref<10256x128xf32, #tpu.memory_space<vmem_shared>>
          tpu.enqueue_indirect_dma source(%arg10 : memref<96x128xf32, #tpu.memory_space<vmem>>) target(%dma_start3A_123 : memref<10256x128xf32, #tpu.memory_space<vmem_shared>>) offsets(%dma_start3A_120 : memref<96xi32, #tpu.memory_space<vmem>>) semaphore(%run_scoped3A_117 : memref<!tpu.dma_semaphore, #tpu.memory_space<semaphore_mem>>) {add = true}
          %dma_wait3A_124 = arith.constant 0 : i32
          %dma_wait3A_125 = tpu.memref_slice %arg8[%add3A_99, %dma_wait3A_124] : memref<21x96xi32, #tpu.memory_space<vmem>> -> memref<1x96xi32, #tpu.memory_space<vmem>>
          %dma_wait3A_126 = tpu.memref_squeeze %dma_wait3A_125 : memref<1x96xi32, #tpu.memory_space<vmem>> -> memref<96xi32, #tpu.memory_space<vmem>>
          %dma_wait3A_127 = arith.constant 0 : i32
          %dma_wait3A_128 = arith.constant 0 : i32
          %dma_wait3A_129 = tpu.memref_slice %arg12[%dma_wait3A_127, %dma_wait3A_128] : memref<10256x128xf32, #tpu.memory_space<vmem_shared>> -> memref<10256x128xf32, #tpu.memory_space<vmem_shared>>
          tpu.wait_indirect_dma semaphore(%run_scoped3A_117 : memref<!tpu.dma_semaphore, #tpu.memory_space<semaphore_mem>>) src(%arg10 : memref<96x128xf32, #tpu.memory_space<vmem>>) dst(%dma_wait3A_129 : memref<10256x128xf32, #tpu.memory_space<vmem_shared>>)
          tpu.yield
        }) : () -> ()
        %add3A_100 = arith.constant 4 : i32
        %add3A_101 = arith.addi %mul3A_67, %add3A_100 : i32
        %dma_start3A_102 = arith.constant 0 : i32
        %dma_start3A_103 = tpu.memref_slice %arg7[%add3A_101, %dma_start3A_102] : memref<21x96xi32, #tpu.memory_space<vmem>> -> memref<1x96xi32, #tpu.memory_space<vmem>>
        %dma_start3A_104 = tpu.memref_squeeze %dma_start3A_103 : memref<1x96xi32, #tpu.memory_space<vmem>> -> memref<96xi32, #tpu.memory_space<vmem>>
        %dma_start3A_105 = arith.constant 0 : i32
        %dma_start3A_106 = arith.constant 0 : i32
        %dma_start3A_107 = tpu.memref_slice %arg2[%dma_start3A_105, %dma_start3A_106] : memref<10000x128xf32, #tpu.memory_space<hbm>> -> memref<10000x128xf32, #tpu.memory_space<hbm>>
        tpu.enqueue_indirect_dma source(%dma_start3A_107 : memref<10000x128xf32, #tpu.memory_space<hbm>>) target(%arg10 : memref<96x128xf32, #tpu.memory_space<vmem>>) offsets(%dma_start3A_104 : memref<96xi32, #tpu.memory_space<vmem>>) semaphore(%arg14 : memref<!tpu.dma_semaphore, #tpu.memory_space<semaphore_mem>>)
        %dma_wait3A_108 = arith.constant 0 : i32
        %dma_wait3A_109 = arith.constant 0 : i32
        %dma_wait3A_110 = tpu.memref_slice %arg7[%dma_wait3A_108, %dma_wait3A_109] : memref<21x96xi32, #tpu.memory_space<vmem>> -> memref<1x96xi32, #tpu.memory_space<vmem>>
        %dma_wait3A_111 = tpu.memref_squeeze %dma_wait3A_110 : memref<1x96xi32, #tpu.memory_space<vmem>> -> memref<96xi32, #tpu.memory_space<vmem>>
        %dma_wait3A_112 = arith.constant 0 : i32
        %dma_wait3A_113 = arith.constant 0 : i32
        %dma_wait3A_114 = tpu.memref_slice %arg2[%dma_wait3A_112, %dma_wait3A_113] : memref<10000x128xf32, #tpu.memory_space<hbm>> -> memref<10000x128xf32, #tpu.memory_space<hbm>>
        tpu.wait_indirect_dma semaphore(%arg15 : memref<!tpu.dma_semaphore, #tpu.memory_space<semaphore_mem>>) src(%dma_wait3A_114 : memref<10000x128xf32, #tpu.memory_space<hbm>>) dst(%arg11 : memref<96x128xf32, #tpu.memory_space<vmem>>)
        %add3A_115 = arith.constant 2 : i32
        %add3A_116 = arith.addi %mul3A_67, %add3A_115 : i32
        "tpu.region"() ({
          %run_scoped3A_117 = tpu.sem_alloc : memref<!tpu.dma_semaphore, #tpu.memory_space<semaphore_mem>>
          %dma_start3A_118 = arith.constant 0 : i32
          %dma_start3A_119 = tpu.memref_slice %arg8[%add3A_116, %dma_start3A_118] : memref<21x96xi32, #tpu.memory_space<vmem>> -> memref<1x96xi32, #tpu.memory_space<vmem>>
          %dma_start3A_120 = tpu.memref_squeeze %dma_start3A_119 : memref<1x96xi32, #tpu.memory_space<vmem>> -> memref<96xi32, #tpu.memory_space<vmem>>
          %dma_start3A_121 = arith.constant 0 : i32
          %dma_start3A_122 = arith.constant 0 : i32
          %dma_start3A_123 = tpu.memref_slice %arg12[%dma_start3A_121, %dma_start3A_122] : memref<10256x128xf32, #tpu.memory_space<vmem_shared>> -> memref<10256x128xf32, #tpu.memory_space<vmem_shared>>
          tpu.enqueue_indirect_dma source(%arg11 : memref<96x128xf32, #tpu.memory_space<vmem>>) target(%dma_start3A_123 : memref<10256x128xf32, #tpu.memory_space<vmem_shared>>) offsets(%dma_start3A_120 : memref<96xi32, #tpu.memory_space<vmem>>) semaphore(%run_scoped3A_117 : memref<!tpu.dma_semaphore, #tpu.memory_space<semaphore_mem>>) {add = true}
          %dma_wait3A_124 = arith.constant 0 : i32
          %dma_wait3A_125 = tpu.memref_slice %arg8[%add3A_116, %dma_wait3A_124] : memref<21x96xi32, #tpu.memory_space<vmem>> -> memref<1x96xi32, #tpu.memory_space<vmem>>
          %dma_wait3A_126 = tpu.memref_squeeze %dma_wait3A_125 : memref<1x96xi32, #tpu.memory_space<vmem>> -> memref<96xi32, #tpu.memory_space<vmem>>
          %dma_wait3A_127 = arith.constant 0 : i32
          %dma_wait3A_128 = arith.constant 0 : i32
          %dma_wait3A_129 = tpu.memref_slice %arg12[%dma_wait3A_127, %dma_wait3A_128] : memref<10256x128xf32, #tpu.memory_space<vmem_shared>> -> memref<10256x128xf32, #tpu.memory_space<vmem_shared>>
          tpu.wait_indirect_dma semaphore(%run_scoped3A_117 : memref<!tpu.dma_semaphore, #tpu.memory_space<semaphore_mem>>) src(%arg11 : memref<96x128xf32, #tpu.memory_space<vmem>>) dst(%dma_wait3A_129 : memref<10256x128xf32, #tpu.memory_space<vmem_shared>>)
          tpu.yield
        }) : () -> ()
      }
      %scan3A_35 = arith.constant 6 : i32
      %dma_start3A_36 = arith.constant 20 : i32
      %dma_start3A_37 = arith.constant 0 : i32
      %dma_start3A_38 = tpu.memref_slice %arg7[%dma_start3A_36, %dma_start3A_37] : memref<21x96xi32, #tpu.memory_space<vmem>> -> memref<1x96xi32, #tpu.memory_space<vmem>>
      %dma_start3A_39 = tpu.memref_squeeze %dma_start3A_38 : memref<1x96xi32, #tpu.memory_space<vmem>> -> memref<96xi32, #tpu.memory_space<vmem>>
      %dma_start3A_40 = arith.constant 0 : i32
      %dma_start3A_41 = arith.constant 0 : i32
      %dma_start3A_42 = tpu.memref_slice %arg2[%dma_start3A_40, %dma_start3A_41] : memref<10000x128xf32, #tpu.memory_space<hbm>> -> memref<10000x128xf32, #tpu.memory_space<hbm>>
      tpu.enqueue_indirect_dma source(%dma_start3A_42 : memref<10000x128xf32, #tpu.memory_space<hbm>>) target(%arg11 : memref<96x128xf32, #tpu.memory_space<vmem>>) offsets(%dma_start3A_39 : memref<96xi32, #tpu.memory_space<vmem>>) semaphore(%arg15 : memref<!tpu.dma_semaphore, #tpu.memory_space<semaphore_mem>>)
      %dma_wait3A = arith.constant 0 : i32
      %dma_wait3A_43 = arith.constant 0 : i32
      %dma_wait3A_44 = tpu.memref_slice %arg7[%dma_wait3A, %dma_wait3A_43] : memref<21x96xi32, #tpu.memory_space<vmem>> -> memref<1x96xi32, #tpu.memory_space<vmem>>
      %dma_wait3A_45 = tpu.memref_squeeze %dma_wait3A_44 : memref<1x96xi32, #tpu.memory_space<vmem>> -> memref<96xi32, #tpu.memory_space<vmem>>
      %dma_wait3A_46 = arith.constant 0 : i32
      %dma_wait3A_47 = arith.constant 0 : i32
      %dma_wait3A_48 = tpu.memref_slice %arg2[%dma_wait3A_46, %dma_wait3A_47] : memref<10000x128xf32, #tpu.memory_space<hbm>> -> memref<10000x128xf32, #tpu.memory_space<hbm>>
      tpu.wait_indirect_dma semaphore(%arg13 : memref<!tpu.dma_semaphore, #tpu.memory_space<semaphore_mem>>) src(%dma_wait3A_48 : memref<10000x128xf32, #tpu.memory_space<hbm>>) dst(%arg9 : memref<96x128xf32, #tpu.memory_space<vmem>>)
      %run_scoped3A = arith.constant 18 : i32
      "tpu.region"() ({
        %run_scoped3A_65 = tpu.sem_alloc : memref<!tpu.dma_semaphore, #tpu.memory_space<semaphore_mem>>
        %dma_start3A_66 = arith.constant 0 : i32
        %dma_start3A_67 = tpu.memref_slice %arg8[%run_scoped3A, %dma_start3A_66] : memref<21x96xi32, #tpu.memory_space<vmem>> -> memref<1x96xi32, #tpu.memory_space<vmem>>
        %dma_start3A_68 = tpu.memref_squeeze %dma_start3A_67 : memref<1x96xi32, #tpu.memory_space<vmem>> -> memref<96xi32, #tpu.memory_space<vmem>>
        %dma_start3A_69 = arith.constant 0 : i32
        %dma_start3A_70 = arith.constant 0 : i32
        %dma_start3A_71 = tpu.memref_slice %arg12[%dma_start3A_69, %dma_start3A_70] : memref<10256x128xf32, #tpu.memory_space<vmem_shared>> -> memref<10256x128xf32, #tpu.memory_space<vmem_shared>>
        tpu.enqueue_indirect_dma source(%arg9 : memref<96x128xf32, #tpu.memory_space<vmem>>) target(%dma_start3A_71 : memref<10256x128xf32, #tpu.memory_space<vmem_shared>>) offsets(%dma_start3A_68 : memref<96xi32, #tpu.memory_space<vmem>>) semaphore(%run_scoped3A_65 : memref<!tpu.dma_semaphore, #tpu.memory_space<semaphore_mem>>) {add = true}
        %dma_wait3A_72 = arith.constant 0 : i32
        %dma_wait3A_73 = tpu.memref_slice %arg8[%run_scoped3A, %dma_wait3A_72] : memref<21x96xi32, #tpu.memory_space<vmem>> -> memref<1x96xi32, #tpu.memory_space<vmem>>
        %dma_wait3A_74 = tpu.memref_squeeze %dma_wait3A_73 : memref<1x96xi32, #tpu.memory_space<vmem>> -> memref<96xi32, #tpu.memory_space<vmem>>
        %dma_wait3A_75 = arith.constant 0 : i32
        %dma_wait3A_76 = arith.constant 0 : i32
        %dma_wait3A_77 = tpu.memref_slice %arg12[%dma_wait3A_75, %dma_wait3A_76] : memref<10256x128xf32, #tpu.memory_space<vmem_shared>> -> memref<10256x128xf32, #tpu.memory_space<vmem_shared>>
        tpu.wait_indirect_dma semaphore(%run_scoped3A_65 : memref<!tpu.dma_semaphore, #tpu.memory_space<semaphore_mem>>) src(%arg9 : memref<96x128xf32, #tpu.memory_space<vmem>>) dst(%dma_wait3A_77 : memref<10256x128xf32, #tpu.memory_space<vmem_shared>>)
        tpu.yield
      }) : () -> ()
      %dma_wait3A_49 = arith.constant 0 : i32
      %dma_wait3A_50 = arith.constant 0 : i32
      %dma_wait3A_51 = tpu.memref_slice %arg7[%dma_wait3A_49, %dma_wait3A_50] : memref<21x96xi32, #tpu.memory_space<vmem>> -> memref<1x96xi32, #tpu.memory_space<vmem>>
      %dma_wait3A_52 = tpu.memref_squeeze %dma_wait3A_51 : memref<1x96xi32, #tpu.memory_space<vmem>> -> memref<96xi32, #tpu.memory_space<vmem>>
      %dma_wait3A_53 = arith.constant 0 : i32
      %dma_wait3A_54 = arith.constant 0 : i32
      %dma_wait3A_55 = tpu.memref_slice %arg2[%dma_wait3A_53, %dma_wait3A_54] : memref<10000x128xf32, #tpu.memory_space<hbm>> -> memref<10000x128xf32, #tpu.memory_space<hbm>>
      tpu.wait_indirect_dma semaphore(%arg14 : memref<!tpu.dma_semaphore, #tpu.memory_space<semaphore_mem>>) src(%dma_wait3A_55 : memref<10000x128xf32, #tpu.memory_space<hbm>>) dst(%arg10 : memref<96x128xf32, #tpu.memory_space<vmem>>)
      %run_scoped3A_56 = arith.constant 19 : i32
      "tpu.region"() ({
        %run_scoped3A_65 = tpu.sem_alloc : memref<!tpu.dma_semaphore, #tpu.memory_space<semaphore_mem>>
        %dma_start3A_66 = arith.constant 0 : i32
        %dma_start3A_67 = tpu.memref_slice %arg8[%run_scoped3A_56, %dma_start3A_66] : memref<21x96xi32, #tpu.memory_space<vmem>> -> memref<1x96xi32, #tpu.memory_space<vmem>>
        %dma_start3A_68 = tpu.memref_squeeze %dma_start3A_67 : memref<1x96xi32, #tpu.memory_space<vmem>> -> memref<96xi32, #tpu.memory_space<vmem>>
        %dma_start3A_69 = arith.constant 0 : i32
        %dma_start3A_70 = arith.constant 0 : i32
        %dma_start3A_71 = tpu.memref_slice %arg12[%dma_start3A_69, %dma_start3A_70] : memref<10256x128xf32, #tpu.memory_space<vmem_shared>> -> memref<10256x128xf32, #tpu.memory_space<vmem_shared>>
        tpu.enqueue_indirect_dma source(%arg10 : memref<96x128xf32, #tpu.memory_space<vmem>>) target(%dma_start3A_71 : memref<10256x128xf32, #tpu.memory_space<vmem_shared>>) offsets(%dma_start3A_68 : memref<96xi32, #tpu.memory_space<vmem>>) semaphore(%run_scoped3A_65 : memref<!tpu.dma_semaphore, #tpu.memory_space<semaphore_mem>>) {add = true}
        %dma_wait3A_72 = arith.constant 0 : i32
        %dma_wait3A_73 = tpu.memref_slice %arg8[%run_scoped3A_56, %dma_wait3A_72] : memref<21x96xi32, #tpu.memory_space<vmem>> -> memref<1x96xi32, #tpu.memory_space<vmem>>
        %dma_wait3A_74 = tpu.memref_squeeze %dma_wait3A_73 : memref<1x96xi32, #tpu.memory_space<vmem>> -> memref<96xi32, #tpu.memory_space<vmem>>
        %dma_wait3A_75 = arith.constant 0 : i32
        %dma_wait3A_76 = arith.constant 0 : i32
        %dma_wait3A_77 = tpu.memref_slice %arg12[%dma_wait3A_75, %dma_wait3A_76] : memref<10256x128xf32, #tpu.memory_space<vmem_shared>> -> memref<10256x128xf32, #tpu.memory_space<vmem_shared>>
        tpu.wait_indirect_dma semaphore(%run_scoped3A_65 : memref<!tpu.dma_semaphore, #tpu.memory_space<semaphore_mem>>) src(%arg10 : memref<96x128xf32, #tpu.memory_space<vmem>>) dst(%dma_wait3A_77 : memref<10256x128xf32, #tpu.memory_space<vmem_shared>>)
        tpu.yield
      }) : () -> ()
      %dma_wait3A_57 = arith.constant 0 : i32
      %dma_wait3A_58 = arith.constant 0 : i32
      %dma_wait3A_59 = tpu.memref_slice %arg7[%dma_wait3A_57, %dma_wait3A_58] : memref<21x96xi32, #tpu.memory_space<vmem>> -> memref<1x96xi32, #tpu.memory_space<vmem>>
      %dma_wait3A_60 = tpu.memref_squeeze %dma_wait3A_59 : memref<1x96xi32, #tpu.memory_space<vmem>> -> memref<96xi32, #tpu.memory_space<vmem>>
      %dma_wait3A_61 = arith.constant 0 : i32
      %dma_wait3A_62 = arith.constant 0 : i32
      %dma_wait3A_63 = tpu.memref_slice %arg2[%dma_wait3A_61, %dma_wait3A_62] : memref<10000x128xf32, #tpu.memory_space<hbm>> -> memref<10000x128xf32, #tpu.memory_space<hbm>>
      tpu.wait_indirect_dma semaphore(%arg15 : memref<!tpu.dma_semaphore, #tpu.memory_space<semaphore_mem>>) src(%dma_wait3A_63 : memref<10000x128xf32, #tpu.memory_space<hbm>>) dst(%arg11 : memref<96x128xf32, #tpu.memory_space<vmem>>)
      %run_scoped3A_64 = arith.constant 20 : i32
      "tpu.region"() ({
        %run_scoped3A_65 = tpu.sem_alloc : memref<!tpu.dma_semaphore, #tpu.memory_space<semaphore_mem>>
        %dma_start3A_66 = arith.constant 0 : i32
        %dma_start3A_67 = tpu.memref_slice %arg8[%run_scoped3A_64, %dma_start3A_66] : memref<21x96xi32, #tpu.memory_space<vmem>> -> memref<1x96xi32, #tpu.memory_space<vmem>>
        %dma_start3A_68 = tpu.memref_squeeze %dma_start3A_67 : memref<1x96xi32, #tpu.memory_space<vmem>> -> memref<96xi32, #tpu.memory_space<vmem>>
        %dma_start3A_69 = arith.constant 0 : i32
        %dma_start3A_70 = arith.constant 0 : i32
        %dma_start3A_71 = tpu.memref_slice %arg12[%dma_start3A_69, %dma_start3A_70] : memref<10256x128xf32, #tpu.memory_space<vmem_shared>> -> memref<10256x128xf32, #tpu.memory_space<vmem_shared>>
        tpu.enqueue_indirect_dma source(%arg11 : memref<96x128xf32, #tpu.memory_space<vmem>>) target(%dma_start3A_71 : memref<10256x128xf32, #tpu.memory_space<vmem_shared>>) offsets(%dma_start3A_68 : memref<96xi32, #tpu.memory_space<vmem>>) semaphore(%run_scoped3A_65 : memref<!tpu.dma_semaphore, #tpu.memory_space<semaphore_mem>>) {add = true}
        %dma_wait3A_72 = arith.constant 0 : i32
        %dma_wait3A_73 = tpu.memref_slice %arg8[%run_scoped3A_64, %dma_wait3A_72] : memref<21x96xi32, #tpu.memory_space<vmem>> -> memref<1x96xi32, #tpu.memory_space<vmem>>
        %dma_wait3A_74 = tpu.memref_squeeze %dma_wait3A_73 : memref<1x96xi32, #tpu.memory_space<vmem>> -> memref<96xi32, #tpu.memory_space<vmem>>
        %dma_wait3A_75 = arith.constant 0 : i32
        %dma_wait3A_76 = arith.constant 0 : i32
        %dma_wait3A_77 = tpu.memref_slice %arg12[%dma_wait3A_75, %dma_wait3A_76] : memref<10256x128xf32, #tpu.memory_space<vmem_shared>> -> memref<10256x128xf32, #tpu.memory_space<vmem_shared>>
        tpu.wait_indirect_dma semaphore(%run_scoped3A_65 : memref<!tpu.dma_semaphore, #tpu.memory_space<semaphore_mem>>) src(%arg11 : memref<96x128xf32, #tpu.memory_space<vmem>>) dst(%dma_wait3A_77 : memref<10256x128xf32, #tpu.memory_space<vmem_shared>>)
        tpu.yield
      }) : () -> ()
    }
    %scan3A_9 = arith.constant 5 : i32
    %barrier3A_10 = arith.constant 0 : index
    tpu.barrier barrier_id(%barrier3A_10)
    "tpu.region"() ({
      %run_scoped3A = tpu.sem_alloc : memref<!tpu.dma_semaphore, #tpu.memory_space<semaphore_mem>>
      %dma_start3A = arith.constant 0 : i32
      %dma_start3A_16 = tpu.memref_slice %arg6[%arg0, %mul3A_2, %dma_start3A] : memref<2x10000x128xf32, #tpu.memory_space<hbm>> -> memref<1x624x128xf32, #tpu.memory_space<hbm>>
      %dma_start3A_17 = tpu.memref_squeeze %dma_start3A_16 : memref<1x624x128xf32, #tpu.memory_space<hbm>> -> memref<624x128xf32, #tpu.memory_space<hbm>>
      %dma_start3A_18 = arith.constant 0 : i32
      %dma_start3A_19 = tpu.memref_slice %arg12[%mul3A_2, %dma_start3A_18] : memref<10256x128xf32, #tpu.memory_space<vmem_shared>> -> memref<624x128xf32, #tpu.memory_space<vmem_shared>>
      tpu.enqueue_dma source(%dma_start3A_19 : memref<624x128xf32, #tpu.memory_space<vmem_shared>>) target(%dma_start3A_17 : memref<624x128xf32, #tpu.memory_space<hbm>>) target_semaphore(%run_scoped3A : memref<!tpu.dma_semaphore, #tpu.memory_space<semaphore_mem>>)
      %dma_wait3A = arith.constant 0 : i32
      %dma_wait3A_20 = tpu.memref_slice %arg6[%arg0, %mul3A_2, %dma_wait3A] : memref<2x10000x128xf32, #tpu.memory_space<hbm>> -> memref<1x624x128xf32, #tpu.memory_space<hbm>>
      %dma_wait3A_21 = tpu.memref_squeeze %dma_wait3A_20 : memref<1x624x128xf32, #tpu.memory_space<hbm>> -> memref<624x128xf32, #tpu.memory_space<hbm>>
      %dma_wait3A_22 = arith.constant 0 : i32
      %dma_wait3A_23 = tpu.memref_slice %arg12[%mul3A_2, %dma_wait3A_22] : memref<10256x128xf32, #tpu.memory_space<vmem_shared>> -> memref<624x128xf32, #tpu.memory_space<vmem_shared>>
      tpu.wait_dma2 semaphore(%run_scoped3A : memref<!tpu.dma_semaphore, #tpu.memory_space<semaphore_mem>>) src(%dma_wait3A_23 : memref<624x128xf32, #tpu.memory_space<vmem_shared>>) dst(%dma_wait3A_21 : memref<624x128xf32, #tpu.memory_space<hbm>>)
      tpu.yield
    }) : () -> ()
    %eq3A_11 = arith.constant 15 : i32
    %eq3A_12 = arith.cmpi eq, %arg1, %eq3A_11 : i32
    %convert_element_type3A_13 = arith.extui %eq3A_12 : i1 to i32
    %cond3A_14 = arith.constant 0 : i32
    %cond3A_15 = arith.cmpi ne, %convert_element_type3A_13, %cond3A_14 : i32
    scf.if %cond3A_15 {
      "tpu.region"() ({
        %run_scoped3A = tpu.sem_alloc : memref<!tpu.dma_semaphore, #tpu.memory_space<semaphore_mem>>
        %dma_start3A = arith.constant 9984 : i32
        %dma_start3A_16 = arith.constant 0 : i32
        %dma_start3A_17 = tpu.memref_slice %arg6[%arg0, %dma_start3A, %dma_start3A_16] : memref<2x10000x128xf32, #tpu.memory_space<hbm>> -> memref<1x16x128xf32, #tpu.memory_space<hbm>>
        %dma_start3A_18 = tpu.memref_squeeze %dma_start3A_17 : memref<1x16x128xf32, #tpu.memory_space<hbm>> -> memref<16x128xf32, #tpu.memory_space<hbm>>
        %dma_start3A_19 = arith.constant 9984 : i32
        %dma_start3A_20 = arith.constant 0 : i32
        %dma_start3A_21 = tpu.memref_slice %arg12[%dma_start3A_19, %dma_start3A_20] : memref<10256x128xf32, #tpu.memory_space<vmem_shared>> -> memref<16x128xf32, #tpu.memory_space<vmem_shared>>
        tpu.enqueue_dma source(%dma_start3A_21 : memref<16x128xf32, #tpu.memory_space<vmem_shared>>) target(%dma_start3A_18 : memref<16x128xf32, #tpu.memory_space<hbm>>) target_semaphore(%run_scoped3A : memref<!tpu.dma_semaphore, #tpu.memory_space<semaphore_mem>>)
        %dma_wait3A = arith.constant 9984 : i32
        %dma_wait3A_22 = arith.constant 0 : i32
        %dma_wait3A_23 = tpu.memref_slice %arg6[%arg0, %dma_wait3A, %dma_wait3A_22] : memref<2x10000x128xf32, #tpu.memory_space<hbm>> -> memref<1x16x128xf32, #tpu.memory_space<hbm>>
        %dma_wait3A_24 = tpu.memref_squeeze %dma_wait3A_23 : memref<1x16x128xf32, #tpu.memory_space<hbm>> -> memref<16x128xf32, #tpu.memory_space<hbm>>
        %dma_wait3A_25 = arith.constant 9984 : i32
        %dma_wait3A_26 = arith.constant 0 : i32
        %dma_wait3A_27 = tpu.memref_slice %arg12[%dma_wait3A_25, %dma_wait3A_26] : memref<10256x128xf32, #tpu.memory_space<vmem_shared>> -> memref<16x128xf32, #tpu.memory_space<vmem_shared>>
        tpu.wait_dma2 semaphore(%run_scoped3A : memref<!tpu.dma_semaphore, #tpu.memory_space<semaphore_mem>>) src(%dma_wait3A_27 : memref<16x128xf32, #tpu.memory_space<vmem_shared>>) dst(%dma_wait3A_24 : memref<16x128xf32, #tpu.memory_space<hbm>>)
        tpu.yield
      }) : () -> ()
    } else {
    }
    return
  }
}

module attributes {stable_mosaic.version = 14 : i64} {
  func.func @_proj_body(%arg0: i32, %arg1: memref<1000x128xf32, #tpu.memory_space<vmem>>, %arg2: memref<1000x128xf32, #tpu.memory_space<vmem>>, %arg3: memref<128x128xf32, #tpu.memory_space<vmem>>, %arg4: memref<1x128xf32, #tpu.memory_space<vmem>>, %arg5: memref<128x128xf32, #tpu.memory_space<vmem>>, %arg6: memref<1x128xf32, #tpu.memory_space<vmem>>, %arg7: memref<1000x128xf32, #tpu.memory_space<vmem>>) attributes {dimension_semantics = [#tpu.dimension_semantics<arbitrary>], iteration_bounds = array<i64: 10>, scalar_prefetch = 0 : i64, scratch_operands = 0 : i64, tpu.core_type = #tpu.core_type<tc>, window_params = [{transform_indices = @transform_0, window_bounds = array<i64: 1000, 128>}, {transform_indices = @transform_1, window_bounds = array<i64: 1000, 128>}, {pipeline_mode = #tpu.pipeline_mode<synchronous>, transform_indices = @transform_2, window_bounds = array<i64: 128, 128>}, {pipeline_mode = #tpu.pipeline_mode<synchronous>, transform_indices = @transform_3, window_bounds = array<i64: 1, 128>}, {pipeline_mode = #tpu.pipeline_mode<synchronous>, transform_indices = @transform_4, window_bounds = array<i64: 128, 128>}, {pipeline_mode = #tpu.pipeline_mode<synchronous>, transform_indices = @transform_5, window_bounds = array<i64: 1, 128>}, {transform_indices = @transform_6, window_bounds = array<i64: 1000, 128>}]} {
    %lt3A = arith.constant 5 : i32
    %lt3A_0 = arith.cmpi slt, %arg0, %lt3A : i32
    %get3A = arith.constant 0 : index
    %get3A_1 = arith.constant 0 : index
    %get3A_2 = vector.load %arg1[%get3A, %get3A_1] : memref<1000x128xf32, #tpu.memory_space<vmem>>, vector<1000x128xf32>
    %get3A_3 = arith.constant 0 : index
    %get3A_4 = arith.constant 0 : index
    %get3A_5 = vector.load %arg2[%get3A_3, %get3A_4] : memref<1000x128xf32, #tpu.memory_space<vmem>>, vector<1000x128xf32>
    %select_n3A = arith.select %lt3A_0, %get3A_2, %get3A_5 : vector<1000x128xf32>
    %get3A_6 = arith.constant 0 : index
    %get3A_7 = arith.constant 0 : index
    %get3A_8 = vector.load %arg3[%get3A_6, %get3A_7] : memref<128x128xf32, #tpu.memory_space<vmem>>, vector<128x128xf32>
    %get3A_9 = arith.constant 0 : index
    %get3A_10 = arith.constant 0 : index
    %get3A_11 = vector.load %arg5[%get3A_9, %get3A_10] : memref<128x128xf32, #tpu.memory_space<vmem>>, vector<128x128xf32>
    %select_n3A_12 = arith.select %lt3A_0, %get3A_8, %get3A_11 : vector<128x128xf32>
    %get3A_13 = arith.constant 0 : index
    %get3A_14 = arith.constant 0 : index
    %get3A_15 = vector.load %arg4[%get3A_13, %get3A_14] : memref<1x128xf32, #tpu.memory_space<vmem>>, vector<1x128xf32>
    %get3A_16 = arith.constant 0 : index
    %get3A_17 = arith.constant 0 : index
    %get3A_18 = vector.load %arg6[%get3A_16, %get3A_17] : memref<1x128xf32, #tpu.memory_space<vmem>>, vector<1x128xf32>
    %select_n3A_19 = arith.select %lt3A_0, %get3A_15, %get3A_18 : vector<1x128xf32>
    %dot_general3A = arith.constant dense<0.000000e+00> : vector<1000x128xf32>
    %dot_general3A_20 = tpu.matmul %select_n3A, %select_n3A_12, %dot_general3A {dimension_numbers = #tpu.dot_dimension_numbers<[1], [0], [0], [1], [0, 0, 1, 1], [], []>, transpose_lhs_hint = false} : vector<1000x128xf32>, vector<128x128xf32>, vector<1000x128xf32> -> vector<1000x128xf32>
    %add3A = vector.broadcast %select_n3A_19 : vector<1x128xf32> to vector<1000x128xf32>
    %add3A_21 = arith.addf %dot_general3A_20, %add3A : vector<1000x128xf32>
    %swap3A = arith.constant 0 : index
    %swap3A_22 = arith.constant 0 : index
    %swap3A_23 = vector.load %arg7[%swap3A, %swap3A_22] : memref<1000x128xf32, #tpu.memory_space<vmem>>, vector<1000x128xf32>
    tpu.vector_store %arg7[%swap3A, %swap3A_22], %add3A_21 {strides = array<i32>} : memref<1000x128xf32, #tpu.memory_space<vmem>>, vector<1000x128xf32>,
    return
  }
  func.func @transform_0(%arg0: i32) -> (i32, i32) {
    %min3A = arith.constant 4 : i32
    %min3A_0 = arith.minsi %arg0, %min3A : i32
    %c0_i32 = arith.constant 0 : i32
    %c0_i32_1 = arith.constant 0 : i32
    return %min3A_0, %c0_i32 : i32, i32
  }
  func.func @transform_1(%arg0: i32) -> (i32, i32) {
    %sub3A = arith.constant 5 : i32
    %sub3A_0 = arith.subi %arg0, %sub3A : i32
    %max3A = arith.constant 0 : i32
    %max3A_1 = arith.maxsi %sub3A_0, %max3A : i32
    %c0_i32 = arith.constant 0 : i32
    %c0_i32_2 = arith.constant 0 : i32
    return %max3A_1, %c0_i32 : i32, i32
  }
  func.func @transform_2(%arg0: i32) -> (i32, i32) {
    %c0_i32 = arith.constant 0 : i32
    %c0_i32_0 = arith.constant 0 : i32
    %c0_i32_1 = arith.constant 0 : i32
    return %c0_i32, %c0_i32_0 : i32, i32
  }
  func.func @transform_3(%arg0: i32) -> (i32, i32) {
    %c0_i32 = arith.constant 0 : i32
    %c0_i32_0 = arith.constant 0 : i32
    %c0_i32_1 = arith.constant 0 : i32
    return %c0_i32, %c0_i32_0 : i32, i32
  }
  func.func @transform_4(%arg0: i32) -> (i32, i32) {
    %c0_i32 = arith.constant 0 : i32
    %c0_i32_0 = arith.constant 0 : i32
    %c0_i32_1 = arith.constant 0 : i32
    return %c0_i32, %c0_i32_0 : i32, i32
  }
  func.func @transform_5(%arg0: i32) -> (i32, i32) {
    %c0_i32 = arith.constant 0 : i32
    %c0_i32_0 = arith.constant 0 : i32
    %c0_i32_1 = arith.constant 0 : i32
    return %c0_i32, %c0_i32_0 : i32, i32
  }
  func.func @transform_6(%arg0: i32) -> (i32, i32) {
    %c0_i32 = arith.constant 0 : i32
    %c0_i32_0 = arith.constant 0 : i32
    return %arg0, %c0_i32 : i32, i32
  }
}

module attributes {stable_mosaic.version = 14 : i64} {
  func.func @_layer_body(%arg0: i32, %arg1: memref<2x5000x128xf32, #tpu.memory_space<vmem>>, %arg2: memref<5000x1xf32, #tpu.memory_space<vmem>>, %arg3: memref<5000x1xf32, #tpu.memory_space<vmem>>, %arg4: memref<5000x128xf32, #tpu.memory_space<vmem>>, %arg5: memref<128x128xf32, #tpu.memory_space<vmem>>, %arg6: memref<1x128xf32, #tpu.memory_space<vmem>>, %arg7: memref<128x128xf32, #tpu.memory_space<vmem>>, %arg8: memref<5000x128xf32, #tpu.memory_space<vmem>>) attributes {dimension_semantics = [#tpu.dimension_semantics<arbitrary>], iteration_bounds = array<i64: 2>, scalar_prefetch = 0 : i64, scratch_operands = 0 : i64, tpu.core_type = #tpu.core_type<tc>, window_params = [{transform_indices = @transform_0, window_bounds = array<i64: 2, 5000, 128>}, {transform_indices = @transform_1, window_bounds = array<i64: 5000, 1>}, {transform_indices = @transform_2, window_bounds = array<i64: 5000, 1>}, {transform_indices = @transform_3, window_bounds = array<i64: 5000, 128>}, {pipeline_mode = #tpu.pipeline_mode<synchronous>, transform_indices = @transform_4, window_bounds = array<i64: 128, 128>}, {pipeline_mode = #tpu.pipeline_mode<synchronous>, transform_indices = @transform_5, window_bounds = array<i64: 1, 128>}, {pipeline_mode = #tpu.pipeline_mode<synchronous>, transform_indices = @transform_6, window_bounds = array<i64: 128, 128>}, {transform_indices = @transform_7, window_bounds = array<i64: 5000, 128>}]} {
    %get3A = arith.constant 0 : index
    %get3A_0 = arith.constant 0 : index
    %get3A_1 = vector.load %arg2[%get3A, %get3A_0] : memref<5000x1xf32, #tpu.memory_space<vmem>>, vector<5000x1xf32>
    %get3A_2 = arith.constant 0 : index
    %get3A_3 = arith.constant 0 : index
    %get3A_4 = vector.load %arg3[%get3A_2, %get3A_3] : memref<5000x1xf32, #tpu.memory_space<vmem>>, vector<5000x1xf32>
    %add3A = arith.addf %get3A_1, %get3A_4 : vector<5000x1xf32>
    %max3A = arith.constant 1.000000e+00 : f32
    %max3A_5 = vector.broadcast %max3A : f32 to vector<5000x1xf32>
    %max3A_6 = arith.maximumf %add3A, %max3A_5 : vector<5000x1xf32>
    %get3A_7 = arith.constant 0 : index
    %get3A_8 = arith.constant 0 : index
    %get3A_9 = arith.constant 0 : index
    %get3A_10 = vector.load %arg1[%get3A_7, %get3A_8, %get3A_9] : memref<2x5000x128xf32, #tpu.memory_space<vmem>>, vector<1x5000x128xf32>
    %get3A_11 = vector.shape_cast %get3A_10 : vector<1x5000x128xf32> to vector<5000x128xf32>
    %get3A_12 = arith.constant 1 : index
    %get3A_13 = arith.constant 0 : index
    %get3A_14 = arith.constant 0 : index
    %get3A_15 = vector.load %arg1[%get3A_12, %get3A_13, %get3A_14] : memref<2x5000x128xf32, #tpu.memory_space<vmem>>, vector<1x5000x128xf32>
    %get3A_16 = vector.shape_cast %get3A_15 : vector<1x5000x128xf32> to vector<5000x128xf32>
    %add3A_17 = arith.addf %get3A_11, %get3A_16 : vector<5000x128xf32>
    %div3A = vector.broadcast %max3A_6 : vector<5000x1xf32> to vector<5000x128xf32>
    %div3A_18 = arith.divf %add3A_17, %div3A : vector<5000x128xf32>
    %get3A_19 = arith.constant 0 : index
    %get3A_20 = arith.constant 0 : index
    %get3A_21 = vector.load %arg5[%get3A_19, %get3A_20] : memref<128x128xf32, #tpu.memory_space<vmem>>, vector<128x128xf32>
    %dot_general3A = arith.constant dense<0.000000e+00> : vector<5000x128xf32>
    %dot_general3A_22 = tpu.matmul %div3A_18, %get3A_21, %dot_general3A {dimension_numbers = #tpu.dot_dimension_numbers<[1], [0], [0], [1], [0, 0, 1, 1], [], []>, transpose_lhs_hint = false} : vector<5000x128xf32>, vector<128x128xf32>, vector<5000x128xf32> -> vector<5000x128xf32>
    %get3A_23 = arith.constant 0 : index
    %get3A_24 = arith.constant 0 : index
    %get3A_25 = vector.load %arg6[%get3A_23, %get3A_24] : memref<1x128xf32, #tpu.memory_space<vmem>>, vector<1x128xf32>
    %add3A_26 = vector.broadcast %get3A_25 : vector<1x128xf32> to vector<5000x128xf32>
    %add3A_27 = arith.addf %dot_general3A_22, %add3A_26 : vector<5000x128xf32>
    %get3A_28 = arith.constant 0 : index
    %get3A_29 = arith.constant 0 : index
    %get3A_30 = vector.load %arg4[%get3A_28, %get3A_29] : memref<5000x128xf32, #tpu.memory_space<vmem>>, vector<5000x128xf32>
    %get3A_31 = arith.constant 0 : index
    %get3A_32 = arith.constant 0 : index
    %get3A_33 = vector.load %arg7[%get3A_31, %get3A_32] : memref<128x128xf32, #tpu.memory_space<vmem>>, vector<128x128xf32>
    %dot_general3A_34 = arith.constant dense<0.000000e+00> : vector<5000x128xf32>
    %dot_general3A_35 = tpu.matmul %get3A_30, %get3A_33, %dot_general3A_34 {dimension_numbers = #tpu.dot_dimension_numbers<[1], [0], [0], [1], [0, 0, 1, 1], [], []>, transpose_lhs_hint = false} : vector<5000x128xf32>, vector<128x128xf32>, vector<5000x128xf32> -> vector<5000x128xf32>
    %add3A_36 = arith.addf %add3A_27, %dot_general3A_35 : vector<5000x128xf32>
    %max3A_37 = arith.constant 0.000000e+00 : f32
    %max3A_38 = vector.broadcast %max3A_37 : f32 to vector<5000x128xf32>
    %max3A_39 = arith.maximumf %add3A_36, %max3A_38 : vector<5000x128xf32>
    %swap3A = arith.constant 0 : index
    %swap3A_40 = arith.constant 0 : index
    %swap3A_41 = vector.load %arg8[%swap3A, %swap3A_40] : memref<5000x128xf32, #tpu.memory_space<vmem>>, vector<5000x128xf32>
    tpu.vector_store %arg8[%swap3A, %swap3A_40], %max3A_39 {strides = array<i32>} : memref<5000x128xf32, #tpu.memory_space<vmem>>, vector<5000x128xf32>,
    return
  }
  func.func @transform_0(%arg0: i32) -> (i32, i32, i32) {
    %c0_i32 = arith.constant 0 : i32
    %c0_i32_0 = arith.constant 0 : i32
    %c0_i32_1 = arith.constant 0 : i32
    return %c0_i32, %arg0, %c0_i32_0 : i32, i32, i32
  }
  func.func @transform_1(%arg0: i32) -> (i32, i32) {
    %c0_i32 = arith.constant 0 : i32
    %c0_i32_0 = arith.constant 0 : i32
    return %arg0, %c0_i32 : i32, i32
  }
  func.func @transform_2(%arg0: i32) -> (i32, i32) {
    %c0_i32 = arith.constant 0 : i32
    %c0_i32_0 = arith.constant 0 : i32
    return %arg0, %c0_i32 : i32, i32
  }
  func.func @transform_3(%arg0: i32) -> (i32, i32) {
    %c0_i32 = arith.constant 0 : i32
    %c0_i32_0 = arith.constant 0 : i32
    return %arg0, %c0_i32 : i32, i32
  }
  func.func @transform_4(%arg0: i32) -> (i32, i32) {
    %c0_i32 = arith.constant 0 : i32
    %c0_i32_0 = arith.constant 0 : i32
    %c0_i32_1 = arith.constant 0 : i32
    return %c0_i32, %c0_i32_0 : i32, i32
  }
  func.func @transform_5(%arg0: i32) -> (i32, i32) {
    %c0_i32 = arith.constant 0 : i32
    %c0_i32_0 = arith.constant 0 : i32
    %c0_i32_1 = arith.constant 0 : i32
    return %c0_i32, %c0_i32_0 : i32, i32
  }
  func.func @transform_6(%arg0: i32) -> (i32, i32) {
    %c0_i32 = arith.constant 0 : i32
    %c0_i32_0 = arith.constant 0 : i32
    %c0_i32_1 = arith.constant 0 : i32
    return %c0_i32, %c0_i32_0 : i32, i32
  }
  func.func @transform_7(%arg0: i32) -> (i32, i32) {
    %c0_i32 = arith.constant 0 : i32
    %c0_i32_0 = arith.constant 0 : i32
    return %arg0, %c0_i32 : i32, i32
  }
}

module attributes {stable_mosaic.version = 14 : i64} {
  func.func @_layer_body(%arg0: i32, %arg1: memref<2x5000x128xf32, #tpu.memory_space<vmem>>, %arg2: memref<5000x1xf32, #tpu.memory_space<vmem>>, %arg3: memref<5000x1xf32, #tpu.memory_space<vmem>>, %arg4: memref<5000x128xf32, #tpu.memory_space<vmem>>, %arg5: memref<128x128xf32, #tpu.memory_space<vmem>>, %arg6: memref<1x128xf32, #tpu.memory_space<vmem>>, %arg7: memref<128x128xf32, #tpu.memory_space<vmem>>, %arg8: memref<5000x128xf32, #tpu.memory_space<vmem>>) attributes {dimension_semantics = [#tpu.dimension_semantics<arbitrary>], iteration_bounds = array<i64: 2>, scalar_prefetch = 0 : i64, scratch_operands = 0 : i64, tpu.core_type = #tpu.core_type<tc>, window_params = [{transform_indices = @transform_0, window_bounds = array<i64: 2, 5000, 128>}, {transform_indices = @transform_1, window_bounds = array<i64: 5000, 1>}, {transform_indices = @transform_2, window_bounds = array<i64: 5000, 1>}, {transform_indices = @transform_3, window_bounds = array<i64: 5000, 128>}, {pipeline_mode = #tpu.pipeline_mode<synchronous>, transform_indices = @transform_4, window_bounds = array<i64: 128, 128>}, {pipeline_mode = #tpu.pipeline_mode<synchronous>, transform_indices = @transform_5, window_bounds = array<i64: 1, 128>}, {pipeline_mode = #tpu.pipeline_mode<synchronous>, transform_indices = @transform_6, window_bounds = array<i64: 128, 128>}, {transform_indices = @transform_7, window_bounds = array<i64: 5000, 128>}]} {
    %get3A = arith.constant 0 : index
    %get3A_0 = arith.constant 0 : index
    %get3A_1 = vector.load %arg2[%get3A, %get3A_0] : memref<5000x1xf32, #tpu.memory_space<vmem>>, vector<5000x1xf32>
    %get3A_2 = arith.constant 0 : index
    %get3A_3 = arith.constant 0 : index
    %get3A_4 = vector.load %arg3[%get3A_2, %get3A_3] : memref<5000x1xf32, #tpu.memory_space<vmem>>, vector<5000x1xf32>
    %add3A = arith.addf %get3A_1, %get3A_4 : vector<5000x1xf32>
    %max3A = arith.constant 1.000000e+00 : f32
    %max3A_5 = vector.broadcast %max3A : f32 to vector<5000x1xf32>
    %max3A_6 = arith.maximumf %add3A, %max3A_5 : vector<5000x1xf32>
    %get3A_7 = arith.constant 0 : index
    %get3A_8 = arith.constant 0 : index
    %get3A_9 = arith.constant 0 : index
    %get3A_10 = vector.load %arg1[%get3A_7, %get3A_8, %get3A_9] : memref<2x5000x128xf32, #tpu.memory_space<vmem>>, vector<1x5000x128xf32>
    %get3A_11 = vector.shape_cast %get3A_10 : vector<1x5000x128xf32> to vector<5000x128xf32>
    %get3A_12 = arith.constant 1 : index
    %get3A_13 = arith.constant 0 : index
    %get3A_14 = arith.constant 0 : index
    %get3A_15 = vector.load %arg1[%get3A_12, %get3A_13, %get3A_14] : memref<2x5000x128xf32, #tpu.memory_space<vmem>>, vector<1x5000x128xf32>
    %get3A_16 = vector.shape_cast %get3A_15 : vector<1x5000x128xf32> to vector<5000x128xf32>
    %add3A_17 = arith.addf %get3A_11, %get3A_16 : vector<5000x128xf32>
    %div3A = vector.broadcast %max3A_6 : vector<5000x1xf32> to vector<5000x128xf32>
    %div3A_18 = arith.divf %add3A_17, %div3A : vector<5000x128xf32>
    %get3A_19 = arith.constant 0 : index
    %get3A_20 = arith.constant 0 : index
    %get3A_21 = vector.load %arg5[%get3A_19, %get3A_20] : memref<128x128xf32, #tpu.memory_space<vmem>>, vector<128x128xf32>
    %dot_general3A = arith.constant dense<0.000000e+00> : vector<5000x128xf32>
    %dot_general3A_22 = tpu.matmul %div3A_18, %get3A_21, %dot_general3A {dimension_numbers = #tpu.dot_dimension_numbers<[1], [0], [0], [1], [0, 0, 1, 1], [], []>, transpose_lhs_hint = false} : vector<5000x128xf32>, vector<128x128xf32>, vector<5000x128xf32> -> vector<5000x128xf32>
    %get3A_23 = arith.constant 0 : index
    %get3A_24 = arith.constant 0 : index
    %get3A_25 = vector.load %arg6[%get3A_23, %get3A_24] : memref<1x128xf32, #tpu.memory_space<vmem>>, vector<1x128xf32>
    %add3A_26 = vector.broadcast %get3A_25 : vector<1x128xf32> to vector<5000x128xf32>
    %add3A_27 = arith.addf %dot_general3A_22, %add3A_26 : vector<5000x128xf32>
    %get3A_28 = arith.constant 0 : index
    %get3A_29 = arith.constant 0 : index
    %get3A_30 = vector.load %arg4[%get3A_28, %get3A_29] : memref<5000x128xf32, #tpu.memory_space<vmem>>, vector<5000x128xf32>
    %get3A_31 = arith.constant 0 : index
    %get3A_32 = arith.constant 0 : index
    %get3A_33 = vector.load %arg7[%get3A_31, %get3A_32] : memref<128x128xf32, #tpu.memory_space<vmem>>, vector<128x128xf32>
    %dot_general3A_34 = arith.constant dense<0.000000e+00> : vector<5000x128xf32>
    %dot_general3A_35 = tpu.matmul %get3A_30, %get3A_33, %dot_general3A_34 {dimension_numbers = #tpu.dot_dimension_numbers<[1], [0], [0], [1], [0, 0, 1, 1], [], []>, transpose_lhs_hint = false} : vector<5000x128xf32>, vector<128x128xf32>, vector<5000x128xf32> -> vector<5000x128xf32>
    %add3A_36 = arith.addf %add3A_27, %dot_general3A_35 : vector<5000x128xf32>
    %swap3A = arith.constant 0 : index
    %swap3A_37 = arith.constant 0 : index
    %swap3A_38 = vector.load %arg8[%swap3A, %swap3A_37] : memref<5000x128xf32, #tpu.memory_space<vmem>>, vector<5000x128xf32>
    tpu.vector_store %arg8[%swap3A, %swap3A_37], %add3A_36 {strides = array<i32>} : memref<5000x128xf32, #tpu.memory_space<vmem>>, vector<5000x128xf32>,
    return
  }
  func.func @transform_0(%arg0: i32) -> (i32, i32, i32) {
    %c0_i32 = arith.constant 0 : i32
    %c0_i32_0 = arith.constant 0 : i32
    %c0_i32_1 = arith.constant 0 : i32
    return %c0_i32, %arg0, %c0_i32_0 : i32, i32, i32
  }
  func.func @transform_1(%arg0: i32) -> (i32, i32) {
    %c0_i32 = arith.constant 0 : i32
    %c0_i32_0 = arith.constant 0 : i32
    return %arg0, %c0_i32 : i32, i32
  }
  func.func @transform_2(%arg0: i32) -> (i32, i32) {
    %c0_i32 = arith.constant 0 : i32
    %c0_i32_0 = arith.constant 0 : i32
    return %arg0, %c0_i32 : i32, i32
  }
  func.func @transform_3(%arg0: i32) -> (i32, i32) {
    %c0_i32 = arith.constant 0 : i32
    %c0_i32_0 = arith.constant 0 : i32
    return %arg0, %c0_i32 : i32, i32
  }
  func.func @transform_4(%arg0: i32) -> (i32, i32) {
    %c0_i32 = arith.constant 0 : i32
    %c0_i32_0 = arith.constant 0 : i32
    %c0_i32_1 = arith.constant 0 : i32
    return %c0_i32, %c0_i32_0 : i32, i32
  }
  func.func @transform_5(%arg0: i32) -> (i32, i32) {
    %c0_i32 = arith.constant 0 : i32
    %c0_i32_0 = arith.constant 0 : i32
    %c0_i32_1 = arith.constant 0 : i32
    return %c0_i32, %c0_i32_0 : i32, i32
  }
  func.func @transform_6(%arg0: i32) -> (i32, i32) {
    %c0_i32 = arith.constant 0 : i32
    %c0_i32_0 = arith.constant 0 : i32
    %c0_i32_1 = arith.constant 0 : i32
    return %c0_i32, %c0_i32_0 : i32, i32
  }
  func.func @transform_7(%arg0: i32) -> (i32, i32) {
    %c0_i32 = arith.constant 0 : i32
    %c0_i32_0 = arith.constant 0 : i32
    return %arg0, %c0_i32 : i32, i32
  }
}

</mosaic_0001>

<sc_bundles>
// kernel: kernel.10.cloned.1.call-start
scs
__scs_entry_jumppad:
0x0: {  	(pc) =	sbr.rel $0x88, $3  }
0x1: {  	(tag) =	ssettag $0x0;
	lr =	simm.s32 $0x1  }
0x2: {  	[smem:$0x3F94] =	sst lr;
	_ =	strace $0xD0000000  }
0x3: {  	_ = 	snop  }
0x4: {  	_ = 	snop  }
0x5: {  	_ = 	snop  }
0x6: {  	_ = 	snop  }
0x7: {  	_ = 	snop  }
__scs_overlays_trampoline_lowered:
0x8: {  	[smem:$0x3FA3] =	sst s0  }
0x9: {  	[smem:$0x3FA4] =	sst s1  }
0xa: {  	[smem:$0x3FA5] =	sst s2  }
0xb: {  	[smem:$0x3FA6] =	sst s3  }
0xc: {  	[smem:$0x3FA7] =	sst s4  }
0xd: {  	[smem:$0x3FA8] =	sst s5  }
0xe: {  	[smem:$0x3FA9] =	sst s6  }
0xf: {  	[smem:$0x3FAA] =	sst s7  }
0x10: {  	[smem:$0x3FAB] =	sst s8  }
0x11: {  	[smem:$0x3FAC] =	sst s9;
	s0 =	simm.s32 @!p0 $0x0  }
0x12: {  	s1 =	sld [smem:$0x3F92];
	s0 =	simm.s32 @p0 $0x1  }
0x13: {  	[smem:$0x3FAD] =	sst s0;
	s0 =	simm.s32 @!p1 $0x0  }
0x14: {  	s2 =	sld [smem:$0x3F91];
	s0 =	simm.s32 @p1 $0x1  }
0x15: {  	[smem:$0x3FAE] =	sst s0;
	s0 =	simm.s32 @!p2 $0x0  }
0x16: {  	s3 =	sld [smem:$0x3FDB];
	s0 =	simm.s32 @p2 $0x1  }
0x17: {  	s4 =	simm.s32 $0x1BF5;
	[smem:$0x3FB0] =	sst s0  }
0x18: {  	s0 =	sld [smem:$0x3F93];
	_ =	swait.ge [sflag:s4], $0x0  }
0x19: {  	s7 =	sld [smem:$0x3F94]  }
0x1a: {  	s8 =	sadd.s32 $0xFFFFE003, lr  }
0x1b: {  	s9 =	sadd.s32 $0xFFFFFEF7, lr;
	s5 =	simm.s32 $0xFFFFFFFF;
	p2 =	slt.u32 s8, $0xFFFFF086  }
0x1c: {  	p1 =	slt.u32 s9, $0xF7A;
	s5 =	simm.s32 @!p2 $0x0  }
0x1d: {  	s5 =	simm.s32 @p1 $0x1;
	p0 =	seq.s32 s7, s2  }
0x1e: {  	s7 =	smul.u32 @!p0 $0xF7A, s2;
	p2 =	seq.s32 @!p0 s5, $0x0  }
0x1f: {  	s9 =	smul.u32 $0xF7A, s1;
	s8 =	simm.s32 @!p0 $0x1BF5;
	p2 =	por !p2, p0  }
0x20: {  	[sflag:s8] =	ssyncset.s32 @!p0 $0xFFFFF086;
	s6 =	sadd.s32 @!p0 s3, s7;
	s7 =	simm.s32 @!p0 $0x108  }
0x21: {  	s3 =	sadd.s32 s3, s9;
	s6 =	sadd.s32 @!p0 $0x88, s6;
	s7 =	simm.s32 @p2 $0x1082  }
0x22: {  	[simem:s7], [sflag:s8] =	dma.local @!p0 [hbm:s6], $0xF7A  }
0x23: {  	s9 =	sor.u32 $0xD0000000, s2;
	s6 =	simm.s32 $0x108;
	_ =	swait.ge @!p0 [sflag:s8], $0x0  }
0x24: {  	s3 =	sadd.s32 $0x88, s3;
	s6 =	simm.s32 @!p1 $0x1082;
	[sflag:s4] =	ssyncset.s32 $0xFFFFF086  }
0x25: {  	[simem:s6], [sflag:s4] =	dma.local [hbm:s3], $0xF7A  }
0x26: {  	[smem:$0x3F94] =	sst s1;
	(tag) =	ssettag s2;
	_ =	strace s9  }
0x27: {  	s1 =	sld [smem:$0x3FA4]  }
0x28: {  	s2 =	sld [smem:$0x3FA5]  }
0x29: {  	s4 =	sld [smem:$0x3FA7]  }
0x2a: {  	p0 =	seq.s32 s5, $0x0;
	s5 =	sld [smem:$0x3FA8]  }
0x2b: {  	s6 =	sld [smem:$0x3FA9]  }
0x2c: {  	s7 =	sld [smem:$0x3FAA]  }
0x2d: {  	s3 =	simm.s32 $0x108;
	s8 =	sld [smem:$0x3FAB]  }
0x2e: {  	s3 =	simm.s32 @!p0 $0x1082;
	s9 =	sld [smem:$0x3FAC]  }
0x2f: {  	lr =	sadd.s32 s0, s3;
	s0 =	sld [smem:$0x3FA3]  }
0x30: {  	s3 =	sld [smem:$0x3FA6]  }
0x31: {  	[smem:$0x3FAF] =	sst s10  }
0x32: {  	s10 =	sld [smem:$0x3FAD];
	_ =	sdelay $0x3  }
0x33: {  	p0 =	seq.s32 s10, $0x1;
	s10 =	sld [smem:$0x3FAF];
	_ =	sdelay $0x3  }
0x34: {  	[smem:$0x3FAF] =	sst s10  }
0x35: {  	s10 =	sld [smem:$0x3FAE];
	_ =	sdelay $0x3  }
0x36: {  	p1 =	seq.s32 s10, $0x1;
	s10 =	sld [smem:$0x3FAF];
	_ =	sdelay $0x3  }
0x37: {  	[smem:$0x3FAF] =	sst s10  }
0x38: {  	s10 =	sld [smem:$0x3FB0]  }
0x39: {  	_ = 	snop;
	(pc) =	sbr.ind lr, $3  }
0x3a: {  	_ = 	snop  }
0x3b: {  	_ = 	snop  }
0x3c: {  	p2 =	seq.s32 s10, $0x1;
	s10 =	sld [smem:$0x3FAF]  }
0x3d: {  	_ =	shalt  }
0x3e: {  	_ =	shalt  }
0x3f: {  	_ =	shalt  }
0x40: {  	_ =	shalt  }
0x41: {  	_ =	shalt  }
0x42: {  	_ =	shalt  }
0x43: {  	_ =	shalt  }
0x44: {  	_ =	shalt  }
0x45: {  	_ =	shalt  }
0x46: {  	_ =	shalt  }
0x47: {  	_ =	shalt  }
0x48: {  	_ =	shalt  }
0x49: {  	_ =	shalt  }
0x4a: {  	_ =	shalt  }
0x4b: {  	_ =	shalt  }
0x4c: {  	_ =	shalt  }
0x4d: {  	_ =	shalt  }
0x4e: {  	_ =	shalt  }
0x4f: {  	_ =	shalt  }
0x50: {  	_ =	shalt  }
0x51: {  	_ =	shalt  }
0x52: {  	_ =	shalt  }
0x53: {  	_ =	shalt  }
0x54: {  	_ =	shalt  }
0x55: {  	_ =	shalt  }
0x56: {  	_ =	shalt  }
0x57: {  	_ =	shalt  }
0x58: {  	_ =	shalt  }
0x59: {  	_ =	shalt  }
0x5a: {  	_ =	shalt  }
0x5b: {  	_ =	shalt  }
0x5c: {  	_ =	shalt  }
0x5d: {  	_ =	shalt  }
0x5e: {  	_ =	shalt  }
0x5f: {  	_ =	shalt  }
0x60: {  	_ =	shalt  }
0x61: {  	_ =	shalt  }
0x62: {  	_ =	shalt  }
0x63: {  	_ =	shalt  }
0x64: {  	_ =	shalt  }
0x65: {  	_ =	shalt  }
0x66: {  	_ =	shalt  }
0x67: {  	_ =	shalt  }
0x68: {  	_ =	shalt  }
0x69: {  	_ =	shalt  }
0x6a: {  	_ =	shalt  }
0x6b: {  	_ =	shalt  }
0x6c: {  	_ =	shalt  }
0x6d: {  	_ =	shalt  }
0x6e: {  	_ =	shalt  }
0x6f: {  	_ =	shalt  }
0x70: {  	_ =	shalt  }
0x71: {  	_ =	shalt  }
0x72: {  	_ =	shalt  }
0x73: {  	_ =	shalt  }
0x74: {  	_ =	shalt  }
0x75: {  	_ =	shalt  }
0x76: {  	_ =	shalt  }
0x77: {  	_ =	shalt  }
0x78: {  	_ =	shalt  }
0x79: {  	_ =	shalt  }
0x7a: {  	_ =	shalt  }
0x7b: {  	_ =	shalt  }
0x7c: {  	_ =	shalt  }
0x7d: {  	_ =	shalt  }
0x7e: {  	_ =	shalt  }
0x7f: {  	_ =	shalt  }
0x80: {  	_ =	shalt  }
0x81: {  	_ =	shalt  }
0x82: {  	_ =	shalt  }
0x83: {  	_ =	shalt  }
0x84: {  	_ =	shalt  }
0x85: {  	_ =	shalt  }
0x86: {  	_ =	shalt  }
0x87: {  	_ =	shalt  }
.Lfunc_end0:
.L_simem_size_0:
called_computation.1_lowered:
.L_overlay_start_0:
0x88: {  	s2 =	sld [smem:$0x3FD9]  }
0x89: {  	s3 =	sld [smem:$0x3FFE];
	_ =	sdelay $0x1  }
0x8a: {  	s1 =	srdreg.scid  }
0x8b: {  	s0 =	sand.u32 $0x1, s1  }
0x8c: {  	s17 =	sshll.u32 s0, $0xA;
	s2 =	sadd.s32 s3, s2  }
0x8d: {  	s2 =	sadd.s32 s2, s17  }
0x8e: {  	[smem:$0x3FBB] =	sst s2  }
0x8f: {  	_ = 	snop  }
0x90: {  	s2 =	sld [smem:$0x3FD0];
	(tm) =	ssettm $0x1  }
0x91: {  	s18 =	sld [smem:$0x3FFB];
	_ =	sdelay $0x3  }
0x92: {  	_ =	strace s18  }
0x93: {  	s3 =	sld [smem:$0x3FFC];
	_ =	sdelay $0x3  }
0x94: {  	_ =	strace s3  }
0x95: {  	s3 =	sld [smem:$0x3FFD];
	_ =	sdelay $0x3  }
0x96: {  	_ =	strace s3  }
0x97: {  	_ =	strace $0x8FFFFFFF  }
0x98: {  	s19 =	sld [smem:$0x3FDB];
	_ =	sdelay $0x1  }
0x99: {  	s4 =	simm.s32 $_scs_section_size  }
0x9a: {  	s5 =	simm.s32 $_size__tile_overlayer_lowered;
	s6 =	simm.s32 $_tile_overlayer_lowered  }
0x9b: {  	s22 =	simm.s32 $0x1BFF;
	s21 =	sshll.u32 s6, $0x1;
	s3 =	sadd.s32 s4, s19  }
0x9c: {  	s7 =	simm.s32 $0x0;
	s20 =	sshll.u32 s5, $0x1;
	s5 =	sadd.s32 s21, s3  }
0x9d: {  	[timem:s7], [sflag:s22] =	dma.local [hbm:s5], s20  }
0x9e: {  	_ =	swait.ge [sflag:s22], s20  }
0x9f: {  	s4 =	ssub.s32 $0x0, s20;
	[sflag:s22] =	ssyncset.done $0x0  }
0xa0: {  	[sflag:s22] =	ssyncadd.s32 s4;
	_ =	sdelay $0x1  }
0xa1: {  	s23 =	simm.s32 $0x1B8B  }
0xa2: {  	_ =	swait.ge [sflag:s23], $0x1  }
0xa3: {  	[sflag:s23] =	ssyncset.done $0x0  }
0xa4: {  	s25 =	simm.s32 $0x1B8E;
	s24 =	sld [smem:$0x3FFE];
	[sflag:s23] =	ssyncadd.s32 $0xFFFFFFFF  }
0xa5: {  	s26 =	simm.s32 $execute0_lowered;
	[smem:$0x3FD2] =	sst s25  }
0xa6: {  	s5 =	sshll.u32 s26, $0x1;
	_ =	strace $0x80000049;
	[dreg:$0x1] =	wrdreg $0xFFFFFFFF  }
0xa7: {  	s28 =	simm.s32 $_size_execute0_lowered;
	s3 =	sadd.s32 s3, s5;
	[dreg:$0x0] =	wrdreg $0x0  }
0xa8: {  	s5 =	sshll.u32 s28, $0x1;
	[dreg:$0x2] =	wrdreg s3  }
0xa9: {  	[dreg:$0x3] =	wrdreg s5  }
0xaa: {  	[dreg:$0x4] =	wrdreg $0xC0  }
0xab: {  	_ =	task [dreg:s7], $0x5FFFF  }
0xac: {  	[dreg:$0x1] =	wrdreg $0xFFFFFFFF  }
0xad: {  	[dreg:$0x0] =	wrdreg $0x60  }
0xae: {  	[dreg:$0x2] =	wrdreg s2  }
0xaf: {  	[dreg:$0x3] =	wrdreg s24  }
0xb0: {  	[dreg:$0x4] =	wrdreg $0xA8000  }
0xb1: {  	[dreg:$0x5] =	wrdreg $0x9  }
0xb2: {  	_ =	task.clear_ibuf [dreg:s7], $0x6FFFF;
	_ =	strace $0x90000049  }
0xb3: {  	s29 =	simm.s32 $0x9;
	_ =	strace $0x8000004B  }
0xb4: {  	_ =	swait.ge [sflag:s29], $0x1  }
0xb5: {  	[sflag:s29] =	ssyncadd.s32 $0xFFFFFFFF  }
0xb6: {  	_ =	strace $0x9000004B  }
0xb7: {  	_ =	sfence  }
0xb8: {  	s30 =	sld [smem:$0x0];
	_ =	sdelay $0x2  }
0xb9: {  	s31 =	sshll.u32 s1, $0xD;
	s1 =	sshrl.u32 s1, $0x2  }
0xba: {  	s3 =	sand.u32 $0x4000, s31;
	s1 =	sadd.s32 s1, s30  }
0xbb: {  	s0 =	sor.u32 s3, s0;
	s1 =	sshll.u32 s1, $0x11  }
0xbc: {  	s0 =	sor.u32 s1, s0  }
0xbd: {  	s0 =	sadd.s32 $0x8F2B, s0  }
0xbe: {  	[sflag:s0] =	ssyncadd.remote.s32 $0x1  }
0xbf: {  	_ =	sfence.sel $0xFFFF  }
0xc0: {  	[dreg:$0x0] =	wrdreg $0xFFFFFFFF;
	(pc) =	sbr.abs _section_cstart, $3  }
0xc1: {  	[dreg:$0x1] =	wrdreg $0xFFFFFFFF  }
0xc2: {  	_ =	task.clear_ibuf [dreg:s7], $0x2FFFF;
	_ =	strace $0x9FFFFFFF  }
0xc3: {  	(tm) =	ssettm $0x7FFFFFFF  }
tec
execute0_lowered:
.L_overlay_start_1:
0x0: {  	(tag) =	ssettag $0x1  }
0x1: {  	s1 =	rddreg [dreg:$0x0]  }
0x2: {  	s0 =	srdreg.scid;
	s2 =	rddreg [dreg:$0x1]  }
0x3: {  	s12 =	stileid.u32;
	s3 =	rddreg [dreg:$0x2]  }
0x4: {  	s4 =	simm.s32 $0x0;
	s16 =	simm.s32 $0x80;
	s17 =	simm.s32 $0x100  }
0x5: {  	s19 =	simm.s32 $0x180;
	s20 =	simm.s32 $0xC80;
	s21 =	simm.s32 $0x200  }
0x6: {  	s22 =	simm.s32 $0xD00;
	s23 =	simm.s32 $0x280;
	[smem:$0x7FF] =	sst s4  }
0x7: {  	s25 =	simm.s32 $0xD80;
	_ =	strace $0x8000004A;
	[dreg:$0x6] =	wrdreg s16  }
0x8: {  	s26 =	simm.s32 $0x300;
	s13 =	simm.s32 $0x400;
	[dreg:$0x7] =	wrdreg s17  }
0x9: {  	s28 =	simm.s32 $0x880;
	s29 =	simm.s32 $0x1380;
	[dreg:$0x8] =	wrdreg s19  }
0xa: {  	s30 =	simm.s32 $0x900;
	s5 =	smul.u32 $0x7800, s12;
	[dreg:$0x9] =	wrdreg s20  }
0xb: {  	s31 =	simm.s32 $0x1400;
	s14 =	smul.u32 $0x13800, s12;
	[dreg:$0xa] =	wrdreg s21  }
0xc: {  	s0 =	sand.u32 $0x1, s0;
	s10 =	smul.u32 $0x4E000, s12;
	[dreg:$0xb] =	wrdreg s22  }
0xd: {  	s11 =	sadd.s32 $0x47E00, s2;
	s18 =	sshll.u32 s12, $0x6;
	[dreg:$0xc] =	wrdreg s23  }
0xe: {  	p0 =	sne.s32 s12, $0xF;
	s12 =	simm.s32 $0x4;
	[dreg:$0xd] =	wrdreg s25  }
0xf: {  	s6 =	smul.u32 $0x3C00, s0;
	s8 =	ssub.s32 $0x2, s0;
	[dreg:$0xe] =	wrdreg s26  }
0x10: {  	s0 =	smul.u32 $0x138800, s0;
	[dreg:$0x12] =	wrdreg s13;
	s16 =	simm.s32 $0x480  }
0x11: {  	s17 =	simm.s32 $0xF80;
	s19 =	simm.s32 $0x1000;
	[dreg:$0x14] =	wrdreg s16  }
0x12: {  	s20 =	simm.s32 $0x580;
	s21 =	simm.s32 $0x1080;
	[dreg:$0x15] =	wrdreg s17  }
0x13: {  	s22 =	simm.s32 $0x600;
	s23 =	simm.s32 $0x1100;
	[dreg:$0x17] =	wrdreg s19  }
0x14: {  	s25 =	simm.s32 $0x1180;
	s26 =	simm.s32 $0x700;
	[dreg:$0x18] =	wrdreg s20  }
0x15: {  	s7 =	sshrl.u32 s14, $0x3;
	s9 =	sshrl.u32 s8, $0x1;
	[dreg:$0x19] =	wrdreg s21  }
0x16: {  	s10 =	sshrl.u32 s10, $0x2;
	s16 =	simm.s32 $0x1800;
	[dreg:$0x1a] =	wrdreg s22  }
0x17: {  	s17 =	simm.s32 $0x4800;
	[dreg:$0x1b] =	wrdreg s23;
	s19 =	simm.s32 $0x1  }
0x18: {  	s20 =	simm.s32 $0x2;
	[dreg:$0x1d] =	wrdreg s25;
	s21 =	simm.s32 $0x3  }
0x19: {  	[dreg:$0x1e] =	wrdreg s26;
	s22 =	simm.s32 $0x1200;
	s23 =	simm.s32 $0x780  }
0x1a: {  	s25 =	simm.s32 $0x800;
	s26 =	simm.s32 $0x1300;
	s5 =	sadd.s32 s6, s5  }
0x1b: {  	s8 =	ssub.s32 s8, s9;
	s9 =	sadd.s32 s10, s3;
	s6 =	simm.s32 $0x380  }
0x1c: {  	s10 =	sor.u32 $0x1C04, s18;
	s18 =	simm.s32 $0x500;
	[dreg:$0x10] =	wrdreg s6  }
0x1d: {  	s7 =	sadd.s32 s7, s2;
	s24 =	sadd.s32 s14, s0;
	[dreg:$0x16] =	wrdreg s18  }
0x1e: {  	s0 =	sshrl.u32 s0, $0x3;
	s7 =	sadd.s32 $0x20C00, s7;
	[smem:$0x7FB] =	sst s10  }
0x1f: {  	s5 =	sshrl.u32 s5, $0x3;
	s14 =	smax.u32 s8, $0x1;
	[dreg:$0x1f] =	wrdreg s7  }
0x20: {  	s0 =	sadd.s32 s11, s0;
	s6 =	simm.s32 $0x0;
	[smem:$0x7F9] =	sst s14  }
0x21: {  	s13 =	sshrl.u32 s9, $0x3;
	s18 =	simm.s32 $0x7800;
	[smem:$0x7FA] =	sst s6  }
0x22: {  	s5 =	sadd.s32 s5, s2;
	s2 =	sadd.s32 $0x47C00, s2;
	[smem:$0x7FC] =	sst s13  }
0x23: {  	s8 =	simm.s32 $0x1580;
	s0 =	sadd.s32 $0x27000, s0;
	[smem:$0x7F6] =	sst s2  }
0x24: {  	s9 =	simm.s32 $0x1600;
	s15 =	sadd.s32 $0x11C00, s5;
	[smem:$0x7F8] =	sst s0  }
0x25: {  	s7 =	sadd.s32 $0x138000, s3;
	s5 =	sadd.s32 $0x2C00, s5;
	[dreg:$0x4] =	wrdreg s15  }
0x26: {  	s14 =	simm.s32 $0xC00;
	[dreg:$0x5] =	wrdreg s5;
	s15 =	simm.s32 $0xF00  }
0x27: {  	s5 =	sshrl.u32 s24, $0x3;
	s24 =	simm.s32 $0x680;
	[dreg:$0x13] =	wrdreg s15  }
0x28: {  	s2 =	simm.s32 $0x980;
	s5 =	sadd.s32 s11, s5;
	[dreg:$0x1c] =	wrdreg s24  }
0x29: {  	s0 =	simm.s32 $0x1480;
	s11 =	simm.s32 $0xE80;
	[smem:$0x7F7] =	sst s5  }
0x2a: {  	s15 =	simm.s32 $0x60;
	s5 =	simm.s32 $0xE00;
	[dreg:$0x11] =	wrdreg s11  }
0x2b: {  	s24 =	simm.s32 $0x1280;
	s11 =	sshrl.u32 @!p0 s7, $0x3;
	[dreg:$0xf] =	wrdreg s5  }
0x2c: {  	s7 =	simm.s32 $0x1500;
	s5 =	simm.s32 $0xA00;
	[smem:$0x7FD] =	sst s11  }
.LBB2_1:
0x2d: {  	s6 =	rddreg [dreg:$0x1f]  }
0x2e: {  	[spmem:s13], [sflag:s10] =	dma.local [hbm:s6], $0x2700  }
0x2f: {  	_ =	swait.ge [sflag:s12], $0x2700  }
0x30: {  	s6 =	sld [smem:$0x7F6]  }
0x31: {  	[sflag:s12] =	ssyncset.done $0x0  }
0x32: {  	[sflag:s12] =	ssyncadd.s32 $0xFFFFD900  }
0x33: {  	[spmem:s11], [sflag:s10] =	dma.local @!p0 [hbm:s6], $0x100  }
0x34: {  	s6 =	simm.s32 @!p0 $0x4  }
0x35: {  	_ =	swait.ge @!p0 [sflag:s6], $0x100  }
0x36: {  	[sflag:s6] =	ssyncset.done @!p0 $0x0  }
0x37: {  	[sflag:s6] =	ssyncadd.s32 @!p0 $0xFFFFFF00  }
0x38: {  	[bflag:$0x0] =	sbarrier.arrive $0xFFFF  }
0x39: {  	s10 =	rddreg [dreg:$0x5]  }
0x3a: {  	s6 =	sadd.s32 $0x0, s10  }
0x3b: {  	[tilespmem:s4], [sflag:$0x4] =	stream.linear.gather [hbm4b:s6+s4], $0xA80, $0x38;
	[tilespmem:$0x1E880] =	vst v63  }
0x3c: {  	_ =	swait.ge [sflag:s12], $0xA80  }
0x3d: {  	s11 =	rddreg [dreg:$0x4];
	[sflag:s12] =	ssyncset.done $0x0  }
0x3e: {  	[sflag:s12] =	ssyncadd.s32 $0xFFFFF580;
	s6 =	sadd.s32 $0x0, s11  }
0x3f: {  	[tilespmem:s14], [sflag:$0x4] =	stream.linear.gather [hbm4b:s6+s4], $0xA80, $0x38;
	[tilespmem:$0x1E880] =	vst v63  }
0x40: {  	_ =	swait.ge [sflag:s12], $0xA80  }
0x41: {  	[sflag:s12] =	ssyncset.done $0x0  }
0x42: {  	[sflag:s12] =	ssyncadd.s32 $0xFFFFF580  }
0x43: {  	[tilespmem:s16], [sflag:$0x1] =	stream.indirect.gather [hbm4b:s1+s15], $0x80, s4, s15, $0xb8;
	[tilespmem:$0x1E880] =	vst v63  }
0x44: {  	s13 =	rddreg [dreg:$0x6]  }
0x45: {  	[tilespmem:s17], [sflag:$0x2] =	stream.indirect.gather [hbm4b:s1+s15], $0x80, s13, s15, $0xb8;
	[tilespmem:$0x1E880] =	vst v63  }
0x46: {  	s10 =	rddreg [dreg:$0x7]  }
0x47: {  	[tilespmem:s18], [sflag:$0x3] =	stream.indirect.gather [hbm4b:s1+s15], $0x80, s10, s15, $0xb8;
	[tilespmem:$0x1E880] =	vst v63  }
0x48: {  	_ =	swait.ge [sflag:s19], $0x3000  }
0x49: {  	[sflag:s19] =	ssyncset.done $0x0  }
0x4a: {  	[sflag:s19] =	ssyncadd.s32 $0xFFFFD000  }
0x4b: {  	[spmem:s3] =	stream.indirect.scatter.add.f32 [tilespmem:s16], [sflag:$0x4], $0x80, s14, s15, $0xb8;
	[tilespmem:$0x1E880] =	vst v63  }
0x4c: {  	_ =	swait.ge [sflag:s12], $0x3000  }
0x4d: {  	[sflag:s12] =	ssyncset.done $0x0  }
0x4e: {  	s11 =	rddreg [dreg:$0x8];
	[sflag:s12] =	ssyncadd.s32 $0xFFFFD000  }
0x4f: {  	[tilespmem:s16], [sflag:$0x1] =	stream.indirect.gather [hbm4b:s1+s15], $0x80, s11, s15, $0xb8;
	[tilespmem:$0x1E880] =	vst v63  }
0x50: {  	_ =	swait.ge [sflag:s20], $0x3000  }
0x51: {  	[sflag:s20] =	ssyncset.done $0x0  }
0x52: {  	s13 =	rddreg [dreg:$0x9];
	[sflag:s20] =	ssyncadd.s32 $0xFFFFD000  }
0x53: {  	[spmem:s3] =	stream.indirect.scatter.add.f32 [tilespmem:s17], [sflag:$0x4], $0x80, s13, s15, $0xb8;
	[tilespmem:$0x1E880] =	vst v63  }
0x54: {  	_ =	swait.ge [sflag:s12], $0x3000  }
0x55: {  	[sflag:s12] =	ssyncset.done $0x0  }
0x56: {  	s10 =	rddreg [dreg:$0xa];
	[sflag:s12] =	ssyncadd.s32 $0xFFFFD000  }
0x57: {  	[tilespmem:s17], [sflag:$0x2] =	stream.indirect.gather [hbm4b:s1+s15], $0x80, s10, s15, $0xb8;
	[tilespmem:$0x1E880] =	vst v63  }
0x58: {  	_ =	swait.ge [sflag:s21], $0x3000  }
0x59: {  	[sflag:s21] =	ssyncset.done $0x0  }
0x5a: {  	s11 =	rddreg [dreg:$0xb];
	[sflag:s21] =	ssyncadd.s32 $0xFFFFD000  }
0x5b: {  	[spmem:s3] =	stream.indirect.scatter.add.f32 [tilespmem:s18], [sflag:$0x4], $0x80, s11, s15, $0xb8;
	[tilespmem:$0x1E880] =	vst v63  }
0x5c: {  	_ =	swait.ge [sflag:s12], $0x3000  }
0x5d: {  	[sflag:s12] =	ssyncset.done $0x0  }
0x5e: {  	s13 =	rddreg [dreg:$0xc];
	[sflag:s12] =	ssyncadd.s32 $0xFFFFD000  }
0x5f: {  	[tilespmem:s18], [sflag:$0x3] =	stream.indirect.gather [hbm4b:s1+s15], $0x80, s13, s15, $0xb8;
	[tilespmem:$0x1E880] =	vst v63  }
0x60: {  	_ =	swait.ge [sflag:s19], $0x3000  }
0x61: {  	[sflag:s19] =	ssyncset.done $0x0  }
0x62: {  	s10 =	rddreg [dreg:$0xd];
	[sflag:s19] =	ssyncadd.s32 $0xFFFFD000  }
0x63: {  	[spmem:s3] =	stream.indirect.scatter.add.f32 [tilespmem:s16], [sflag:$0x4], $0x80, s10, s15, $0xb8;
	[tilespmem:$0x1E880] =	vst v63  }
0x64: {  	_ =	swait.ge [sflag:s12], $0x3000  }
0x65: {  	[sflag:s12] =	ssyncset.done $0x0  }
0x66: {  	s11 =	rddreg [dreg:$0xe];
	[sflag:s12] =	ssyncadd.s32 $0xFFFFD000  }
0x67: {  	[tilespmem:s16], [sflag:$0x1] =	stream.indirect.gather [hbm4b:s1+s15], $0x80, s11, s15, $0xb8;
	[tilespmem:$0x1E880] =	vst v63  }
0x68: {  	_ =	swait.ge [sflag:s20], $0x3000  }
0x69: {  	[sflag:s20] =	ssyncset.done $0x0  }
0x6a: {  	s13 =	rddreg [dreg:$0xf];
	[sflag:s20] =	ssyncadd.s32 $0xFFFFD000  }
0x6b: {  	[spmem:s3] =	stream.indirect.scatter.add.f32 [tilespmem:s17], [sflag:$0x4], $0x80, s13, s15, $0xb8;
	[tilespmem:$0x1E880] =	vst v63  }
0x6c: {  	_ =	swait.ge [sflag:s12], $0x3000  }
0x6d: {  	[sflag:s12] =	ssyncset.done $0x0  }
0x6e: {  	s10 =	rddreg [dreg:$0x10];
	[sflag:s12] =	ssyncadd.s32 $0xFFFFD000  }
0x6f: {  	[tilespmem:s17], [sflag:$0x2] =	stream.indirect.gather [hbm4b:s1+s15], $0x80, s10, s15, $0xb8;
	[tilespmem:$0x1E880] =	vst v63  }
0x70: {  	_ =	swait.ge [sflag:s21], $0x3000  }
0x71: {  	[sflag:s21] =	ssyncset.done $0x0  }
0x72: {  	s11 =	rddreg [dreg:$0x11];
	[sflag:s21] =	ssyncadd.s32 $0xFFFFD000  }
0x73: {  	[spmem:s3] =	stream.indirect.scatter.add.f32 [tilespmem:s18], [sflag:$0x4], $0x80, s11, s15, $0xb8;
	[tilespmem:$0x1E880] =	vst v63  }
0x74: {  	_ =	swait.ge [sflag:s12], $0x3000  }
0x75: {  	[sflag:s12] =	ssyncset.done $0x0  }
0x76: {  	s13 =	rddreg [dreg:$0x12];
	[sflag:s12] =	ssyncadd.s32 $0xFFFFD000  }
0x77: {  	[tilespmem:s18], [sflag:$0x3] =	stream.indirect.gather [hbm4b:s1+s15], $0x80, s13, s15, $0xb8;
	[tilespmem:$0x1E880] =	vst v63  }
0x78: {  	_ =	swait.ge [sflag:s19], $0x3000  }
0x79: {  	[sflag:s19] =	ssyncset.done $0x0  }
0x7a: {  	s10 =	rddreg [dreg:$0x13];
	[sflag:s19] =	ssyncadd.s32 $0xFFFFD000  }
0x7b: {  	[spmem:s3] =	stream.indirect.scatter.add.f32 [tilespmem:s16], [sflag:$0x4], $0x80, s10, s15, $0xb8;
	[tilespmem:$0x1E880] =	vst v63  }
0x7c: {  	_ =	swait.ge [sflag:s12], $0x3000  }
0x7d: {  	[sflag:s12] =	ssyncset.done $0x0  }
0x7e: {  	s11 =	rddreg [dreg:$0x14];
	[sflag:s12] =	ssyncadd.s32 $0xFFFFD000  }
0x7f: {  	[tilespmem:s16], [sflag:$0x1] =	stream.indirect.gather [hbm4b:s1+s15], $0x80, s11, s15, $0xb8;
	[tilespmem:$0x1E880] =	vst v63  }
0x80: {  	_ =	swait.ge [sflag:s20], $0x3000  }
0x81: {  	[sflag:s20] =	ssyncset.done $0x0  }
0x82: {  	s13 =	rddreg [dreg:$0x15];
	[sflag:s20] =	ssyncadd.s32 $0xFFFFD000  }
0x83: {  	[spmem:s3] =	stream.indirect.scatter.add.f32 [tilespmem:s17], [sflag:$0x4], $0x80, s13, s15, $0xb8;
	[tilespmem:$0x1E880] =	vst v63  }
0x84: {  	_ =	swait.ge [sflag:s12], $0x3000  }
0x85: {  	[sflag:s12] =	ssyncset.done $0x0  }
0x86: {  	s10 =	rddreg [dreg:$0x16];
	[sflag:s12] =	ssyncadd.s32 $0xFFFFD000  }
0x87: {  	[tilespmem:s17], [sflag:$0x2] =	stream.indirect.gather [hbm4b:s1+s15], $0x80, s10, s15, $0xb8;
	[tilespmem:$0x1E880] =	vst v63  }
0x88: {  	_ =	swait.ge [sflag:s21], $0x3000  }
0x89: {  	[sflag:s21] =	ssyncset.done $0x0  }
0x8a: {  	s11 =	rddreg [dreg:$0x17];
	[sflag:s21] =	ssyncadd.s32 $0xFFFFD000  }
0x8b: {  	[spmem:s3] =	stream.indirect.scatter.add.f32 [tilespmem:s18], [sflag:$0x4], $0x80, s11, s15, $0xb8;
	[tilespmem:$0x1E880] =	vst v63  }
0x8c: {  	_ =	swait.ge [sflag:s12], $0x3000  }
0x8d: {  	[sflag:s12] =	ssyncset.done $0x0  }
0x8e: {  	s13 =	rddreg [dreg:$0x18];
	[sflag:s12] =	ssyncadd.s32 $0xFFFFD000  }
0x8f: {  	[tilespmem:s18], [sflag:$0x3] =	stream.indirect.gather [hbm4b:s1+s15], $0x80, s13, s15, $0xb8;
	[tilespmem:$0x1E880] =	vst v63  }
0x90: {  	_ =	swait.ge [sflag:s19], $0x3000  }
0x91: {  	[sflag:s19] =	ssyncset.done $0x0  }
0x92: {  	s10 =	rddreg [dreg:$0x19];
	[sflag:s19] =	ssyncadd.s32 $0xFFFFD000  }
0x93: {  	[spmem:s3] =	stream.indirect.scatter.add.f32 [tilespmem:s16], [sflag:$0x4], $0x80, s10, s15, $0xb8;
	[tilespmem:$0x1E880] =	vst v63  }
0x94: {  	_ =	swait.ge [sflag:s12], $0x3000  }
0x95: {  	[sflag:s12] =	ssyncset.done $0x0  }
0x96: {  	s11 =	rddreg [dreg:$0x1a];
	[sflag:s12] =	ssyncadd.s32 $0xFFFFD000  }
0x97: {  	[tilespmem:s16], [sflag:$0x1] =	stream.indirect.gather [hbm4b:s1+s15], $0x80, s11, s15, $0xb8;
	[tilespmem:$0x1E880] =	vst v63  }
0x98: {  	_ =	swait.ge [sflag:s20], $0x3000  }
0x99: {  	[sflag:s20] =	ssyncset.done $0x0  }
0x9a: {  	s13 =	rddreg [dreg:$0x1b];
	[sflag:s20] =	ssyncadd.s32 $0xFFFFD000  }
0x9b: {  	[spmem:s3] =	stream.indirect.scatter.add.f32 [tilespmem:s17], [sflag:$0x4], $0x80, s13, s15, $0xb8;
	[tilespmem:$0x1E880] =	vst v63  }
0x9c: {  	_ =	swait.ge [sflag:s12], $0x3000  }
0x9d: {  	[sflag:s12] =	ssyncset.done $0x0  }
0x9e: {  	s10 =	rddreg [dreg:$0x1c];
	[sflag:s12] =	ssyncadd.s32 $0xFFFFD000  }
0x9f: {  	[tilespmem:s17], [sflag:$0x2] =	stream.indirect.gather [hbm4b:s1+s15], $0x80, s10, s15, $0xb8;
	[tilespmem:$0x1E880] =	vst v63  }
0xa0: {  	_ =	swait.ge [sflag:s21], $0x3000  }
0xa1: {  	[sflag:s21] =	ssyncset.done $0x0  }
0xa2: {  	s11 =	rddreg [dreg:$0x1d];
	[sflag:s21] =	ssyncadd.s32 $0xFFFFD000  }
0xa3: {  	[spmem:s3] =	stream.indirect.scatter.add.f32 [tilespmem:s18], [sflag:$0x4], $0x80, s11, s15, $0xb8;
	[tilespmem:$0x1E880] =	vst v63  }
0xa4: {  	_ =	swait.ge [sflag:s12], $0x3000  }
0xa5: {  	[sflag:s12] =	ssyncset.done $0x0  }
0xa6: {  	s13 =	rddreg [dreg:$0x1e];
	[sflag:s12] =	ssyncadd.s32 $0xFFFFD000  }
0xa7: {  	[tilespmem:s18], [sflag:$0x3] =	stream.indirect.gather [hbm4b:s1+s15], $0x80, s13, s15, $0xb8;
	[tilespmem:$0x1E880] =	vst v63  }
0xa8: {  	_ =	swait.ge [sflag:s19], $0x3000  }
0xa9: {  	[sflag:s19] =	ssyncset.done $0x0  }
0xaa: {  	[sflag:s19] =	ssyncadd.s32 $0xFFFFD000  }
0xab: {  	[spmem:s3] =	stream.indirect.scatter.add.f32 [tilespmem:s16], [sflag:$0x4], $0x80, s22, s15, $0xb8;
	[tilespmem:$0x1E880] =	vst v63  }
0xac: {  	_ =	swait.ge [sflag:s12], $0x3000  }
0xad: {  	[sflag:s12] =	ssyncset.done $0x0  }
0xae: {  	[sflag:s12] =	ssyncadd.s32 $0xFFFFD000  }
0xaf: {  	[tilespmem:s16], [sflag:$0x1] =	stream.indirect.gather [hbm4b:s1+s15], $0x80, s23, s15, $0xb8;
	[tilespmem:$0x1E880] =	vst v63  }
0xb0: {  	_ =	swait.ge [sflag:s20], $0x3000  }
0xb1: {  	[sflag:s20] =	ssyncset.done $0x0  }
0xb2: {  	[sflag:s20] =	ssyncadd.s32 $0xFFFFD000  }
0xb3: {  	[spmem:s3] =	stream.indirect.scatter.add.f32 [tilespmem:s17], [sflag:$0x4], $0x80, s24, s15, $0xb8;
	[tilespmem:$0x1E880] =	vst v63  }
0xb4: {  	_ =	swait.ge [sflag:s12], $0x3000  }
0xb5: {  	[sflag:s12] =	ssyncset.done $0x0  }
0xb6: {  	[sflag:s12] =	ssyncadd.s32 $0xFFFFD000  }
0xb7: {  	[tilespmem:s17], [sflag:$0x2] =	stream.indirect.gather [hbm4b:s1+s15], $0x80, s25, s15, $0xb8;
	[tilespmem:$0x1E880] =	vst v63  }
0xb8: {  	_ =	swait.ge [sflag:s21], $0x3000  }
0xb9: {  	[sflag:s21] =	ssyncset.done $0x0  }
0xba: {  	[sflag:s21] =	ssyncadd.s32 $0xFFFFD000  }
0xbb: {  	[spmem:s3] =	stream.indirect.scatter.add.f32 [tilespmem:s18], [sflag:$0x4], $0x80, s26, s15, $0xb8;
	[tilespmem:$0x1E880] =	vst v63  }
0xbc: {  	_ =	swait.ge [sflag:s12], $0x3000  }
0xbd: {  	[sflag:s12] =	ssyncset.done $0x0  }
0xbe: {  	[sflag:s12] =	ssyncadd.s32 $0xFFFFD000  }
0xbf: {  	[tilespmem:s18], [sflag:$0x3] =	stream.indirect.gather [hbm4b:s1+s15], $0x80, s28, s15, $0xb8;
	[tilespmem:$0x1E880] =	vst v63  }
0xc0: {  	_ =	swait.ge [sflag:s19], $0x3000  }
0xc1: {  	[sflag:s19] =	ssyncset.done $0x0  }
0xc2: {  	[sflag:s19] =	ssyncadd.s32 $0xFFFFD000  }
0xc3: {  	[spmem:s3] =	stream.indirect.scatter.add.f32 [tilespmem:s16], [sflag:$0x4], $0x80, s29, s15, $0xb8;
	[tilespmem:$0x1E880] =	vst v63  }
0xc4: {  	_ =	swait.ge [sflag:s12], $0x3000  }
0xc5: {  	[sflag:s12] =	ssyncset.done $0x0  }
0xc6: {  	[sflag:s12] =	ssyncadd.s32 $0xFFFFD000  }
0xc7: {  	[tilespmem:s16], [sflag:$0x1] =	stream.indirect.gather [hbm4b:s1+s15], $0x80, s30, s15, $0xb8;
	[tilespmem:$0x1E880] =	vst v63  }
0xc8: {  	_ =	swait.ge [sflag:s20], $0x3000  }
0xc9: {  	[sflag:s20] =	ssyncset.done $0x0  }
0xca: {  	[sflag:s20] =	ssyncadd.s32 $0xFFFFD000  }
0xcb: {  	[spmem:s3] =	stream.indirect.scatter.add.f32 [tilespmem:s17], [sflag:$0x4], $0x80, s31, s15, $0xb8;
	[tilespmem:$0x1E880] =	vst v63  }
0xcc: {  	_ =	swait.ge [sflag:s12], $0x3000  }
0xcd: {  	[sflag:s12] =	ssyncset.done $0x0  }
0xce: {  	[sflag:s12] =	ssyncadd.s32 $0xFFFFD000  }
0xcf: {  	[tilespmem:s17], [sflag:$0x2] =	stream.indirect.gather [hbm4b:s1+s15], $0x80, s2, s15, $0xb8;
	[tilespmem:$0x1E880] =	vst v63  }
0xd0: {  	_ =	swait.ge [sflag:s21], $0x3000  }
0xd1: {  	[sflag:s21] =	ssyncset.done $0x0  }
0xd2: {  	[sflag:s21] =	ssyncadd.s32 $0xFFFFD000  }
0xd3: {  	[spmem:s3] =	stream.indirect.scatter.add.f32 [tilespmem:s18], [sflag:$0x4], $0x80, s0, s15, $0xb8;
	[tilespmem:$0x1E880] =	vst v63  }
0xd4: {  	_ =	swait.ge [sflag:s12], $0x3000  }
0xd5: {  	[sflag:s12] =	ssyncset.done $0x0  }
0xd6: {  	[sflag:s12] =	ssyncadd.s32 $0xFFFFD000  }
0xd7: {  	[tilespmem:s18], [sflag:$0x3] =	stream.indirect.gather [hbm4b:s1+s15], $0x80, s5, s15, $0xb8;
	[tilespmem:$0x1E880] =	vst v63  }
0xd8: {  	_ =	swait.ge [sflag:s19], $0x3000  }
0xd9: {  	[sflag:s19] =	ssyncset.done $0x0  }
0xda: {  	[sflag:s19] =	ssyncadd.s32 $0xFFFFD000  }
0xdb: {  	[spmem:s3] =	stream.indirect.scatter.add.f32 [tilespmem:s16], [sflag:$0x4], $0x80, s7, s15, $0xb8;
	[tilespmem:$0x1E880] =	vst v63  }
0xdc: {  	_ =	swait.ge [sflag:s12], $0x3000  }
0xdd: {  	[sflag:s12] =	ssyncset.done $0x0  }
0xde: {  	[sflag:s12] =	ssyncadd.s32 $0xFFFFD000  }
0xdf: {  	_ =	swait.ge [sflag:s20], $0x3000  }
0xe0: {  	[sflag:s20] =	ssyncset.done $0x0  }
0xe1: {  	[sflag:s20] =	ssyncadd.s32 $0xFFFFD000  }
0xe2: {  	[spmem:s3] =	stream.indirect.scatter.add.f32 [tilespmem:s17], [sflag:$0x4], $0x80, s8, s15, $0xb8;
	[tilespmem:$0x1E880] =	vst v63  }
0xe3: {  	_ =	swait.ge [sflag:s12], $0x3000  }
0xe4: {  	[sflag:s12] =	ssyncset.done $0x0  }
0xe5: {  	[sflag:s12] =	ssyncadd.s32 $0xFFFFD000  }
0xe6: {  	_ =	swait.ge [sflag:s21], $0x3000  }
0xe7: {  	[sflag:s21] =	ssyncset.done $0x0  }
0xe8: {  	[sflag:s21] =	ssyncadd.s32 $0xFFFFD000  }
0xe9: {  	[spmem:s3] =	stream.indirect.scatter.add.f32 [tilespmem:s18], [sflag:$0x4], $0x80, s9, s15, $0xb8;
	[tilespmem:$0x1E880] =	vst v63  }
0xea: {  	s11 =	simm.s32 $0x180;
	_ =	swait.ge [sflag:s12], $0x3000  }
0xeb: {  	s13 =	simm.s32 $0x300;
	s6 =	rddreg [dreg:$0x5];
	[sflag:s12] =	ssyncset.done $0x0  }
.LBB2_2:
0xec: {  	[sflag:s12] =	ssyncadd.s32 $0xFFFFD000;
	s6 =	sadd.s32 s11, s6  }
0xed: {  	[tilespmem:s4], [sflag:$0x4] =	stream.linear.gather [hbm4b:s6+s4], $0xA80, $0x38;
	[tilespmem:$0x1E880] =	vst v63  }
0xee: {  	_ =	swait.ge [sflag:s12], $0xA80  }
0xef: {  	s6 =	rddreg [dreg:$0x4];
	[sflag:s12] =	ssyncset.done $0x0  }
0xf0: {  	[sflag:s12] =	ssyncadd.s32 $0xFFFFF580;
	s6 =	sadd.s32 s11, s6  }
0xf1: {  	[tilespmem:s14], [sflag:$0x4] =	stream.linear.gather [hbm4b:s6+s4], $0xA80, $0x38;
	[tilespmem:$0x1E880] =	vst v63  }
0xf2: {  	_ =	swait.ge [sflag:s12], $0xA80  }
0xf3: {  	[sflag:s12] =	ssyncset.done $0x0  }
0xf4: {  	[sflag:s12] =	ssyncadd.s32 $0xFFFFF580  }
0xf5: {  	[tilespmem:s16], [sflag:$0x1] =	stream.indirect.gather [hbm4b:s1+s15], $0x80, s4, s15, $0xb8;
	[tilespmem:$0x1E880] =	vst v63  }
0xf6: {  	s10 =	smov.u32 s13;
	s6 =	rddreg [dreg:$0x6]  }
0xf7: {  	[tilespmem:s17], [sflag:$0x2] =	stream.indirect.gather [hbm4b:s1+s15], $0x80, s6, s15, $0xb8;
	[tilespmem:$0x1E880] =	vst v63  }
0xf8: {  	s11 =	smov.u32 s10;
	s10 =	rddreg [dreg:$0x7]  }
0xf9: {  	[tilespmem:s18], [sflag:$0x3] =	stream.indirect.gather [hbm4b:s1+s15], $0x80, s10, s15, $0xb8;
	[tilespmem:$0x1E880] =	vst v63  }
0xfa: {  	_ =	swait.ge [sflag:s19], $0x3000  }
0xfb: {  	[sflag:s19] =	ssyncset.done $0x0  }
0xfc: {  	[sflag:s19] =	ssyncadd.s32 $0xFFFFD000  }
0xfd: {  	[spmem:s3] =	stream.indirect.scatter.add.f32 [tilespmem:s16], [sflag:$0x4], $0x80, s14, s15, $0xb8;
	[tilespmem:$0x1E880] =	vst v63  }
0xfe: {  	_ =	swait.ge [sflag:s12], $0x3000  }
0xff: {  	[sflag:s12] =	ssyncset.done $0x0  }
0x100: {  	s10 =	rddreg [dreg:$0x8];
	[sflag:s12] =	ssyncadd.s32 $0xFFFFD000  }
0x101: {  	[tilespmem:s16], [sflag:$0x1] =	stream.indirect.gather [hbm4b:s1+s15], $0x80, s10, s15, $0xb8;
	[tilespmem:$0x1E880] =	vst v63  }
0x102: {  	_ =	swait.ge [sflag:s20], $0x3000  }
0x103: {  	[sflag:s20] =	ssyncset.done $0x0  }
0x104: {  	s10 =	rddreg [dreg:$0x9];
	[sflag:s20] =	ssyncadd.s32 $0xFFFFD000  }
0x105: {  	[spmem:s3] =	stream.indirect.scatter.add.f32 [tilespmem:s17], [sflag:$0x4], $0x80, s10, s15, $0xb8;
	[tilespmem:$0x1E880] =	vst v63  }
0x106: {  	_ =	swait.ge [sflag:s12], $0x3000  }
0x107: {  	[sflag:s12] =	ssyncset.done $0x0  }
0x108: {  	s10 =	rddreg [dreg:$0xa];
	[sflag:s12] =	ssyncadd.s32 $0xFFFFD000  }
0x109: {  	[tilespmem:s17], [sflag:$0x2] =	stream.indirect.gather [hbm4b:s1+s15], $0x80, s10, s15, $0xb8;
	[tilespmem:$0x1E880] =	vst v63  }
0x10a: {  	_ =	swait.ge [sflag:s21], $0x3000  }
0x10b: {  	[sflag:s21] =	ssyncset.done $0x0  }
0x10c: {  	s10 =	rddreg [dreg:$0xb];
	[sflag:s21] =	ssyncadd.s32 $0xFFFFD000  }
0x10d: {  	[spmem:s3] =	stream.indirect.scatter.add.f32 [tilespmem:s18], [sflag:$0x4], $0x80, s10, s15, $0xb8;
	[tilespmem:$0x1E880] =	vst v63  }
0x10e: {  	_ =	swait.ge [sflag:s12], $0x3000  }
0x10f: {  	[sflag:s12] =	ssyncset.done $0x0  }
0x110: {  	s10 =	rddreg [dreg:$0xc];
	[sflag:s12] =	ssyncadd.s32 $0xFFFFD000  }
0x111: {  	[tilespmem:s18], [sflag:$0x3] =	stream.indirect.gather [hbm4b:s1+s15], $0x80, s10, s15, $0xb8;
	[tilespmem:$0x1E880] =	vst v63  }
0x112: {  	_ =	swait.ge [sflag:s19], $0x3000  }
0x113: {  	[sflag:s19] =	ssyncset.done $0x0  }
0x114: {  	s10 =	rddreg [dreg:$0xd];
	[sflag:s19] =	ssyncadd.s32 $0xFFFFD000  }
0x115: {  	[spmem:s3] =	stream.indirect.scatter.add.f32 [tilespmem:s16], [sflag:$0x4], $0x80, s10, s15, $0xb8;
	[tilespmem:$0x1E880] =	vst v63  }
0x116: {  	_ =	swait.ge [sflag:s12], $0x3000  }
0x117: {  	[sflag:s12] =	ssyncset.done $0x0  }
0x118: {  	s10 =	rddreg [dreg:$0xe];
	[sflag:s12] =	ssyncadd.s32 $0xFFFFD000  }
0x119: {  	[tilespmem:s16], [sflag:$0x1] =	stream.indirect.gather [hbm4b:s1+s15], $0x80, s10, s15, $0xb8;
	[tilespmem:$0x1E880] =	vst v63  }
0x11a: {  	_ =	swait.ge [sflag:s20], $0x3000  }
0x11b: {  	[sflag:s20] =	ssyncset.done $0x0  }
0x11c: {  	s10 =	rddreg [dreg:$0xf];
	[sflag:s20] =	ssyncadd.s32 $0xFFFFD000  }
0x11d: {  	[spmem:s3] =	stream.indirect.scatter.add.f32 [tilespmem:s17], [sflag:$0x4], $0x80, s10, s15, $0xb8;
	[tilespmem:$0x1E880] =	vst v63  }
0x11e: {  	_ =	swait.ge [sflag:s12], $0x3000  }
0x11f: {  	[sflag:s12] =	ssyncset.done $0x0  }
0x120: {  	s10 =	rddreg [dreg:$0x10];
	[sflag:s12] =	ssyncadd.s32 $0xFFFFD000  }
0x121: {  	[tilespmem:s17], [sflag:$0x2] =	stream.indirect.gather [hbm4b:s1+s15], $0x80, s10, s15, $0xb8;
	[tilespmem:$0x1E880] =	vst v63  }
0x122: {  	_ =	swait.ge [sflag:s21], $0x3000  }
0x123: {  	[sflag:s21] =	ssyncset.done $0x0  }
0x124: {  	s10 =	rddreg [dreg:$0x11];
	[sflag:s21] =	ssyncadd.s32 $0xFFFFD000  }
0x125: {  	[spmem:s3] =	stream.indirect.scatter.add.f32 [tilespmem:s18], [sflag:$0x4], $0x80, s10, s15, $0xb8;
	[tilespmem:$0x1E880] =	vst v63  }
0x126: {  	_ =	swait.ge [sflag:s12], $0x3000  }
0x127: {  	[sflag:s12] =	ssyncset.done $0x0  }
0x128: {  	s10 =	rddreg [dreg:$0x12];
	[sflag:s12] =	ssyncadd.s32 $0xFFFFD000  }
0x129: {  	[tilespmem:s18], [sflag:$0x3] =	stream.indirect.gather [hbm4b:s1+s15], $0x80, s10, s15, $0xb8;
	[tilespmem:$0x1E880] =	vst v63  }
0x12a: {  	_ =	swait.ge [sflag:s19], $0x3000  }
0x12b: {  	[sflag:s19] =	ssyncset.done $0x0  }
0x12c: {  	s10 =	rddreg [dreg:$0x13];
	[sflag:s19] =	ssyncadd.s32 $0xFFFFD000  }
0x12d: {  	[spmem:s3] =	stream.indirect.scatter.add.f32 [tilespmem:s16], [sflag:$0x4], $0x80, s10, s15, $0xb8;
	[tilespmem:$0x1E880] =	vst v63  }
0x12e: {  	_ =	swait.ge [sflag:s12], $0x3000  }
0x12f: {  	[sflag:s12] =	ssyncset.done $0x0  }
0x130: {  	s10 =	rddreg [dreg:$0x14];
	[sflag:s12] =	ssyncadd.s32 $0xFFFFD000  }
0x131: {  	[tilespmem:s16], [sflag:$0x1] =	stream.indirect.gather [hbm4b:s1+s15], $0x80, s10, s15, $0xb8;
	[tilespmem:$0x1E880] =	vst v63  }
0x132: {  	_ =	swait.ge [sflag:s20], $0x3000  }
0x133: {  	[sflag:s20] =	ssyncset.done $0x0  }
0x134: {  	s10 =	rddreg [dreg:$0x15];
	[sflag:s20] =	ssyncadd.s32 $0xFFFFD000  }
0x135: {  	[spmem:s3] =	stream.indirect.scatter.add.f32 [tilespmem:s17], [sflag:$0x4], $0x80, s10, s15, $0xb8;
	[tilespmem:$0x1E880] =	vst v63  }
0x136: {  	_ =	swait.ge [sflag:s12], $0x3000  }
0x137: {  	[sflag:s12] =	ssyncset.done $0x0  }
0x138: {  	s10 =	rddreg [dreg:$0x16];
	[sflag:s12] =	ssyncadd.s32 $0xFFFFD000  }
0x139: {  	[tilespmem:s17], [sflag:$0x2] =	stream.indirect.gather [hbm4b:s1+s15], $0x80, s10, s15, $0xb8;
	[tilespmem:$0x1E880] =	vst v63  }
0x13a: {  	_ =	swait.ge [sflag:s21], $0x3000  }
0x13b: {  	[sflag:s21] =	ssyncset.done $0x0  }
0x13c: {  	s10 =	rddreg [dreg:$0x17];
	[sflag:s21] =	ssyncadd.s32 $0xFFFFD000  }
0x13d: {  	[spmem:s3] =	stream.indirect.scatter.add.f32 [tilespmem:s18], [sflag:$0x4], $0x80, s10, s15, $0xb8;
	[tilespmem:$0x1E880] =	vst v63  }
0x13e: {  	_ =	swait.ge [sflag:s12], $0x3000  }
0x13f: {  	[sflag:s12] =	ssyncset.done $0x0  }
0x140: {  	s10 =	rddreg [dreg:$0x18];
	[sflag:s12] =	ssyncadd.s32 $0xFFFFD000  }
0x141: {  	[tilespmem:s18], [sflag:$0x3] =	stream.indirect.gather [hbm4b:s1+s15], $0x80, s10, s15, $0xb8;
	[tilespmem:$0x1E880] =	vst v63  }
0x142: {  	_ =	swait.ge [sflag:s19], $0x3000  }
0x143: {  	[sflag:s19] =	ssyncset.done $0x0  }
0x144: {  	s10 =	rddreg [dreg:$0x19];
	[sflag:s19] =	ssyncadd.s32 $0xFFFFD000  }
0x145: {  	[spmem:s3] =	stream.indirect.scatter.add.f32 [tilespmem:s16], [sflag:$0x4], $0x80, s10, s15, $0xb8;
	[tilespmem:$0x1E880] =	vst v63  }
0x146: {  	_ =	swait.ge [sflag:s12], $0x3000  }
0x147: {  	[sflag:s12] =	ssyncset.done $0x0  }
0x148: {  	s10 =	rddreg [dreg:$0x1a];
	[sflag:s12] =	ssyncadd.s32 $0xFFFFD000  }
0x149: {  	[tilespmem:s16], [sflag:$0x1] =	stream.indirect.gather [hbm4b:s1+s15], $0x80, s10, s15, $0xb8;
	[tilespmem:$0x1E880] =	vst v63  }
0x14a: {  	_ =	swait.ge [sflag:s20], $0x3000  }
0x14b: {  	[sflag:s20] =	ssyncset.done $0x0  }
0x14c: {  	s10 =	rddreg [dreg:$0x1b];
	[sflag:s20] =	ssyncadd.s32 $0xFFFFD000  }
0x14d: {  	[spmem:s3] =	stream.indirect.scatter.add.f32 [tilespmem:s17], [sflag:$0x4], $0x80, s10, s15, $0xb8;
	[tilespmem:$0x1E880] =	vst v63  }
0x14e: {  	_ =	swait.ge [sflag:s12], $0x3000  }
0x14f: {  	[sflag:s12] =	ssyncset.done $0x0  }
0x150: {  	s10 =	rddreg [dreg:$0x1c];
	[sflag:s12] =	ssyncadd.s32 $0xFFFFD000  }
0x151: {  	[tilespmem:s17], [sflag:$0x2] =	stream.indirect.gather [hbm4b:s1+s15], $0x80, s10, s15, $0xb8;
	[tilespmem:$0x1E880] =	vst v63  }
0x152: {  	_ =	swait.ge [sflag:s21], $0x3000  }
0x153: {  	[sflag:s21] =	ssyncset.done $0x0  }
0x154: {  	s10 =	rddreg [dreg:$0x1d];
	[sflag:s21] =	ssyncadd.s32 $0xFFFFD000  }
0x155: {  	[spmem:s3] =	stream.indirect.scatter.add.f32 [tilespmem:s18], [sflag:$0x4], $0x80, s10, s15, $0xb8;
	[tilespmem:$0x1E880] =	vst v63  }
0x156: {  	_ =	swait.ge [sflag:s12], $0x3000  }
0x157: {  	[sflag:s12] =	ssyncset.done $0x0  }
0x158: {  	s10 =	rddreg [dreg:$0x1e];
	[sflag:s12] =	ssyncadd.s32 $0xFFFFD000  }
0x159: {  	[tilespmem:s18], [sflag:$0x3] =	stream.indirect.gather [hbm4b:s1+s15], $0x80, s10, s15, $0xb8;
	[tilespmem:$0x1E880] =	vst v63  }
0x15a: {  	_ =	swait.ge [sflag:s19], $0x3000  }
0x15b: {  	[sflag:s19] =	ssyncset.done $0x0  }
0x15c: {  	[sflag:s19] =	ssyncadd.s32 $0xFFFFD000  }
0x15d: {  	[spmem:s3] =	stream.indirect.scatter.add.f32 [tilespmem:s16], [sflag:$0x4], $0x80, s22, s15, $0xb8;
	[tilespmem:$0x1E880] =	vst v63  }
0x15e: {  	_ =	swait.ge [sflag:s12], $0x3000  }
0x15f: {  	[sflag:s12] =	ssyncset.done $0x0  }
0x160: {  	[sflag:s12] =	ssyncadd.s32 $0xFFFFD000  }
0x161: {  	[tilespmem:s16], [sflag:$0x1] =	stream.indirect.gather [hbm4b:s1+s15], $0x80, s23, s15, $0xb8;
	[tilespmem:$0x1E880] =	vst v63  }
0x162: {  	_ =	swait.ge [sflag:s20], $0x3000  }
0x163: {  	[sflag:s20] =	ssyncset.done $0x0  }
0x164: {  	[sflag:s20] =	ssyncadd.s32 $0xFFFFD000  }
0x165: {  	[spmem:s3] =	stream.indirect.scatter.add.f32 [tilespmem:s17], [sflag:$0x4], $0x80, s24, s15, $0xb8;
	[tilespmem:$0x1E880] =	vst v63  }
0x166: {  	_ =	swait.ge [sflag:s12], $0x3000  }
0x167: {  	[sflag:s12] =	ssyncset.done $0x0  }
0x168: {  	[sflag:s12] =	ssyncadd.s32 $0xFFFFD000  }
0x169: {  	[tilespmem:s17], [sflag:$0x2] =	stream.indirect.gather [hbm4b:s1+s15], $0x80, s25, s15, $0xb8;
	[tilespmem:$0x1E880] =	vst v63  }
0x16a: {  	_ =	swait.ge [sflag:s21], $0x3000  }
0x16b: {  	[sflag:s21] =	ssyncset.done $0x0  }
0x16c: {  	[sflag:s21] =	ssyncadd.s32 $0xFFFFD000  }
0x16d: {  	[spmem:s3] =	stream.indirect.scatter.add.f32 [tilespmem:s18], [sflag:$0x4], $0x80, s26, s15, $0xb8;
	[tilespmem:$0x1E880] =	vst v63  }
0x16e: {  	_ =	swait.ge [sflag:s12], $0x3000  }
0x16f: {  	[sflag:s12] =	ssyncset.done $0x0  }
0x170: {  	[sflag:s12] =	ssyncadd.s32 $0xFFFFD000  }
0x171: {  	[tilespmem:s18], [sflag:$0x3] =	stream.indirect.gather [hbm4b:s1+s15], $0x80, s28, s15, $0xb8;
	[tilespmem:$0x1E880] =	vst v63  }
0x172: {  	_ =	swait.ge [sflag:s19], $0x3000  }
0x173: {  	[sflag:s19] =	ssyncset.done $0x0  }
0x174: {  	[sflag:s19] =	ssyncadd.s32 $0xFFFFD000  }
0x175: {  	[spmem:s3] =	stream.indirect.scatter.add.f32 [tilespmem:s16], [sflag:$0x4], $0x80, s29, s15, $0xb8;
	[tilespmem:$0x1E880] =	vst v63  }
0x176: {  	_ =	swait.ge [sflag:s12], $0x3000  }
0x177: {  	[sflag:s12] =	ssyncset.done $0x0  }
0x178: {  	[sflag:s12] =	ssyncadd.s32 $0xFFFFD000  }
0x179: {  	[tilespmem:s16], [sflag:$0x1] =	stream.indirect.gather [hbm4b:s1+s15], $0x80, s30, s15, $0xb8;
	[tilespmem:$0x1E880] =	vst v63  }
0x17a: {  	_ =	swait.ge [sflag:s20], $0x3000  }
0x17b: {  	[sflag:s20] =	ssyncset.done $0x0  }
0x17c: {  	[sflag:s20] =	ssyncadd.s32 $0xFFFFD000  }
0x17d: {  	[spmem:s3] =	stream.indirect.scatter.add.f32 [tilespmem:s17], [sflag:$0x4], $0x80, s31, s15, $0xb8;
	[tilespmem:$0x1E880] =	vst v63  }
0x17e: {  	_ =	swait.ge [sflag:s12], $0x3000  }
0x17f: {  	[sflag:s12] =	ssyncset.done $0x0  }
0x180: {  	[sflag:s12] =	ssyncadd.s32 $0xFFFFD000  }
0x181: {  	[tilespmem:s17], [sflag:$0x2] =	stream.indirect.gather [hbm4b:s1+s15], $0x80, s2, s15, $0xb8;
	[tilespmem:$0x1E880] =	vst v63  }
0x182: {  	_ =	swait.ge [sflag:s21], $0x3000  }
0x183: {  	[sflag:s21] =	ssyncset.done $0x0  }
0x184: {  	[sflag:s21] =	ssyncadd.s32 $0xFFFFD000  }
0x185: {  	[spmem:s3] =	stream.indirect.scatter.add.f32 [tilespmem:s18], [sflag:$0x4], $0x80, s0, s15, $0xb8;
	[tilespmem:$0x1E880] =	vst v63  }
0x186: {  	_ =	swait.ge [sflag:s12], $0x3000  }
0x187: {  	[sflag:s12] =	ssyncset.done $0x0  }
0x188: {  	[sflag:s12] =	ssyncadd.s32 $0xFFFFD000  }
0x189: {  	[tilespmem:s18], [sflag:$0x3] =	stream.indirect.gather [hbm4b:s1+s15], $0x80, s5, s15, $0xb8;
	[tilespmem:$0x1E880] =	vst v63  }
0x18a: {  	_ =	swait.ge [sflag:s19], $0x3000  }
0x18b: {  	[sflag:s19] =	ssyncset.done $0x0  }
0x18c: {  	[sflag:s19] =	ssyncadd.s32 $0xFFFFD000  }
0x18d: {  	[spmem:s3] =	stream.indirect.scatter.add.f32 [tilespmem:s16], [sflag:$0x4], $0x80, s7, s15, $0xb8;
	[tilespmem:$0x1E880] =	vst v63  }
0x18e: {  	_ =	swait.ge [sflag:s12], $0x3000  }
0x18f: {  	[sflag:s12] =	ssyncset.done $0x0  }
0x190: {  	[sflag:s12] =	ssyncadd.s32 $0xFFFFD000  }
0x191: {  	_ =	swait.ge [sflag:s20], $0x3000  }
0x192: {  	[sflag:s20] =	ssyncset.done $0x0  }
0x193: {  	[sflag:s20] =	ssyncadd.s32 $0xFFFFD000  }
0x194: {  	[spmem:s3] =	stream.indirect.scatter.add.f32 [tilespmem:s17], [sflag:$0x4], $0x80, s8, s15, $0xb8;
	[tilespmem:$0x1E880] =	vst v63  }
0x195: {  	_ =	swait.ge [sflag:s12], $0x3000  }
0x196: {  	[sflag:s12] =	ssyncset.done $0x0  }
0x197: {  	[sflag:s12] =	ssyncadd.s32 $0xFFFFD000  }
0x198: {  	p1 =	sne.s32 s13, $0x600;
	_ =	swait.ge [sflag:s21], $0x3000  }
.Ltmp0:
0x199: {  	[sflag:s21] =	ssyncset.done $0x0;
	(pc) =	sbr.rel @p1 .LBB2_2-.Ltmp0, $4  }
0x19a: {  	[sflag:s21] =	ssyncadd.s32 $0xFFFFD000  }
0x19b: {  	[spmem:s3] =	stream.indirect.scatter.add.f32 [tilespmem:s18], [sflag:$0x4], $0x80, s9, s15, $0xb8;
	[tilespmem:$0x1E880] =	vst v63  }
0x19c: {  	_ =	swait.ge [sflag:s12], $0x3000  }
0x19d: {  	s13 =	sadd.s32 $0x180, s13;
	s6 =	rddreg [dreg:$0x5];
	[sflag:s12] =	ssyncset.done $0x0  }
0x19e: {  	[sflag:s12] =	ssyncadd.s32 $0xFFFFD000;
	s6 =	sadd.s32 s11, s6  }
0x19f: {  	[tilespmem:s4], [sflag:$0x4] =	stream.linear.gather [hbm4b:s6+s4], $0xA80, $0x38;
	[tilespmem:$0x1E880] =	vst v63  }
0x1a0: {  	_ =	swait.ge [sflag:s12], $0xA80  }
0x1a1: {  	s10 =	rddreg [dreg:$0x4];
	[sflag:s12] =	ssyncset.done $0x0  }
0x1a2: {  	[sflag:s12] =	ssyncadd.s32 $0xFFFFF580;
	s6 =	sadd.s32 s11, s10  }
0x1a3: {  	[tilespmem:s14], [sflag:$0x4] =	stream.linear.gather [hbm4b:s6+s4], $0xA80, $0x38;
	[tilespmem:$0x1E880] =	vst v63  }
0x1a4: {  	_ =	swait.ge [sflag:s12], $0xA80  }
0x1a5: {  	[sflag:s12] =	ssyncset.done $0x0  }
0x1a6: {  	[sflag:s12] =	ssyncadd.s32 $0xFFFFF580  }
0x1a7: {  	[tilespmem:s16], [sflag:$0x1] =	stream.indirect.gather [hbm4b:s1+s15], $0x80, s4, s15, $0xb8;
	[tilespmem:$0x1E880] =	vst v63  }
0x1a8: {  	s11 =	rddreg [dreg:$0x6]  }
0x1a9: {  	[tilespmem:s17], [sflag:$0x2] =	stream.indirect.gather [hbm4b:s1+s15], $0x80, s11, s15, $0xb8;
	[tilespmem:$0x1E880] =	vst v63  }
0x1aa: {  	s10 =	rddreg [dreg:$0x7]  }
0x1ab: {  	[tilespmem:s18], [sflag:$0x3] =	stream.indirect.gather [hbm4b:s1+s15], $0x80, s10, s15, $0xb8;
	[tilespmem:$0x1E880] =	vst v63  }
0x1ac: {  	_ =	swait.ge [sflag:s19], $0x3000  }
0x1ad: {  	[sflag:s19] =	ssyncset.done $0x0  }
0x1ae: {  	[sflag:s19] =	ssyncadd.s32 $0xFFFFD000  }
0x1af: {  	[spmem:s3] =	stream.indirect.scatter.add.f32 [tilespmem:s16], [sflag:$0x4], $0x80, s14, s15, $0xb8;
	[tilespmem:$0x1E880] =	vst v63  }
0x1b0: {  	_ =	swait.ge [sflag:s12], $0x3000  }
0x1b1: {  	[sflag:s12] =	ssyncset.done $0x0  }
0x1b2: {  	s13 =	rddreg [dreg:$0x8];
	[sflag:s12] =	ssyncadd.s32 $0xFFFFD000  }
0x1b3: {  	[tilespmem:s16], [sflag:$0x1] =	stream.indirect.gather [hbm4b:s1+s15], $0x80, s13, s15, $0xb8;
	[tilespmem:$0x1E880] =	vst v63  }
0x1b4: {  	_ =	swait.ge [sflag:s20], $0x3000  }
0x1b5: {  	[sflag:s20] =	ssyncset.done $0x0  }
0x1b6: {  	s10 =	rddreg [dreg:$0x9];
	[sflag:s20] =	ssyncadd.s32 $0xFFFFD000  }
0x1b7: {  	[spmem:s3] =	stream.indirect.scatter.add.f32 [tilespmem:s17], [sflag:$0x4], $0x80, s10, s15, $0xb8;
	[tilespmem:$0x1E880] =	vst v63  }
0x1b8: {  	_ =	swait.ge [sflag:s12], $0x3000  }
0x1b9: {  	[sflag:s12] =	ssyncset.done $0x0  }
0x1ba: {  	s11 =	rddreg [dreg:$0xa];
	[sflag:s12] =	ssyncadd.s32 $0xFFFFD000  }
0x1bb: {  	[tilespmem:s17], [sflag:$0x2] =	stream.indirect.gather [hbm4b:s1+s15], $0x80, s11, s15, $0xb8;
	[tilespmem:$0x1E880] =	vst v63  }
0x1bc: {  	_ =	swait.ge [sflag:s21], $0x3000  }
0x1bd: {  	[sflag:s21] =	ssyncset.done $0x0  }
0x1be: {  	s13 =	rddreg [dreg:$0xb];
	[sflag:s21] =	ssyncadd.s32 $0xFFFFD000  }
0x1bf: {  	[spmem:s3] =	stream.indirect.scatter.add.f32 [tilespmem:s18], [sflag:$0x4], $0x80, s13, s15, $0xb8;
	[tilespmem:$0x1E880] =	vst v63  }
0x1c0: {  	_ =	swait.ge [sflag:s12], $0x3000  }
0x1c1: {  	[sflag:s12] =	ssyncset.done $0x0  }
0x1c2: {  	s10 =	rddreg [dreg:$0xc];
	[sflag:s12] =	ssyncadd.s32 $0xFFFFD000  }
0x1c3: {  	[tilespmem:s18], [sflag:$0x3] =	stream.indirect.gather [hbm4b:s1+s15], $0x80, s10, s15, $0xb8;
	[tilespmem:$0x1E880] =	vst v63  }
0x1c4: {  	_ =	swait.ge [sflag:s19], $0x3000  }
0x1c5: {  	[sflag:s19] =	ssyncset.done $0x0  }
0x1c6: {  	s11 =	rddreg [dreg:$0xd];
	[sflag:s19] =	ssyncadd.s32 $0xFFFFD000  }
0x1c7: {  	[spmem:s3] =	stream.indirect.scatter.add.f32 [tilespmem:s16], [sflag:$0x4], $0x80, s11, s15, $0xb8;
	[tilespmem:$0x1E880] =	vst v63  }
0x1c8: {  	_ =	swait.ge [sflag:s12], $0x3000  }
0x1c9: {  	[sflag:s12] =	ssyncset.done $0x0  }
0x1ca: {  	s13 =	rddreg [dreg:$0xe];
	[sflag:s12] =	ssyncadd.s32 $0xFFFFD000  }
0x1cb: {  	[tilespmem:s16], [sflag:$0x1] =	stream.indirect.gather [hbm4b:s1+s15], $0x80, s13, s15, $0xb8;
	[tilespmem:$0x1E880] =	vst v63  }
0x1cc: {  	_ =	swait.ge [sflag:s20], $0x3000  }
0x1cd: {  	[sflag:s20] =	ssyncset.done $0x0  }
0x1ce: {  	s10 =	rddreg [dreg:$0xf];
	[sflag:s20] =	ssyncadd.s32 $0xFFFFD000  }
0x1cf: {  	[spmem:s3] =	stream.indirect.scatter.add.f32 [tilespmem:s17], [sflag:$0x4], $0x80, s10, s15, $0xb8;
	[tilespmem:$0x1E880] =	vst v63  }
0x1d0: {  	_ =	swait.ge [sflag:s12], $0x3000  }
0x1d1: {  	[sflag:s12] =	ssyncset.done $0x0  }
0x1d2: {  	s11 =	rddreg [dreg:$0x10];
	[sflag:s12] =	ssyncadd.s32 $0xFFFFD000  }
0x1d3: {  	[tilespmem:s17], [sflag:$0x2] =	stream.indirect.gather [hbm4b:s1+s15], $0x80, s11, s15, $0xb8;
	[tilespmem:$0x1E880] =	vst v63  }
0x1d4: {  	_ =	swait.ge [sflag:s21], $0x3000  }
0x1d5: {  	[sflag:s21] =	ssyncset.done $0x0  }
0x1d6: {  	s13 =	rddreg [dreg:$0x11];
	[sflag:s21] =	ssyncadd.s32 $0xFFFFD000  }
0x1d7: {  	[spmem:s3] =	stream.indirect.scatter.add.f32 [tilespmem:s18], [sflag:$0x4], $0x80, s13, s15, $0xb8;
	[tilespmem:$0x1E880] =	vst v63  }
0x1d8: {  	_ =	swait.ge [sflag:s12], $0x3000  }
0x1d9: {  	[sflag:s12] =	ssyncset.done $0x0  }
0x1da: {  	s10 =	rddreg [dreg:$0x12];
	[sflag:s12] =	ssyncadd.s32 $0xFFFFD000  }
0x1db: {  	[tilespmem:s18], [sflag:$0x3] =	stream.indirect.gather [hbm4b:s1+s15], $0x80, s10, s15, $0xb8;
	[tilespmem:$0x1E880] =	vst v63  }
0x1dc: {  	_ =	swait.ge [sflag:s19], $0x3000  }
0x1dd: {  	[sflag:s19] =	ssyncset.done $0x0  }
0x1de: {  	s11 =	rddreg [dreg:$0x13];
	[sflag:s19] =	ssyncadd.s32 $0xFFFFD000  }
0x1df: {  	[spmem:s3] =	stream.indirect.scatter.add.f32 [tilespmem:s16], [sflag:$0x4], $0x80, s11, s15, $0xb8;
	[tilespmem:$0x1E880] =	vst v63  }
0x1e0: {  	_ =	swait.ge [sflag:s12], $0x3000  }
0x1e1: {  	[sflag:s12] =	ssyncset.done $0x0  }
0x1e2: {  	s13 =	rddreg [dreg:$0x14];
	[sflag:s12] =	ssyncadd.s32 $0xFFFFD000  }
0x1e3: {  	[tilespmem:s16], [sflag:$0x1] =	stream.indirect.gather [hbm4b:s1+s15], $0x80, s13, s15, $0xb8;
	[tilespmem:$0x1E880] =	vst v63  }
0x1e4: {  	_ =	swait.ge [sflag:s20], $0x3000  }
0x1e5: {  	[sflag:s20] =	ssyncset.done $0x0  }
0x1e6: {  	s10 =	rddreg [dreg:$0x15];
	[sflag:s20] =	ssyncadd.s32 $0xFFFFD000  }
0x1e7: {  	[spmem:s3] =	stream.indirect.scatter.add.f32 [tilespmem:s17], [sflag:$0x4], $0x80, s10, s15, $0xb8;
	[tilespmem:$0x1E880] =	vst v63  }
0x1e8: {  	_ =	swait.ge [sflag:s12], $0x3000  }
0x1e9: {  	[sflag:s12] =	ssyncset.done $0x0  }
0x1ea: {  	s11 =	rddreg [dreg:$0x16];
	[sflag:s12] =	ssyncadd.s32 $0xFFFFD000  }
0x1eb: {  	[tilespmem:s17], [sflag:$0x2] =	stream.indirect.gather [hbm4b:s1+s15], $0x80, s11, s15, $0xb8;
	[tilespmem:$0x1E880] =	vst v63  }
0x1ec: {  	_ =	swait.ge [sflag:s21], $0x3000  }
0x1ed: {  	[sflag:s21] =	ssyncset.done $0x0  }
0x1ee: {  	s13 =	rddreg [dreg:$0x17];
	[sflag:s21] =	ssyncadd.s32 $0xFFFFD000  }
0x1ef: {  	[spmem:s3] =	stream.indirect.scatter.add.f32 [tilespmem:s18], [sflag:$0x4], $0x80, s13, s15, $0xb8;
	[tilespmem:$0x1E880] =	vst v63  }
0x1f0: {  	_ =	swait.ge [sflag:s12], $0x3000  }
0x1f1: {  	[sflag:s12] =	ssyncset.done $0x0  }
0x1f2: {  	s10 =	rddreg [dreg:$0x18];
	[sflag:s12] =	ssyncadd.s32 $0xFFFFD000  }
0x1f3: {  	[tilespmem:s18], [sflag:$0x3] =	stream.indirect.gather [hbm4b:s1+s15], $0x80, s10, s15, $0xb8;
	[tilespmem:$0x1E880] =	vst v63  }
0x1f4: {  	_ =	swait.ge [sflag:s19], $0x3000  }
0x1f5: {  	[sflag:s19] =	ssyncset.done $0x0  }
0x1f6: {  	s11 =	rddreg [dreg:$0x19];
	[sflag:s19] =	ssyncadd.s32 $0xFFFFD000  }
0x1f7: {  	[spmem:s3] =	stream.indirect.scatter.add.f32 [tilespmem:s16], [sflag:$0x4], $0x80, s11, s15, $0xb8;
	[tilespmem:$0x1E880] =	vst v63  }
0x1f8: {  	_ =	swait.ge [sflag:s12], $0x3000  }
0x1f9: {  	[sflag:s12] =	ssyncset.done $0x0  }
0x1fa: {  	s13 =	rddreg [dreg:$0x1a];
	[sflag:s12] =	ssyncadd.s32 $0xFFFFD000  }
0x1fb: {  	[tilespmem:s16], [sflag:$0x1] =	stream.indirect.gather [hbm4b:s1+s15], $0x80, s13, s15, $0xb8;
	[tilespmem:$0x1E880] =	vst v63  }
0x1fc: {  	_ =	swait.ge [sflag:s20], $0x3000  }
0x1fd: {  	[sflag:s20] =	ssyncset.done $0x0  }
0x1fe: {  	s10 =	rddreg [dreg:$0x1b];
	[sflag:s20] =	ssyncadd.s32 $0xFFFFD000  }
0x1ff: {  	[spmem:s3] =	stream.indirect.scatter.add.f32 [tilespmem:s17], [sflag:$0x4], $0x80, s10, s15, $0xb8;
	[tilespmem:$0x1E880] =	vst v63  }
0x200: {  	_ =	swait.ge [sflag:s12], $0x3000  }
0x201: {  	[sflag:s12] =	ssyncset.done $0x0  }
0x202: {  	s11 =	rddreg [dreg:$0x1c];
	[sflag:s12] =	ssyncadd.s32 $0xFFFFD000  }
0x203: {  	[tilespmem:s17], [sflag:$0x2] =	stream.indirect.gather [hbm4b:s1+s15], $0x80, s11, s15, $0xb8;
	[tilespmem:$0x1E880] =	vst v63  }
0x204: {  	_ =	swait.ge [sflag:s21], $0x3000  }
0x205: {  	[sflag:s21] =	ssyncset.done $0x0  }
0x206: {  	s13 =	rddreg [dreg:$0x1d];
	[sflag:s21] =	ssyncadd.s32 $0xFFFFD000  }
0x207: {  	[spmem:s3] =	stream.indirect.scatter.add.f32 [tilespmem:s18], [sflag:$0x4], $0x80, s13, s15, $0xb8;
	[tilespmem:$0x1E880] =	vst v63  }
0x208: {  	_ =	swait.ge [sflag:s12], $0x3000  }
0x209: {  	[sflag:s12] =	ssyncset.done $0x0  }
0x20a: {  	s10 =	rddreg [dreg:$0x1e];
	[sflag:s12] =	ssyncadd.s32 $0xFFFFD000  }
0x20b: {  	[tilespmem:s18], [sflag:$0x3] =	stream.indirect.gather [hbm4b:s1+s15], $0x80, s10, s15, $0xb8;
	[tilespmem:$0x1E880] =	vst v63  }
0x20c: {  	_ =	swait.ge [sflag:s19], $0x3000  }
0x20d: {  	[sflag:s19] =	ssyncset.done $0x0  }
0x20e: {  	[sflag:s19] =	ssyncadd.s32 $0xFFFFD000  }
0x20f: {  	[spmem:s3] =	stream.indirect.scatter.add.f32 [tilespmem:s16], [sflag:$0x4], $0x80, s22, s15, $0xb8;
	[tilespmem:$0x1E880] =	vst v63  }
0x210: {  	_ =	swait.ge [sflag:s12], $0x3000  }
0x211: {  	[sflag:s12] =	ssyncset.done $0x0  }
0x212: {  	[sflag:s12] =	ssyncadd.s32 $0xFFFFD000  }
0x213: {  	[tilespmem:s16], [sflag:$0x1] =	stream.indirect.gather [hbm4b:s1+s15], $0x80, s23, s15, $0xb8;
	[tilespmem:$0x1E880] =	vst v63  }
0x214: {  	_ =	swait.ge [sflag:s20], $0x3000  }
0x215: {  	[sflag:s20] =	ssyncset.done $0x0  }
0x216: {  	[sflag:s20] =	ssyncadd.s32 $0xFFFFD000  }
0x217: {  	[spmem:s3] =	stream.indirect.scatter.add.f32 [tilespmem:s17], [sflag:$0x4], $0x80, s24, s15, $0xb8;
	[tilespmem:$0x1E880] =	vst v63  }
0x218: {  	_ =	swait.ge [sflag:s12], $0x3000  }
0x219: {  	[sflag:s12] =	ssyncset.done $0x0  }
0x21a: {  	[sflag:s12] =	ssyncadd.s32 $0xFFFFD000  }
0x21b: {  	[tilespmem:s17], [sflag:$0x2] =	stream.indirect.gather [hbm4b:s1+s15], $0x80, s25, s15, $0xb8;
	[tilespmem:$0x1E880] =	vst v63  }
0x21c: {  	_ =	swait.ge [sflag:s21], $0x3000  }
0x21d: {  	[sflag:s21] =	ssyncset.done $0x0  }
0x21e: {  	[sflag:s21] =	ssyncadd.s32 $0xFFFFD000  }
0x21f: {  	[spmem:s3] =	stream.indirect.scatter.add.f32 [tilespmem:s18], [sflag:$0x4], $0x80, s26, s15, $0xb8;
	[tilespmem:$0x1E880] =	vst v63  }
0x220: {  	_ =	swait.ge [sflag:s12], $0x3000  }
0x221: {  	[sflag:s12] =	ssyncset.done $0x0  }
0x222: {  	[sflag:s12] =	ssyncadd.s32 $0xFFFFD000  }
0x223: {  	[tilespmem:s18], [sflag:$0x3] =	stream.indirect.gather [hbm4b:s1+s15], $0x80, s28, s15, $0xb8;
	[tilespmem:$0x1E880] =	vst v63  }
0x224: {  	_ =	swait.ge [sflag:s19], $0x3000  }
0x225: {  	[sflag:s19] =	ssyncset.done $0x0  }
0x226: {  	[sflag:s19] =	ssyncadd.s32 $0xFFFFD000  }
0x227: {  	[spmem:s3] =	stream.indirect.scatter.add.f32 [tilespmem:s16], [sflag:$0x4], $0x80, s29, s15, $0xb8;
	[tilespmem:$0x1E880] =	vst v63  }
0x228: {  	_ =	swait.ge [sflag:s12], $0x3000  }
0x229: {  	[sflag:s12] =	ssyncset.done $0x0  }
0x22a: {  	[sflag:s12] =	ssyncadd.s32 $0xFFFFD000  }
0x22b: {  	[tilespmem:s16], [sflag:$0x1] =	stream.indirect.gather [hbm4b:s1+s15], $0x80, s30, s15, $0xb8;
	[tilespmem:$0x1E880] =	vst v63  }
0x22c: {  	_ =	swait.ge [sflag:s20], $0x3000  }
0x22d: {  	[sflag:s20] =	ssyncset.done $0x0  }
0x22e: {  	[sflag:s20] =	ssyncadd.s32 $0xFFFFD000  }
0x22f: {  	[spmem:s3] =	stream.indirect.scatter.add.f32 [tilespmem:s17], [sflag:$0x4], $0x80, s31, s15, $0xb8;
	[tilespmem:$0x1E880] =	vst v63  }
0x230: {  	_ =	swait.ge [sflag:s12], $0x3000  }
0x231: {  	[sflag:s12] =	ssyncset.done $0x0  }
0x232: {  	[sflag:s12] =	ssyncadd.s32 $0xFFFFD000  }
0x233: {  	[tilespmem:s17], [sflag:$0x2] =	stream.indirect.gather [hbm4b:s1+s15], $0x80, s2, s15, $0xb8;
	[tilespmem:$0x1E880] =	vst v63  }
0x234: {  	_ =	swait.ge [sflag:s21], $0x3000  }
0x235: {  	[sflag:s21] =	ssyncset.done $0x0  }
0x236: {  	[sflag:s21] =	ssyncadd.s32 $0xFFFFD000  }
0x237: {  	[spmem:s3] =	stream.indirect.scatter.add.f32 [tilespmem:s18], [sflag:$0x4], $0x80, s0, s15, $0xb8;
	[tilespmem:$0x1E880] =	vst v63  }
0x238: {  	_ =	swait.ge [sflag:s12], $0x3000  }
0x239: {  	[sflag:s12] =	ssyncset.done $0x0  }
0x23a: {  	[sflag:s12] =	ssyncadd.s32 $0xFFFFD000  }
0x23b: {  	[tilespmem:s18], [sflag:$0x3] =	stream.indirect.gather [hbm4b:s1+s15], $0x80, s5, s15, $0xb8;
	[tilespmem:$0x1E880] =	vst v63  }
0x23c: {  	_ =	swait.ge [sflag:s19], $0x3000  }
0x23d: {  	[sflag:s19] =	ssyncset.done $0x0  }
0x23e: {  	[sflag:s19] =	ssyncadd.s32 $0xFFFFD000  }
0x23f: {  	[spmem:s3] =	stream.indirect.scatter.add.f32 [tilespmem:s16], [sflag:$0x4], $0x80, s7, s15, $0xb8;
	[tilespmem:$0x1E880] =	vst v63  }
0x240: {  	_ =	swait.ge [sflag:s12], $0x3000  }
0x241: {  	[sflag:s12] =	ssyncset.done $0x0  }
0x242: {  	[sflag:s12] =	ssyncadd.s32 $0xFFFFD000  }
0x243: {  	_ =	swait.ge [sflag:s20], $0x3000  }
0x244: {  	[sflag:s20] =	ssyncset.done $0x0  }
0x245: {  	[sflag:s20] =	ssyncadd.s32 $0xFFFFD000  }
0x246: {  	[spmem:s3] =	stream.indirect.scatter.add.f32 [tilespmem:s17], [sflag:$0x4], $0x80, s8, s15, $0xb8;
	[tilespmem:$0x1E880] =	vst v63  }
0x247: {  	_ =	swait.ge [sflag:s12], $0x3000  }
0x248: {  	[sflag:s12] =	ssyncset.done $0x0  }
0x249: {  	[sflag:s12] =	ssyncadd.s32 $0xFFFFD000  }
0x24a: {  	_ =	swait.ge [sflag:s21], $0x3000  }
0x24b: {  	[sflag:s21] =	ssyncset.done $0x0  }
0x24c: {  	[sflag:s21] =	ssyncadd.s32 $0xFFFFD000  }
0x24d: {  	[spmem:s3] =	stream.indirect.scatter.add.f32 [tilespmem:s18], [sflag:$0x4], $0x80, s9, s15, $0xb8;
	[tilespmem:$0x1E880] =	vst v63  }
0x24e: {  	_ =	swait.ge [sflag:s12], $0x3000  }
0x24f: {  	[sflag:s12] =	ssyncset.done $0x0  }
0x250: {  	[sflag:s12] =	ssyncadd.s32 $0xFFFFD000  }
0x251: {  	[bflag:$0x0] =	sbarrier.arrive $0xFFFF  }
0x252: {  	s10 =	sld [smem:$0x7FB]  }
0x253: {  	s11 =	sld [smem:$0x7F7]  }
0x254: {  	s13 =	sld [smem:$0x7FC];
	_ =	sdelay $0x2  }
0x255: {  	[hbm:s11], [sflag:s10] =	dma.local [spmem:s13], $0x2700  }
0x256: {  	_ =	swait.ge [sflag:s12], $0x2700  }
0x257: {  	s6 =	sld [smem:$0x7F8]  }
0x258: {  	s13 =	sld [smem:$0x7FD]  }
0x259: {  	[sflag:s12] =	ssyncset.done $0x0  }
0x25a: {  	s11 =	simm.s32 @!p0 $0x4;
	[sflag:s12] =	ssyncadd.s32 $0xFFFFD900  }
0x25b: {  	[hbm:s6], [sflag:s10] =	dma.local @!p0 [spmem:s13], $0x100  }
0x25c: {  	_ =	swait.ge @!p0 [sflag:s11], $0x100  }
0x25d: {  	s6 =	sld [smem:$0x7FA]  }
0x25e: {  	[sflag:s11] =	ssyncset.done @!p0 $0x0;
	s11 =	sld [smem:$0x7F9];
	_ =	sdelay $0x1  }
0x25f: {  	s6 =	sadd.s32 $0x1, s6  }
0x260: {  	p1 =	sne.s32 s6, s11  }
.Ltmp1:
0x261: {  	_ = 	snop;
	(pc) =	sbr.rel @p1 .LBB2_1-.Ltmp1, $4  }
0x262: {  	_ = 	snop  }
0x263: {  	[smem:$0x7FA] =	sst s6  }
0x264: {  	s11 =	smov.u32 s13;
	s13 =	sld [smem:$0x7FC];
	s6 =	simm.s32 @!p0 $0x4  }
0x265: {  	[sflag:s6] =	ssyncadd.s32 @!p0 $0xFFFFFF00  }
0x266: {  	_ =	sfence.sel $0x180000  }
0x267: {  	[bflag:$0x0] =	sbarrier.arrive $0xFFFF  }
0x268: {  	_ =	strace $0x9000004A  }
0x269: {  	s0 =	stileid.u32;
	[bflag:$0x2] =	sbarrier.arrive $0xFFFF  }
0x26a: {  	p0 =	sne.s32 s0, $0x0;
	s0 =	rddreg [dreg:$0x3]  }
0x26b: {  	s0 =	sadd.s32 @!p0 $0x100000, s0  }
0x26c: {  	[sflag:s0] =	ssyncadd.tile.s32 @!p0 $0x1;
	_ =	shalt  }
.Lfunc_end2:
_tile_overlayer_lowered:
.L_overlay_start_2:
0x26d: {  	(tag) =	ssettag $0x2  }
0x26e: {  	s0 =	rddreg [dreg:$0x0];
	s2 =	stileid.u32  }
0x26f: {  	s1 =	rddreg [dreg:$0x1];
	p0 =	sne.s32 s2, $0x0  }
0x270: {  	s3 =	rddreg [dreg:$0x2];
	[bflag:$0x3] =	sbarrier.arrive $0xFFFF;
	s2 =	simm.s32 @!p0 $0x1C04  }
0x271: {  	[timem:s3], [sflag:s2] =	dma.local @!p0 [hbm:s0], s1  }
0x272: {  	s0 =	simm.s32 @!p0 $0x4  }
0x273: {  	_ =	swait.ge @!p0 [sflag:s0], s1  }
0x274: {  	s1 =	ssub.s32 @!p0 $0x0, s1;
	[sflag:s0] =	ssyncset.done @!p0 $0x0  }
0x275: {  	[sflag:s0] =	ssyncadd.s32 @!p0 s1  }
0x276: {  	[bflag:$0x3] =	sbarrier.arrive $0xFFFF  }
0x277: {  	_ =	shalt  }

// kernel: kernel.7.cloned.1.call-start
scs
__scs_entry_jumppad:
0x0: {  	(pc) =	sbr.rel $0x88, $3  }
0x1: {  	(tag) =	ssettag $0x0;
	lr =	simm.s32 $0x1  }
0x2: {  	[smem:$0x3F94] =	sst lr;
	_ =	strace $0xD0000000  }
0x3: {  	_ = 	snop  }
0x4: {  	_ = 	snop  }
0x5: {  	_ = 	snop  }
0x6: {  	_ = 	snop  }
0x7: {  	_ = 	snop  }
__scs_overlays_trampoline_lowered:
0x8: {  	[smem:$0x3FA3] =	sst s0  }
0x9: {  	[smem:$0x3FA4] =	sst s1  }
0xa: {  	[smem:$0x3FA5] =	sst s2  }
0xb: {  	[smem:$0x3FA6] =	sst s3  }
0xc: {  	[smem:$0x3FA7] =	sst s4  }
0xd: {  	[smem:$0x3FA8] =	sst s5  }
0xe: {  	[smem:$0x3FA9] =	sst s6  }
0xf: {  	[smem:$0x3FAA] =	sst s7  }
0x10: {  	[smem:$0x3FAB] =	sst s8  }
0x11: {  	[smem:$0x3FAC] =	sst s9;
	s0 =	simm.s32 @!p0 $0x0  }
0x12: {  	s1 =	sld [smem:$0x3F92];
	s0 =	simm.s32 @p0 $0x1  }
0x13: {  	[smem:$0x3FAD] =	sst s0;
	s0 =	simm.s32 @!p1 $0x0  }
0x14: {  	s2 =	sld [smem:$0x3F91];
	s0 =	simm.s32 @p1 $0x1  }
0x15: {  	[smem:$0x3FAE] =	sst s0;
	s0 =	simm.s32 @!p2 $0x0  }
0x16: {  	s3 =	sld [smem:$0x3FDB];
	s0 =	simm.s32 @p2 $0x1  }
0x17: {  	s4 =	simm.s32 $0x1BF5;
	[smem:$0x3FB0] =	sst s0  }
0x18: {  	s0 =	sld [smem:$0x3F93];
	_ =	swait.ge [sflag:s4], $0x0  }
0x19: {  	s7 =	sld [smem:$0x3F94]  }
0x1a: {  	s8 =	sadd.s32 $0xFFFFE003, lr  }
0x1b: {  	s9 =	sadd.s32 $0xFFFFFEF7, lr;
	s5 =	simm.s32 $0xFFFFFFFF;
	p2 =	slt.u32 s8, $0xFFFFF086  }
0x1c: {  	p1 =	slt.u32 s9, $0xF7A;
	s5 =	simm.s32 @!p2 $0x0  }
0x1d: {  	s5 =	simm.s32 @p1 $0x1;
	p0 =	seq.s32 s7, s2  }
0x1e: {  	s7 =	smul.u32 @!p0 $0xF7A, s2;
	p2 =	seq.s32 @!p0 s5, $0x0  }
0x1f: {  	s9 =	smul.u32 $0xF7A, s1;
	s8 =	simm.s32 @!p0 $0x1BF5;
	p2 =	por !p2, p0  }
0x20: {  	[sflag:s8] =	ssyncset.s32 @!p0 $0xFFFFF086;
	s6 =	sadd.s32 @!p0 s3, s7;
	s7 =	simm.s32 @!p0 $0x108  }
0x21: {  	s3 =	sadd.s32 s3, s9;
	s6 =	sadd.s32 @!p0 $0x88, s6;
	s7 =	simm.s32 @p2 $0x1082  }
0x22: {  	[simem:s7], [sflag:s8] =	dma.local @!p0 [hbm:s6], $0xF7A  }
0x23: {  	s9 =	sor.u32 $0xD0000000, s2;
	s6 =	simm.s32 $0x108;
	_ =	swait.ge @!p0 [sflag:s8], $0x0  }
0x24: {  	s3 =	sadd.s32 $0x88, s3;
	s6 =	simm.s32 @!p1 $0x1082;
	[sflag:s4] =	ssyncset.s32 $0xFFFFF086  }
0x25: {  	[simem:s6], [sflag:s4] =	dma.local [hbm:s3], $0xF7A  }
0x26: {  	[smem:$0x3F94] =	sst s1;
	(tag) =	ssettag s2;
	_ =	strace s9  }
0x27: {  	s1 =	sld [smem:$0x3FA4]  }
0x28: {  	s2 =	sld [smem:$0x3FA5]  }
0x29: {  	s4 =	sld [smem:$0x3FA7]  }
0x2a: {  	p0 =	seq.s32 s5, $0x0;
	s5 =	sld [smem:$0x3FA8]  }
0x2b: {  	s6 =	sld [smem:$0x3FA9]  }
0x2c: {  	s7 =	sld [smem:$0x3FAA]  }
0x2d: {  	s3 =	simm.s32 $0x108;
	s8 =	sld [smem:$0x3FAB]  }
0x2e: {  	s3 =	simm.s32 @!p0 $0x1082;
	s9 =	sld [smem:$0x3FAC]  }
0x2f: {  	lr =	sadd.s32 s0, s3;
	s0 =	sld [smem:$0x3FA3]  }
0x30: {  	s3 =	sld [smem:$0x3FA6]  }
0x31: {  	[smem:$0x3FAF] =	sst s10  }
0x32: {  	s10 =	sld [smem:$0x3FAD];
	_ =	sdelay $0x3  }
0x33: {  	p0 =	seq.s32 s10, $0x1;
	s10 =	sld [smem:$0x3FAF];
	_ =	sdelay $0x3  }
0x34: {  	[smem:$0x3FAF] =	sst s10  }
0x35: {  	s10 =	sld [smem:$0x3FAE];
	_ =	sdelay $0x3  }
0x36: {  	p1 =	seq.s32 s10, $0x1;
	s10 =	sld [smem:$0x3FAF];
	_ =	sdelay $0x3  }
0x37: {  	[smem:$0x3FAF] =	sst s10  }
0x38: {  	s10 =	sld [smem:$0x3FB0]  }
0x39: {  	_ = 	snop;
	(pc) =	sbr.ind lr, $3  }
0x3a: {  	_ = 	snop  }
0x3b: {  	_ = 	snop  }
0x3c: {  	p2 =	seq.s32 s10, $0x1;
	s10 =	sld [smem:$0x3FAF]  }
0x3d: {  	_ =	shalt  }
0x3e: {  	_ =	shalt  }
0x3f: {  	_ =	shalt  }
0x40: {  	_ =	shalt  }
0x41: {  	_ =	shalt  }
0x42: {  	_ =	shalt  }
0x43: {  	_ =	shalt  }
0x44: {  	_ =	shalt  }
0x45: {  	_ =	shalt  }
0x46: {  	_ =	shalt  }
0x47: {  	_ =	shalt  }
0x48: {  	_ =	shalt  }
0x49: {  	_ =	shalt  }
0x4a: {  	_ =	shalt  }
0x4b: {  	_ =	shalt  }
0x4c: {  	_ =	shalt  }
0x4d: {  	_ =	shalt  }
0x4e: {  	_ =	shalt  }
0x4f: {  	_ =	shalt  }
0x50: {  	_ =	shalt  }
0x51: {  	_ =	shalt  }
0x52: {  	_ =	shalt  }
0x53: {  	_ =	shalt  }
0x54: {  	_ =	shalt  }
0x55: {  	_ =	shalt  }
0x56: {  	_ =	shalt  }
0x57: {  	_ =	shalt  }
0x58: {  	_ =	shalt  }
0x59: {  	_ =	shalt  }
0x5a: {  	_ =	shalt  }
0x5b: {  	_ =	shalt  }
0x5c: {  	_ =	shalt  }
0x5d: {  	_ =	shalt  }
0x5e: {  	_ =	shalt  }
0x5f: {  	_ =	shalt  }
0x60: {  	_ =	shalt  }
0x61: {  	_ =	shalt  }
0x62: {  	_ =	shalt  }
0x63: {  	_ =	shalt  }
0x64: {  	_ =	shalt  }
0x65: {  	_ =	shalt  }
0x66: {  	_ =	shalt  }
0x67: {  	_ =	shalt  }
0x68: {  	_ =	shalt  }
0x69: {  	_ =	shalt  }
0x6a: {  	_ =	shalt  }
0x6b: {  	_ =	shalt  }
0x6c: {  	_ =	shalt  }
0x6d: {  	_ =	shalt  }
0x6e: {  	_ =	shalt  }
0x6f: {  	_ =	shalt  }
0x70: {  	_ =	shalt  }
0x71: {  	_ =	shalt  }
0x72: {  	_ =	shalt  }
0x73: {  	_ =	shalt  }
0x74: {  	_ =	shalt  }
0x75: {  	_ =	shalt  }
0x76: {  	_ =	shalt  }
0x77: {  	_ =	shalt  }
0x78: {  	_ =	shalt  }
0x79: {  	_ =	shalt  }
0x7a: {  	_ =	shalt  }
0x7b: {  	_ =	shalt  }
0x7c: {  	_ =	shalt  }
0x7d: {  	_ =	shalt  }
0x7e: {  	_ =	shalt  }
0x7f: {  	_ =	shalt  }
0x80: {  	_ =	shalt  }
0x81: {  	_ =	shalt  }
0x82: {  	_ =	shalt  }
0x83: {  	_ =	shalt  }
0x84: {  	_ =	shalt  }
0x85: {  	_ =	shalt  }
0x86: {  	_ =	shalt  }
0x87: {  	_ =	shalt  }
.Lfunc_end0:
.L_simem_size_0:
called_computation_lowered:
.L_overlay_start_0:
0x88: {  	s2 =	sld [smem:$0x3FD9]  }
0x89: {  	s3 =	sld [smem:$0x3FFE];
	_ =	sdelay $0x1  }
0x8a: {  	s1 =	srdreg.scid  }
0x8b: {  	s0 =	sand.u32 $0x1, s1  }
0x8c: {  	s17 =	sshll.u32 s0, $0xA;
	s2 =	sadd.s32 s3, s2  }
0x8d: {  	s2 =	sadd.s32 s2, s17  }
0x8e: {  	[smem:$0x3FBB] =	sst s2  }
0x8f: {  	_ = 	snop  }
0x90: {  	s2 =	sld [smem:$0x3FD0];
	(tm) =	ssettm $0x1  }
0x91: {  	s18 =	sld [smem:$0x3FFB];
	_ =	sdelay $0x3  }
0x92: {  	_ =	strace s18  }
0x93: {  	s3 =	sld [smem:$0x3FFC];
	_ =	sdelay $0x3  }
0x94: {  	_ =	strace s3  }
0x95: {  	s3 =	sld [smem:$0x3FFD];
	_ =	sdelay $0x3  }
0x96: {  	_ =	strace s3  }
0x97: {  	_ =	strace $0x8FFFFFFF  }
0x98: {  	s19 =	sld [smem:$0x3FDB];
	_ =	sdelay $0x1  }
0x99: {  	s4 =	simm.s32 $_scs_section_size  }
0x9a: {  	s5 =	simm.s32 $_size__tile_overlayer_lowered;
	s6 =	simm.s32 $_tile_overlayer_lowered  }
0x9b: {  	s22 =	simm.s32 $0x1BFF;
	s21 =	sshll.u32 s6, $0x1;
	s3 =	sadd.s32 s4, s19  }
0x9c: {  	s7 =	simm.s32 $0x0;
	s20 =	sshll.u32 s5, $0x1;
	s5 =	sadd.s32 s21, s3  }
0x9d: {  	[timem:s7], [sflag:s22] =	dma.local [hbm:s5], s20  }
0x9e: {  	_ =	swait.ge [sflag:s22], s20  }
0x9f: {  	s4 =	ssub.s32 $0x0, s20;
	[sflag:s22] =	ssyncset.done $0x0  }
0xa0: {  	[sflag:s22] =	ssyncadd.s32 s4;
	_ =	sdelay $0x1  }
0xa1: {  	s23 =	simm.s32 $0x1B8B  }
0xa2: {  	_ =	swait.ge [sflag:s23], $0x1  }
0xa3: {  	[sflag:s23] =	ssyncset.done $0x0  }
0xa4: {  	s25 =	simm.s32 $0x1B8E;
	s24 =	sld [smem:$0x3FFE];
	[sflag:s23] =	ssyncadd.s32 $0xFFFFFFFF  }
0xa5: {  	s26 =	simm.s32 $execute0_lowered;
	[smem:$0x3FD2] =	sst s25  }
0xa6: {  	s5 =	sshll.u32 s26, $0x1;
	_ =	strace $0x80000046;
	[dreg:$0x1] =	wrdreg $0xFFFFFFFF  }
0xa7: {  	s28 =	simm.s32 $_size_execute0_lowered;
	s3 =	sadd.s32 s3, s5;
	[dreg:$0x0] =	wrdreg $0x0  }
0xa8: {  	s5 =	sshll.u32 s28, $0x1;
	[dreg:$0x2] =	wrdreg s3  }
0xa9: {  	[dreg:$0x3] =	wrdreg s5  }
0xaa: {  	[dreg:$0x4] =	wrdreg $0xC0  }
0xab: {  	_ =	task [dreg:s7], $0x5FFFF  }
0xac: {  	[dreg:$0x1] =	wrdreg $0xFFFFFFFF  }
0xad: {  	[dreg:$0x0] =	wrdreg $0x60  }
0xae: {  	[dreg:$0x2] =	wrdreg s2  }
0xaf: {  	[dreg:$0x3] =	wrdreg s24  }
0xb0: {  	[dreg:$0x4] =	wrdreg $0xA8000  }
0xb1: {  	[dreg:$0x5] =	wrdreg $0x1E9000  }
0xb2: {  	[dreg:$0x6] =	wrdreg $0x9  }
0xb3: {  	_ =	task.clear_ibuf [dreg:s7], $0x7FFFF;
	_ =	strace $0x90000046  }
0xb4: {  	s29 =	simm.s32 $0x9;
	_ =	strace $0x80000048  }
0xb5: {  	_ =	swait.ge [sflag:s29], $0x1  }
0xb6: {  	[sflag:s29] =	ssyncadd.s32 $0xFFFFFFFF  }
0xb7: {  	_ =	strace $0x90000048  }
0xb8: {  	_ =	sfence  }
0xb9: {  	s30 =	sld [smem:$0x0];
	_ =	sdelay $0x2  }
0xba: {  	s31 =	sshll.u32 s1, $0xD;
	s1 =	sshrl.u32 s1, $0x2  }
0xbb: {  	s3 =	sand.u32 $0x4000, s31;
	s1 =	sadd.s32 s1, s30  }
0xbc: {  	s0 =	sor.u32 s3, s0;
	s1 =	sshll.u32 s1, $0x11  }
0xbd: {  	s0 =	sor.u32 s1, s0  }
0xbe: {  	s0 =	sadd.s32 $0x8F2B, s0  }
0xbf: {  	[sflag:s0] =	ssyncadd.remote.s32 $0x1  }
0xc0: {  	_ =	sfence.sel $0xFFFF  }
0xc1: {  	[dreg:$0x0] =	wrdreg $0xFFFFFFFF;
	(pc) =	sbr.abs _section_cstart, $3  }
0xc2: {  	[dreg:$0x1] =	wrdreg $0xFFFFFFFF  }
0xc3: {  	_ =	task.clear_ibuf [dreg:s7], $0x2FFFF;
	_ =	strace $0x9FFFFFFF  }
0xc4: {  	(tm) =	ssettm $0x7FFFFFFF  }
0xc5: {  	_ =	shalt  }
tec
execute0_lowered:
.L_overlay_start_1:
0x0: {  	(tag) =	ssettag $0x1  }
0x1: {  	s2 =	rddreg [dreg:$0x0]  }
0x2: {  	s0 =	rddreg [dreg:$0x1]  }
0x3: {  	s3 =	rddreg [dreg:$0x2]  }
0x4: {  	s4 =	rddreg [dreg:$0x3]  }
0x5: {  	s18 =	stileid.u32;
	s21 =	simm.s32 $0x0;
	s10 =	srdreg.scid  }
0x6: {  	s28 =	simm.s32 $0x60;
	s29 =	simm.s32 $0x1800;
	s30 =	simm.s32 $0x80  }
0x7: {  	s31 =	simm.s32 $0x4800;
	s1 =	smul.u32 $0x13800, s18;
	[smem:$0x7FF] =	sst s21  }
0x8: {  	s5 =	smul.u32 $0x270, s18;
	s6 =	sadd.s32 $0x2C00, s0;
	s7 =	sadd.s32 $0x11C00, s0  }
0x9: {  	s10 =	sand.u32 $0x1, s10;
	s11 =	sadd.s32 $0x48400, s0;
	s13 =	smul.u32 $0x4E000, s18  }
0xa: {  	s14 =	sadd.s32 $0x49200, s0;
	s16 =	sshll.u32 s18, $0x1;
	s17 =	sadd.s32 $0x138000, s3  }
0xb: {  	s19 =	sadd.s32 $0x47C00, s0;
	_ =	strace $0x80000047;
	[dreg:$0x5] =	wrdreg s11  }
0xc: {  	s24 =	sadd.s32 $0x2700, s4;
	s25 =	ssub.s32 $0x2, s10;
	[dreg:$0xa] =	wrdreg s17  }
0xd: {  	s16 =	sor.u32 s10, s16;
	[dreg:$0xb] =	wrdreg s19;
	p0 =	seq.s32 s10, $0x0  }
0xe: {  	[dreg:$0xc] =	wrdreg s24;
	s8 =	sshrl.u32 s1, $0x3;
	s9 =	sshrl.u32 s5, $0x3  }
0xf: {  	s15 =	sshrl.u32 s25, $0x1;
	s26 =	sshrl.u32 s13, $0x2;
	s13 =	smul.u32 $0x138800, s10  }
0x10: {  	s22 =	sadd.s32 s5, s4;
	s17 =	smul.u32 $0x3C00, s16;
	s10 =	simm.s32 $0xA00  }
0x11: {  	s8 =	sadd.s32 s8, s0;
	s11 =	sadd.s32 s26, s3;
	[dreg:$0x9] =	wrdreg s22  }
0x12: {  	s12 =	sadd.s32 s9, s0;
	s15 =	ssub.s32 s25, s15;
	[dreg:$0x6] =	wrdreg s11  }
0x13: {  	s8 =	sadd.s32 $0x20C00, s8;
	s11 =	sshll.u32 s18, $0x6;
	s12 =	sadd.s32 $0x47E00, s12  }
0x14: {  	s1 =	sadd.s32 s1, s13;
	s20 =	sshrl.u32 s13, $0x3;
	s25 =	smax.u32 s15, $0x1  }
0x15: {  	s13 =	simm.s32 $0x1EB88;
	s15 =	simm.s32 $0x1600;
	[dreg:$0x7] =	wrdreg s8  }
0x16: {  	s11 =	sor.u32 $0x1C04, s11;
	[dreg:$0x8] =	wrdreg s12;
	s8 =	simm.s32 $0x48600  }
0x17: {  	s1 =	sshrl.u32 s1, $0x3;
	s5 =	sadd.s32 s14, s20;
	[dreg:$0xf] =	wrdreg s25  }
0x18: {  	s25 =	simm.s32 $0x1E880;
	s12 =	simm.s32 $0x1500;
	s8 =	simm.s32 @!p0 $0x48C00  }
0x19: {  	s1 =	sadd.s32 s14, s1;
	s23 =	sadd.s32 $0x27000, s5;
	p0 =	sne.s32 s18, $0xF  }
0x1a: {  	s14 =	simm.s32 $0x1580;
	s18 =	simm.s32 $0x0;
	[dreg:$0xd] =	wrdreg s1  }
0x1b: {  	[dreg:$0xe] =	wrdreg s23;
	s0 =	sadd.s32 s8, s0;
	s23 =	simm.s32 $0x4  }
0x1c: {  	s1 =	simm.s32 $0x1;
	s8 =	simm.s32 $0x2;
	s26 =	sadd.s32 s0, s9  }
0x1d: {  	s0 =	sadd.s32 $0x4E0, s0;
	s9 =	simm.s32 $0x3;
	[dreg:$0x10] =	wrdreg s26  }
0x1e: {  	[dreg:$0x11] =	wrdreg s0;
	s26 =	simm.s32 $0xC00;
	s0 =	simm.s32 $0x7800  }
.LBB2_1:
0x1f: {  	s5 =	rddreg [dreg:$0x6]  }
0x20: {  	s16 =	rddreg [dreg:$0x7];
	s19 =	sshrl.u32 s5, $0x3  }
0x21: {  	[spmem:s19], [sflag:s11] =	dma.local [hbm:s16], $0x2700  }
0x22: {  	_ =	swait.ge [sflag:s23], $0x2700  }
0x23: {  	[sflag:s23] =	ssyncset.done $0x0  }
0x24: {  	s20 =	rddreg [dreg:$0x8];
	[sflag:s23] =	ssyncadd.s32 $0xFFFFD900  }
0x25: {  	[tilespmem:s13], [sflag:$0x4] =	stream.linear.gather [hbm4b:s20+s21], $0x270, $0x38;
	[tilespmem:$0x1EE08] =	vst v63  }
0x26: {  	_ =	swait.ge [sflag:s23], $0x270  }
0x27: {  	[sflag:s23] =	ssyncset.done $0x0  }
0x28: {  	[sflag:s23] =	ssyncadd.s32 $0xFFFFFD90  }
0x29: {  	[spmem:s22] =	stream.linear.scatter [tilespmem:s13], [sflag:$0x4], $0x270, $0x38;
	[tilespmem:$0x1EE08] =	vst v63  }
0x2a: {  	_ =	swait.ge [sflag:s23], $0x270  }
0x2b: {  	[sflag:s23] =	ssyncset.done $0x0  }
0x2c: {  	s22 =	rddreg [dreg:$0x5];
	[sflag:s23] =	ssyncadd.s32 $0xFFFFFD90  }
0x2d: {  	[tilespmem:s25], [sflag:$0x4] =	stream.linear.gather [hbm4b:s22+s21], $0x80, $0x38;
	[tilespmem:$0x1EE08] =	vst v63  }
0x2e: {  	_ =	swait.ge [sflag:s23], $0x80  }
0x2f: {  	[sflag:s23] =	ssyncset.done $0x0;
	s5 =	rddreg [dreg:$0xa]  }
0x30: {  	[sflag:s23] =	ssyncadd.s32 $0xFFFFFF80;
	s20 =	sshrl.u32 @!p0 s5, $0x3;
	s5 =	rddreg [dreg:$0xb]  }
0x31: {  	[spmem:s20], [sflag:s11] =	dma.local @!p0 [hbm:s5], $0x100  }
0x32: {  	s5 =	simm.s32 @!p0 $0x4  }
0x33: {  	_ =	swait.ge @!p0 [sflag:s5], $0x100  }
0x34: {  	[sflag:s5] =	ssyncset.done @!p0 $0x0  }
0x35: {  	s13 =	simm.s32 @!p0 $0x1EB88;
	[sflag:s5] =	ssyncadd.s32 @!p0 $0xFFFFFF00  }
0x36: {  	[spmem:s24] =	stream.linear.scatter @!p0 [tilespmem:s13], [sflag:$0x4], $0x10, $0x38;
	[tilespmem:$0x1EE08] =	vst v63  }
0x37: {  	_ =	swait.ge @!p0 [sflag:s5], $0x10  }
0x38: {  	[sflag:s5] =	ssyncset.done @!p0 $0x0  }
0x39: {  	[sflag:s5] =	ssyncadd.s32 @!p0 $0xFFFFFFF0  }
0x3a: {  	s21 =	simm.s32 $0x0;
	[bflag:$0x0] =	sbarrier.arrive $0xFFFF  }
.LBB2_2:
0x3b: {  	s5 =	smul.u32 $0xC00, s21;
	_ =	sdelay $0x1  }
0x3c: {  	s5 =	sadd.s32 s17, s5  }
0x3d: {  	s5 =	sshrl.u32 s5, $0x3  }
0x3e: {  	s16 =	simm.s32 $0x0;
	s13 =	sadd.s32 s6, s5  }
0x3f: {  	[tilespmem:s16], [sflag:$0x4] =	stream.linear.gather [hbm4b:s13+s16], $0xA80, $0x38;
	[tilespmem:$0x1EE08] =	vst v63  }
0x40: {  	_ =	swait.ge [sflag:s23], $0xA80  }
0x41: {  	[sflag:s23] =	ssyncset.done $0x0  }
0x42: {  	s5 =	sadd.s32 s7, s5;
	[sflag:s23] =	ssyncadd.s32 $0xFFFFF580  }
0x43: {  	[tilespmem:s26], [sflag:$0x4] =	stream.linear.gather [hbm4b:s5+s16], $0xA80, $0x38;
	[tilespmem:$0x1EE08] =	vst v63  }
0x44: {  	_ =	swait.ge [sflag:s23], $0xA80  }
0x45: {  	[sflag:s23] =	ssyncset.done $0x0  }
0x46: {  	[sflag:s23] =	ssyncadd.s32 $0xFFFFF580  }
0x47: {  	[tilespmem:s29], [sflag:$0x1] =	stream.indirect.gather [hbm4b:s2+s28], $0x80, s16, s28, $0xb8;
	[tilespmem:$0x1EE08] =	vst v63  }
0x48: {  	_ = 	snop  }
0x49: {  	[tilespmem:s31], [sflag:$0x2] =	stream.indirect.gather [hbm4b:s2+s28], $0x80, s30, s28, $0xb8;
	[tilespmem:$0x1EE08] =	vst v63  }
0x4a: {  	s22 =	simm.s32 $0x100  }
0x4b: {  	[tilespmem:s0], [sflag:$0x3] =	stream.indirect.gather [hbm4b:s2+s28], $0x80, s22, s28, $0xb8;
	[tilespmem:$0x1EE08] =	vst v63  }
0x4c: {  	_ =	swait.ge [sflag:s1], $0x3000  }
0x4d: {  	[sflag:s1] =	ssyncset.done $0x0  }
0x4e: {  	s24 =	simm.s32 $0xC00;
	[sflag:s1] =	ssyncadd.s32 $0xFFFFD000  }
0x4f: {  	[spmem:s3] =	stream.indirect.scatter.add.f32 [tilespmem:s29], [sflag:$0x4], $0x80, s24, s28, $0xb8;
	[tilespmem:$0x1EE08] =	vst v63  }
0x50: {  	_ =	swait.ge [sflag:s23], $0x3000  }
0x51: {  	[sflag:s23] =	ssyncset.done $0x0  }
0x52: {  	[sflag:s23] =	ssyncadd.s32 $0xFFFFD000  }
0x53: {  	[spmem:s4] =	stream.indirect.scatter.add.f32 [tilespmem:s25], [sflag:$0x4], $0x1, s24, s28, $0xb8;
	[tilespmem:$0x1EE08] =	vst v63  }
0x54: {  	_ =	swait.ge [sflag:s23], $0x60  }
0x55: {  	[sflag:s23] =	ssyncset.done $0x0  }
0x56: {  	s13 =	simm.s32 $0x180;
	[sflag:s23] =	ssyncadd.s32 $0xFFFFFFA0  }
0x57: {  	[tilespmem:s29], [sflag:$0x1] =	stream.indirect.gather [hbm4b:s2+s28], $0x80, s13, s28, $0xb8;
	[tilespmem:$0x1EE08] =	vst v63  }
0x58: {  	_ =	swait.ge [sflag:s8], $0x3000  }
0x59: {  	[sflag:s8] =	ssyncset.done $0x0  }
0x5a: {  	s16 =	simm.s32 $0xC80;
	[sflag:s8] =	ssyncadd.s32 $0xFFFFD000  }
0x5b: {  	[spmem:s3] =	stream.indirect.scatter.add.f32 [tilespmem:s31], [sflag:$0x4], $0x80, s16, s28, $0xb8;
	[tilespmem:$0x1EE08] =	vst v63  }
0x5c: {  	_ =	swait.ge [sflag:s23], $0x3000  }
0x5d: {  	[sflag:s23] =	ssyncset.done $0x0  }
0x5e: {  	[sflag:s23] =	ssyncadd.s32 $0xFFFFD000  }
0x5f: {  	[spmem:s4] =	stream.indirect.scatter.add.f32 [tilespmem:s25], [sflag:$0x4], $0x1, s16, s28, $0xb8;
	[tilespmem:$0x1EE08] =	vst v63  }
0x60: {  	_ =	swait.ge [sflag:s23], $0x60  }
0x61: {  	[sflag:s23] =	ssyncset.done $0x0  }
0x62: {  	s22 =	simm.s32 $0x200;
	[sflag:s23] =	ssyncadd.s32 $0xFFFFFFA0  }
0x63: {  	[tilespmem:s31], [sflag:$0x2] =	stream.indirect.gather [hbm4b:s2+s28], $0x80, s22, s28, $0xb8;
	[tilespmem:$0x1EE08] =	vst v63  }
0x64: {  	_ =	swait.ge [sflag:s9], $0x3000  }
0x65: {  	[sflag:s9] =	ssyncset.done $0x0  }
0x66: {  	s24 =	simm.s32 $0xD00;
	[sflag:s9] =	ssyncadd.s32 $0xFFFFD000  }
0x67: {  	[spmem:s3] =	stream.indirect.scatter.add.f32 [tilespmem:s0], [sflag:$0x4], $0x80, s24, s28, $0xb8;
	[tilespmem:$0x1EE08] =	vst v63  }
0x68: {  	_ =	swait.ge [sflag:s23], $0x3000  }
0x69: {  	[sflag:s23] =	ssyncset.done $0x0  }
0x6a: {  	[sflag:s23] =	ssyncadd.s32 $0xFFFFD000  }
0x6b: {  	[spmem:s4] =	stream.indirect.scatter.add.f32 [tilespmem:s25], [sflag:$0x4], $0x1, s24, s28, $0xb8;
	[tilespmem:$0x1EE08] =	vst v63  }
0x6c: {  	_ =	swait.ge [sflag:s23], $0x60  }
0x6d: {  	s5 =	simm.s32 $0xC00;
	s22 =	simm.s32 $0x180;
	[sflag:s23] =	ssyncset.done $0x0  }
.LBB2_3:
0x6e: {  	s24 =	sadd.s32 $0x100, s22  }
0x6f: {  	[sflag:s23] =	ssyncadd.s32 $0xFFFFFFA0;
	s13 =	smov.u32 s5;
	s16 =	sadd.s32 $0x600, s5  }
0x70: {  	[tilespmem:s0], [sflag:$0x3] =	stream.indirect.gather [hbm4b:s2+s28], $0x80, s24, s28, $0xb8;
	[tilespmem:$0x1EE08] =	vst v63  }
0x71: {  	p1 =	sne.s32 s5, $0x1E00;
	_ =	swait.ge [sflag:s1], $0x3000  }
0x72: {  	[sflag:s1] =	ssyncset.done $0x0  }
0x73: {  	s5 =	sadd.s32 $0xC00, s22;
	[sflag:s1] =	ssyncadd.s32 $0xFFFFD000  }
0x74: {  	[spmem:s3] =	stream.indirect.scatter.add.f32 [tilespmem:s29], [sflag:$0x4], $0x80, s5, s28, $0xb8;
	[tilespmem:$0x1EE08] =	vst v63  }
0x75: {  	_ =	swait.ge [sflag:s23], $0x3000  }
0x76: {  	[sflag:s23] =	ssyncset.done $0x0  }
0x77: {  	[sflag:s23] =	ssyncadd.s32 $0xFFFFD000  }
0x78: {  	[spmem:s4] =	stream.indirect.scatter.add.f32 [tilespmem:s25], [sflag:$0x4], $0x1, s5, s28, $0xb8;
	[tilespmem:$0x1EE08] =	vst v63  }
0x79: {  	_ =	swait.ge [sflag:s23], $0x60  }
0x7a: {  	[sflag:s23] =	ssyncset.done $0x0  }
0x7b: {  	s5 =	sadd.s32 $0x180, s22;
	[sflag:s23] =	ssyncadd.s32 $0xFFFFFFA0  }
0x7c: {  	[tilespmem:s29], [sflag:$0x1] =	stream.indirect.gather [hbm4b:s2+s28], $0x80, s5, s28, $0xb8;
	[tilespmem:$0x1EE08] =	vst v63  }
0x7d: {  	_ =	swait.ge [sflag:s8], $0x3000  }
0x7e: {  	[sflag:s8] =	ssyncset.done $0x0  }
0x7f: {  	s5 =	sadd.s32 $0xC80, s22;
	[sflag:s8] =	ssyncadd.s32 $0xFFFFD000  }
0x80: {  	[spmem:s3] =	stream.indirect.scatter.add.f32 [tilespmem:s31], [sflag:$0x4], $0x80, s5, s28, $0xb8;
	[tilespmem:$0x1EE08] =	vst v63  }
0x81: {  	_ =	swait.ge [sflag:s23], $0x3000  }
0x82: {  	[sflag:s23] =	ssyncset.done $0x0  }
0x83: {  	[sflag:s23] =	ssyncadd.s32 $0xFFFFD000  }
0x84: {  	[spmem:s4] =	stream.indirect.scatter.add.f32 [tilespmem:s25], [sflag:$0x4], $0x1, s5, s28, $0xb8;
	[tilespmem:$0x1EE08] =	vst v63  }
0x85: {  	_ =	swait.ge [sflag:s23], $0x60  }
0x86: {  	[sflag:s23] =	ssyncset.done $0x0  }
0x87: {  	s5 =	sadd.s32 $0x200, s22;
	[sflag:s23] =	ssyncadd.s32 $0xFFFFFFA0  }
0x88: {  	[tilespmem:s31], [sflag:$0x2] =	stream.indirect.gather [hbm4b:s2+s28], $0x80, s5, s28, $0xb8;
	[tilespmem:$0x1EE08] =	vst v63  }
0x89: {  	_ =	swait.ge [sflag:s9], $0x3000  }
0x8a: {  	[sflag:s9] =	ssyncset.done $0x0  }
0x8b: {  	s5 =	sadd.s32 $0xD00, s22;
	[sflag:s9] =	ssyncadd.s32 $0xFFFFD000  }
0x8c: {  	[spmem:s3] =	stream.indirect.scatter.add.f32 [tilespmem:s0], [sflag:$0x4], $0x80, s5, s28, $0xb8;
	[tilespmem:$0x1EE08] =	vst v63  }
0x8d: {  	_ =	swait.ge [sflag:s23], $0x3000  }
.Ltmp0:
0x8e: {  	[sflag:s23] =	ssyncset.done $0x0;
	(pc) =	sbr.rel @p1 .LBB2_3-.Ltmp0, $4  }
0x8f: {  	[sflag:s23] =	ssyncadd.s32 $0xFFFFD000  }
0x90: {  	[spmem:s4] =	stream.indirect.scatter.add.f32 [tilespmem:s25], [sflag:$0x4], $0x1, s5, s28, $0xb8;
	[tilespmem:$0x1EE08] =	vst v63  }
0x91: {  	_ =	swait.ge [sflag:s23], $0x60  }
0x92: {  	s22 =	sshra.s32 s13, $0x2;
	s5 =	smov.u32 s16;
	[sflag:s23] =	ssyncset.done $0x0  }
0x93: {  	s5 =	sadd.s32 $0x100, s22;
	[sflag:s23] =	ssyncadd.s32 $0xFFFFFFA0  }
0x94: {  	[tilespmem:s0], [sflag:$0x3] =	stream.indirect.gather [hbm4b:s2+s28], $0x80, s5, s28, $0xb8;
	[tilespmem:$0x1EE08] =	vst v63  }
0x95: {  	_ =	swait.ge [sflag:s1], $0x3000  }
0x96: {  	[sflag:s1] =	ssyncset.done $0x0  }
0x97: {  	s16 =	sadd.s32 $0xC00, s22;
	[sflag:s1] =	ssyncadd.s32 $0xFFFFD000  }
0x98: {  	[spmem:s3] =	stream.indirect.scatter.add.f32 [tilespmem:s29], [sflag:$0x4], $0x80, s16, s28, $0xb8;
	[tilespmem:$0x1EE08] =	vst v63  }
0x99: {  	_ =	swait.ge [sflag:s23], $0x3000  }
0x9a: {  	[sflag:s23] =	ssyncset.done $0x0  }
0x9b: {  	[sflag:s23] =	ssyncadd.s32 $0xFFFFD000  }
0x9c: {  	[spmem:s4] =	stream.indirect.scatter.add.f32 [tilespmem:s25], [sflag:$0x4], $0x1, s16, s28, $0xb8;
	[tilespmem:$0x1EE08] =	vst v63  }
0x9d: {  	_ =	swait.ge [sflag:s23], $0x60  }
0x9e: {  	[sflag:s23] =	ssyncset.done $0x0  }
0x9f: {  	s24 =	sadd.s32 $0x180, s22;
	[sflag:s23] =	ssyncadd.s32 $0xFFFFFFA0  }
0xa0: {  	[tilespmem:s29], [sflag:$0x1] =	stream.indirect.gather [hbm4b:s2+s28], $0x80, s24, s28, $0xb8;
	[tilespmem:$0x1EE08] =	vst v63  }
0xa1: {  	_ =	swait.ge [sflag:s8], $0x3000  }
0xa2: {  	[sflag:s8] =	ssyncset.done $0x0  }
0xa3: {  	s13 =	sadd.s32 $0xC80, s22;
	[sflag:s8] =	ssyncadd.s32 $0xFFFFD000  }
0xa4: {  	[spmem:s3] =	stream.indirect.scatter.add.f32 [tilespmem:s31], [sflag:$0x4], $0x80, s13, s28, $0xb8;
	[tilespmem:$0x1EE08] =	vst v63  }
0xa5: {  	_ =	swait.ge [sflag:s23], $0x3000  }
0xa6: {  	[sflag:s23] =	ssyncset.done $0x0  }
0xa7: {  	[sflag:s23] =	ssyncadd.s32 $0xFFFFD000  }
0xa8: {  	[spmem:s4] =	stream.indirect.scatter.add.f32 [tilespmem:s25], [sflag:$0x4], $0x1, s13, s28, $0xb8;
	[tilespmem:$0x1EE08] =	vst v63  }
0xa9: {  	_ =	swait.ge [sflag:s23], $0x60  }
0xaa: {  	[sflag:s23] =	ssyncset.done $0x0  }
0xab: {  	s16 =	sadd.s32 $0x200, s22;
	[sflag:s23] =	ssyncadd.s32 $0xFFFFFFA0  }
0xac: {  	[tilespmem:s31], [sflag:$0x2] =	stream.indirect.gather [hbm4b:s2+s28], $0x80, s16, s28, $0xb8;
	[tilespmem:$0x1EE08] =	vst v63  }
0xad: {  	_ =	swait.ge [sflag:s9], $0x3000  }
0xae: {  	[sflag:s9] =	ssyncset.done $0x0  }
0xaf: {  	s24 =	sadd.s32 $0xD00, s22;
	[sflag:s9] =	ssyncadd.s32 $0xFFFFD000  }
0xb0: {  	[spmem:s3] =	stream.indirect.scatter.add.f32 [tilespmem:s0], [sflag:$0x4], $0x80, s24, s28, $0xb8;
	[tilespmem:$0x1EE08] =	vst v63  }
0xb1: {  	_ =	swait.ge [sflag:s23], $0x3000  }
0xb2: {  	[sflag:s23] =	ssyncset.done $0x0  }
0xb3: {  	[sflag:s23] =	ssyncadd.s32 $0xFFFFD000  }
0xb4: {  	[spmem:s4] =	stream.indirect.scatter.add.f32 [tilespmem:s25], [sflag:$0x4], $0x1, s24, s28, $0xb8;
	[tilespmem:$0x1EE08] =	vst v63  }
0xb5: {  	_ =	swait.ge [sflag:s23], $0x60  }
0xb6: {  	[sflag:s23] =	ssyncset.done $0x0  }
0xb7: {  	[sflag:s23] =	ssyncadd.s32 $0xFFFFFFA0  }
0xb8: {  	[tilespmem:s0], [sflag:$0x3] =	stream.indirect.gather [hbm4b:s2+s28], $0x80, s10, s28, $0xb8;
	[tilespmem:$0x1EE08] =	vst v63  }
0xb9: {  	_ =	swait.ge [sflag:s1], $0x3000  }
0xba: {  	[sflag:s1] =	ssyncset.done $0x0  }
0xbb: {  	[sflag:s1] =	ssyncadd.s32 $0xFFFFD000  }
0xbc: {  	[spmem:s3] =	stream.indirect.scatter.add.f32 [tilespmem:s29], [sflag:$0x4], $0x80, s12, s28, $0xb8;
	[tilespmem:$0x1EE08] =	vst v63  }
0xbd: {  	_ =	swait.ge [sflag:s23], $0x3000  }
0xbe: {  	[sflag:s23] =	ssyncset.done $0x0  }
0xbf: {  	[sflag:s23] =	ssyncadd.s32 $0xFFFFD000  }
0xc0: {  	[spmem:s4] =	stream.indirect.scatter.add.f32 [tilespmem:s25], [sflag:$0x4], $0x1, s12, s28, $0xb8;
	[tilespmem:$0x1EE08] =	vst v63  }
0xc1: {  	_ =	swait.ge [sflag:s23], $0x60  }
0xc2: {  	[sflag:s23] =	ssyncset.done $0x0  }
0xc3: {  	[sflag:s23] =	ssyncadd.s32 $0xFFFFFFA0  }
0xc4: {  	_ =	swait.ge [sflag:s8], $0x3000  }
0xc5: {  	[sflag:s8] =	ssyncset.done $0x0  }
0xc6: {  	[sflag:s8] =	ssyncadd.s32 $0xFFFFD000  }
0xc7: {  	[spmem:s3] =	stream.indirect.scatter.add.f32 [tilespmem:s31], [sflag:$0x4], $0x80, s14, s28, $0xb8;
	[tilespmem:$0x1EE08] =	vst v63  }
0xc8: {  	_ =	swait.ge [sflag:s23], $0x3000  }
0xc9: {  	[sflag:s23] =	ssyncset.done $0x0  }
0xca: {  	[sflag:s23] =	ssyncadd.s32 $0xFFFFD000  }
0xcb: {  	[spmem:s4] =	stream.indirect.scatter.add.f32 [tilespmem:s25], [sflag:$0x4], $0x1, s14, s28, $0xb8;
	[tilespmem:$0x1EE08] =	vst v63  }
0xcc: {  	_ =	swait.ge [sflag:s23], $0x60  }
0xcd: {  	[sflag:s23] =	ssyncset.done $0x0  }
0xce: {  	[sflag:s23] =	ssyncadd.s32 $0xFFFFFFA0  }
0xcf: {  	_ =	swait.ge [sflag:s9], $0x3000  }
0xd0: {  	[sflag:s9] =	ssyncset.done $0x0  }
0xd1: {  	[sflag:s9] =	ssyncadd.s32 $0xFFFFD000  }
0xd2: {  	[spmem:s3] =	stream.indirect.scatter.add.f32 [tilespmem:s0], [sflag:$0x4], $0x80, s15, s28, $0xb8;
	[tilespmem:$0x1EE08] =	vst v63  }
0xd3: {  	s21 =	sadd.s32 $0x1, s21;
	_ =	swait.ge [sflag:s23], $0x3000  }
0xd4: {  	p1 =	sne.s32 s21, $0x5;
	[sflag:s23] =	ssyncset.done $0x0  }
.Ltmp1:
0xd5: {  	[sflag:s23] =	ssyncadd.s32 $0xFFFFD000;
	(pc) =	sbr.rel @p1 .LBB2_2-.Ltmp1, $4  }
0xd6: {  	[spmem:s4] =	stream.indirect.scatter.add.f32 [tilespmem:s25], [sflag:$0x4], $0x1, s15, s28, $0xb8;
	[tilespmem:$0x1EE08] =	vst v63  }
0xd7: {  	_ =	swait.ge [sflag:s23], $0x60  }
0xd8: {  	[sflag:s23] =	ssyncset.done $0x0  }
0xd9: {  	[sflag:s23] =	ssyncadd.s32 $0xFFFFFFA0  }
0xda: {  	[bflag:$0x0] =	sbarrier.arrive $0xFFFF  }
0xdb: {  	s5 =	rddreg [dreg:$0xd]  }
0xdc: {  	[hbm:s5], [sflag:s11] =	dma.local [spmem:s19], $0x2700  }
0xdd: {  	_ =	swait.ge [sflag:s23], $0x2700  }
0xde: {  	[sflag:s23] =	ssyncset.done $0x0  }
0xdf: {  	s13 =	simm.s32 $0x1EB88;
	s22 =	rddreg [dreg:$0x9];
	[sflag:s23] =	ssyncadd.s32 $0xFFFFD900  }
0xe0: {  	[tilespmem:s13], [sflag:$0x4] =	stream.linear.gather [spmem:s22], $0x270, $0x38;
	[tilespmem:$0x1EE08] =	vst v63  }
0xe1: {  	_ =	swait.ge [sflag:s23], $0x270  }
0xe2: {  	[sflag:s23] =	ssyncset.done $0x0  }
0xe3: {  	s21 =	simm.s32 $0x0;
	s19 =	rddreg [dreg:$0x10];
	[sflag:s23] =	ssyncadd.s32 $0xFFFFFD90  }
0xe4: {  	[hbm4b:s19+s21] =	stream.linear.scatter [tilespmem:s13], [sflag:$0x4], $0x270, $0x38;
	[tilespmem:$0x1EE08] =	vst v63  }
0xe5: {  	_ =	swait.ge [sflag:s23], $0x270  }
0xe6: {  	[sflag:s23] =	ssyncset.done $0x0  }
0xe7: {  	s5 =	rddreg [dreg:$0xe];
	[sflag:s23] =	ssyncadd.s32 $0xFFFFFD90  }
0xe8: {  	[hbm:s5], [sflag:s11] =	dma.local @!p0 [spmem:s20], $0x100  }
0xe9: {  	s5 =	simm.s32 @!p0 $0x4  }
0xea: {  	_ =	swait.ge @!p0 [sflag:s5], $0x100  }
0xeb: {  	[sflag:s5] =	ssyncset.done @!p0 $0x0  }
0xec: {  	s13 =	simm.s32 @!p0 $0x1EB88;
	s24 =	rddreg [dreg:$0xc];
	[sflag:s5] =	ssyncadd.s32 @!p0 $0xFFFFFF00  }
0xed: {  	[tilespmem:s13], [sflag:$0x4] =	stream.linear.gather @!p0 [spmem:s24], $0x10, $0x38;
	[tilespmem:$0x1EE08] =	vst v63  }
0xee: {  	_ =	swait.ge @!p0 [sflag:s5], $0x10  }
0xef: {  	[sflag:s5] =	ssyncset.done @!p0 $0x0  }
0xf0: {  	s16 =	simm.s32 @!p0 $0x0;
	s19 =	rddreg [dreg:$0x11];
	[sflag:s5] =	ssyncadd.s32 @!p0 $0xFFFFFFF0  }
0xf1: {  	[hbm4b:s19+s16] =	stream.linear.scatter @!p0 [tilespmem:s13], [sflag:$0x4], $0x10, $0x38;
	[tilespmem:$0x1EE08] =	vst v63  }
0xf2: {  	_ =	swait.ge @!p0 [sflag:s5], $0x10  }
0xf3: {  	s18 =	sadd.s32 $0x1, s18;
	s20 =	rddreg [dreg:$0xf]  }
0xf4: {  	p1 =	sne.s32 s18, s20  }
.Ltmp2:
0xf5: {  	_ = 	snop;
	(pc) =	sbr.rel @p1 .LBB2_1-.Ltmp2, $3  }
0xf6: {  	_ =	sdelay $0x1  }
0xf7: {  	[sflag:s5] =	ssyncset.done @!p0 $0x0  }
0xf8: {  	s13 =	simm.s32 $0x1EB88;
	[sflag:s5] =	ssyncadd.s32 @!p0 $0xFFFFFFF0  }
0xf9: {  	_ =	sfence.sel $0x180000  }
0xfa: {  	[bflag:$0x0] =	sbarrier.arrive $0xFFFF  }
0xfb: {  	_ =	strace $0x90000047  }
0xfc: {  	s0 =	stileid.u32;
	[bflag:$0x2] =	sbarrier.arrive $0xFFFF  }
0xfd: {  	p0 =	sne.s32 s0, $0x0;
	s0 =	rddreg [dreg:$0x4]  }
0xfe: {  	s0 =	sadd.s32 @!p0 $0x100000, s0  }
0xff: {  	[sflag:s0] =	ssyncadd.tile.s32 @!p0 $0x1;
	_ =	shalt  }
.Lfunc_end2:
_tile_overlayer_lowered:
.L_overlay_start_2:
0x100: {  	(tag) =	ssettag $0x2  }
0x101: {  	s0 =	rddreg [dreg:$0x0];
	s2 =	stileid.u32  }
0x102: {  	s1 =	rddreg [dreg:$0x1];
	p0 =	sne.s32 s2, $0x0  }
0x103: {  	s3 =	rddreg [dreg:$0x2];
	[bflag:$0x3] =	sbarrier.arrive $0xFFFF;
	s2 =	simm.s32 @!p0 $0x1C04  }
0x104: {  	[timem:s3], [sflag:s2] =	dma.local @!p0 [hbm:s0], s1  }
0x105: {  	s0 =	simm.s32 @!p0 $0x4  }
0x106: {  	_ =	swait.ge @!p0 [sflag:s0], s1  }
0x107: {  	s1 =	ssub.s32 @!p0 $0x0, s1;
	[sflag:s0] =	ssyncset.done @!p0 $0x0  }
0x108: {  	[sflag:s0] =	ssyncadd.s32 @!p0 s1  }
0x109: {  	[bflag:$0x3] =	sbarrier.arrive $0xFFFF  }
0x10a: {  	_ =	shalt  }

</sc_bundles>
